<compile_context>
chip_gen: v7x
topology: tpu7x:2x2x1
jax: 0.10.2.dev20260603
libtpu: 0.0.44.dev20260713+nightly
codegen_flags: <defaults>
</compile_context>

<pallas_src>
import jax
import jax.numpy as jnp
from jax import lax
from jax.experimental import pallas as pl
from jax.experimental.pallas import tpu as pltpu
from jax.experimental.pallas import tpu_sc as plsc

B = 4
N = 8192
K = 1024
R0SQ = 0.2 * 0.2
R1SQ = 0.4 * 0.4
NN0 = 16
NN1 = 32
NW = 32
KPW = (B * K) // NW
P0 = 64
P1 = 80


CH = 1
KCH = K // CH
KPWC = (B * KCH) // NW


def _fps_body(px, py, pz, idxo):
    x = px[...]
    y = py[...]
    z = pz[...]
    jio = (lax.broadcasted_iota(jnp.int32, (B, 8, 1024), 1) * 1024
           + lax.broadcasted_iota(jnp.int32, (B, 8, 1024), 2))
    kio = lax.broadcasted_iota(jnp.int32, (B, KCH), 1)

    def body(i, carry):
        dists, fa = carry
        hot = jio == fa
        cx = jnp.sum(jnp.where(hot, x, 0.0), axis=(1, 2), keepdims=True)
        cy = jnp.sum(jnp.where(hot, y, 0.0), axis=(1, 2), keepdims=True)
        cz = jnp.sum(jnp.where(hot, z, 0.0), axis=(1, 2), keepdims=True)
        colm = kio == i
        idxo[...] = jnp.where(colm, fa[:, 0, :], idxo[...])
        dx = x - cx
        dy = y - cy
        dz = z - cz
        d = dx * dx + dy * dy + dz * dz
        dists = jnp.minimum(dists, d)
        m = jnp.max(dists, axis=(1, 2), keepdims=True)
        fa = jnp.min(jnp.where(dists == m, jio, N), axis=(1, 2), keepdims=True)
        return dists, fa

    dists0 = jnp.full((B, 8, 1024), 1e10, jnp.float32)
    fa0 = jnp.zeros((B, 1, 1), jnp.int32)
    lax.fori_loop(0, K, body, (dists0, fa0))


def _fps(px3, py3, pz3):
    return pl.pallas_call(
        _fps_body,
        out_shape=jax.ShapeDtypeStruct((B, K), jnp.int32),
    )(px3, py3, pz3)



def _prep_body(pts, ft, w1x0, w1f0, b1_0, w1x1, w1f1, b1_1, h0, h1):
    p = pts[0]
    f = ft[0]
    hp = jax.lax.Precision.DEFAULT
    h0[0] = (jnp.dot(p, w1x0[...], precision=hp)
             + jnp.dot(f, w1f0[...], precision=hp) + b1_0[...])
    h1[0] = (jnp.dot(p, w1x1[...], precision=hp)
             + jnp.dot(f, w1f1[...], precision=hp) + b1_1[...])


def _prep(pts, ft, w1x0, w1f0, b1_0, w1x1, w1f1, b1_1):
    out = jax.ShapeDtypeStruct((B, N, 32), jnp.float32)
    full = lambda shape: pl.BlockSpec(shape, lambda b: (0,) * len(shape))
    return pl.pallas_call(
        _prep_body,
        grid=(B,),
        in_specs=[
            pl.BlockSpec((1, N, 3), lambda b: (b, 0, 0)),
            pl.BlockSpec((1, N, 16), lambda b: (b, 0, 0)),
            full((3, 32)), full((16, 32)), full((1, 32)),
            full((3, 32)), full((16, 32)), full((1, 32)),
        ],
        out_specs=(pl.BlockSpec((1, N, 32), lambda b: (b, 0, 0)),) * 2,
        out_shape=(out, out),
    )(pts, ft, w1x0, w1f0, b1_0, w1x1, w1f1, b1_1)



def _ballq_body(pxh, pyh, pzh, idxh, i0h, i1h, sxh, syh, szh,
                pxv, pyv, pzv, idxv, sxv, syv, szv, i0v, i1v):
    wid = lax.axis_index("s") * 2 + lax.axis_index("c")
    b = wid // 8
    joff = b * N
    pltpu.sync_copy(pxh.at[b], pxv)
    pltpu.sync_copy(pyh.at[b], pyv)
    pltpu.sync_copy(pzh.at[b], pzv)
    pltpu.sync_copy(idxh.at[pl.ds(wid * KPWC, KPWC)], idxv)

    lane = lax.iota(jnp.int32, 16)

    def gath(g, _):
        iv = idxv[pl.ds(g * 16, 16)]
        sxv[pl.ds(g * 16, 16)] = plsc.load_gather(pxv, [iv])
        syv[pl.ds(g * 16, 16)] = plsc.load_gather(pyv, [iv])
        szv[pl.ds(g * 16, 16)] = plsc.load_gather(pzv, [iv])
        return 0

    lax.fori_loop(0, KPWC // 16, gath, 0)
    pltpu.sync_copy(sxv.at[pl.ds(0, KPWC)], sxh.at[pl.ds(wid * KPWC, KPWC)])
    pltpu.sync_copy(syv.at[pl.ds(0, KPWC)], syh.at[pl.ds(wid * KPWC, KPWC)])
    pltpu.sync_copy(szv.at[pl.ds(0, KPWC)], szh.at[pl.ds(wid * KPWC, KPWC)])

    def scan_k(k, _):
        cx = sxv[pl.ds(k, 16)][0]
        cy = syv[pl.ds(k, 16)][0]
        cz = szv[pl.ds(k, 16)][0]
        base0 = k * P0
        base1 = k * P1

        def cond(st):
            c, n0, n1 = st
            return jnp.logical_and(
                c < N // 32,
                jnp.logical_or(n0 < NN0, n1 < NN1))

        def d2at(off):
            vx = pxv[pl.ds(off, 16)]
            vy = pyv[pl.ds(off, 16)]
            vz = pzv[pl.ds(off, 16)]
            dx = vx - cx
            dy = vy - cy
            dz = vz - cz
            return dx * dx + dy * dy + dz * dz

        def body(st):
            c, n0, n1 = st
            offa = c * 32
            offb = offa + 16
            d2a = d2at(offa)
            d2b = d2at(offb)
            g0 = n0 < NN0
            g1 = n1 < NN1
            m0a = jnp.logical_and(d2a < R0SQ, g0)
            m0b = jnp.logical_and(d2b < R0SQ, g0)
            m1a = jnp.logical_and(d2a < R1SQ, g1)
            m1b = jnp.logical_and(d2b < R1SQ, g1)
            p0a = plsc.cumsum(m0a.astype(jnp.int32))
            p0b = plsc.cumsum(m0b.astype(jnp.int32))
            p1a = plsc.cumsum(m1a.astype(jnp.int32))
            p1b = plsc.cumsum(m1b.astype(jnp.int32))
            jga = lane + (offa + joff)
            jgb = lane + (offb + joff)
            t0a = p0a[15]
            t1a = p1a[15]
            plsc.store_scatter(i0v, [(base0 + n0 - 1) + p0a], jga, mask=m0a)
            plsc.store_scatter(i0v, [(base0 + n0 - 1 + t0a) + p0b], jgb,
                               mask=m0b)
            plsc.store_scatter(i1v, [(base1 + n1 - 1) + p1a], jga, mask=m1a)
            plsc.store_scatter(i1v, [(base1 + n1 - 1 + t1a) + p1b], jgb,
                               mask=m1b)
            return c + 1, n0 + t0a + p0b[15], n1 + t1a + p1b[15]

        z32 = jnp.int32(0)
        _, n0, n1 = lax.while_loop(cond, body, (z32, z32, z32))

        row0 = i0v[pl.ds(base0, 16)]
        first0 = jnp.full((16,), row0[0], jnp.int32)
        i0v[pl.ds(base0, 16)] = jnp.where(lane < n0, row0, first0)
        rowa = i1v[pl.ds(base1, 16)]
        rowb = i1v[pl.ds(base1 + 16, 16)]
        first1 = jnp.full((16,), rowa[0], jnp.int32)
        i1v[pl.ds(base1, 16)] = jnp.where(lane < n1, rowa, first1)
        i1v[pl.ds(base1 + 16, 16)] = jnp.where(lane + 16 < n1, rowb, first1)
        return 0

    lax.fori_loop(0, KPWC, scan_k, 0)
    pltpu.sync_copy(i0v, i0h.at[pl.ds(wid * (KPWC * P0), KPWC * P0)])
    pltpu.sync_copy(i1v, i1h.at[pl.ds(wid * (KPWC * P1), KPWC * P1)])


def _ballq(px, py, pz, idxw):
    mesh = plsc.VectorSubcoreMesh(core_axis_name="c", subcore_axis_name="s")
    f = pl.kernel(
        _ballq_body,
        out_type=(
            jax.ShapeDtypeStruct((B * KCH * P0,), jnp.int32),
            jax.ShapeDtypeStruct((B * KCH * P1,), jnp.int32),
            jax.ShapeDtypeStruct((NW * KPWC,), jnp.float32),
            jax.ShapeDtypeStruct((NW * KPWC,), jnp.float32),
            jax.ShapeDtypeStruct((NW * KPWC,), jnp.float32),
        ),
        mesh=mesh,
        compiler_params=pltpu.CompilerParams(needs_layout_passes=False),
        scratch_types=[
            pltpu.VMEM((N,), jnp.float32),
            pltpu.VMEM((N,), jnp.float32),
            pltpu.VMEM((N,), jnp.float32),
            pltpu.VMEM((KPWC,), jnp.int32),
            pltpu.VMEM((KPWC + 16,), jnp.float32),
            pltpu.VMEM((KPWC + 16,), jnp.float32),
            pltpu.VMEM((KPWC + 16,), jnp.float32),
            pltpu.VMEM((KPWC * P0,), jnp.int32),
            pltpu.VMEM((KPWC * P1,), jnp.int32),
        ],
    )
    return f(px, py, pz, idxw)



def _gather_body(h0h, h1h, i0h, i1h, g0h, g1h, i0v, i1v, big, sem):
    wid = lax.axis_index("s") * 2 + lax.axis_index("c")
    pltpu.sync_copy(i0h.at[wid], i0v)
    pltpu.sync_copy(i1h.at[wid], i1v)
    rpr = KPW * NN0

    def round_(tbl, idxv, cbase, outh, obase):
        for c in range(rpr // 128):
            pltpu.async_copy(tbl.at[idxv.at[cbase + c]],
                             big.at[pl.ds(c * 128, 128), :], sem)
        pltpu.make_async_copy(tbl.at[pl.ds(0, rpr), :], big, sem).wait()
        pltpu.sync_copy(big, outh.at[pl.ds(obase, rpr), :])

    round_(h0h, i0v, 0, g0h, wid * rpr)
    round_(h1h, i1v, 0, g1h, wid * 2 * rpr)
    round_(h1h, i1v, rpr // 128, g1h, wid * 2 * rpr + rpr)


def _gather(h0, h1, i0r, i1r):
    mesh = plsc.VectorSubcoreMesh(core_axis_name="c", subcore_axis_name="s")
    f = pl.kernel(
        _gather_body,
        out_type=(
            jax.ShapeDtypeStruct((B * K * NN0, 32), jnp.float32),
            jax.ShapeDtypeStruct((B * K * NN1, 32), jnp.float32),
        ),
        mesh=mesh,
        compiler_params=pltpu.CompilerParams(
            needs_layout_passes=False, use_tc_tiling_on_sc=False),
        scratch_types=[
            pltpu.VMEM(((KPW * NN0) // 128, 128), jnp.int32),
            pltpu.VMEM(((KPW * NN1) // 128, 128), jnp.int32),
            pltpu.VMEM((KPW * NN0, 32), jnp.float32),
            pltpu.SemaphoreType.DMA,
        ],
    )
    return f(h0, h1, i0r, i1r)



def _mlp_body(samp, g0, g1, w1x0, w1x1, w2_0, b2_0, w3_0, b3_0,
              w2_1, b2_1, w3_1, b3_1, wagg, bagg, out):
    hp = jax.lax.Precision.DEFAULT
    cdim = (((0,), (0,)), ((), ()))
    s3 = samp[0]
    c10 = lax.dot_general(s3, w1x0[...], cdim, precision=hp)
    c11 = lax.dot_general(s3, w1x1[...], cdim, precision=hp)

    h = g0[0].reshape(128, NN0, 32) - c10.reshape(128, 1, 32)
    h = jnp.maximum(h, 0.0).reshape(128 * NN0, 32)
    h = jnp.maximum(jnp.dot(h, w2_0[...], precision=hp) + b2_0[...], 0.0)
    h = jnp.maximum(jnp.dot(h, w3_0[...], precision=hp) + b3_0[...], 0.0)
    f0 = jnp.max(h.reshape(128, NN0, 64), axis=1)

    h = g1[0].reshape(128, NN1, 32) - c11.reshape(128, 1, 32)
    h = jnp.maximum(h, 0.0).reshape(128 * NN1, 32)
    h = jnp.maximum(jnp.dot(h, w2_1[...], precision=hp) + b2_1[...], 0.0)
    h = jnp.maximum(jnp.dot(h, w3_1[...], precision=hp) + b3_1[...], 0.0)
    f1 = jnp.max(h.reshape(128, NN1, 64), axis=1)

    cat = jnp.concatenate([f0, f1], axis=1)
    out[0] = jnp.maximum(jnp.dot(cat, wagg[...], precision=hp) + bagg[...], 0.0)


def _mlp(samp, g0, g1, w1x0, w1x1, w2_0, b2_0, w3_0, b3_0,
         w2_1, b2_1, w3_1, b3_1, wagg, bagg):
    nt = (B * K) // 128
    full = lambda shape: pl.BlockSpec(shape, lambda t: (0,) * len(shape))
    return pl.pallas_call(
        _mlp_body,
        grid=(nt,),
        in_specs=[
            pl.BlockSpec((1, 3, 128), lambda t: (t, 0, 0)),
            pl.BlockSpec((1, 128 * NN0, 32), lambda t: (t, 0, 0)),
            pl.BlockSpec((1, 128 * NN1, 32), lambda t: (t, 0, 0)),
            full((3, 32)), full((3, 32)),
            full((32, 32)), full((1, 32)), full((32, 64)), full((1, 64)),
            full((32, 32)), full((1, 32)), full((32, 64)), full((1, 64)),
            full((128, 64)), full((1, 64)),
        ],
        out_specs=pl.BlockSpec((1, 128, 64), lambda t: (t, 0, 0)),
        out_shape=jax.ShapeDtypeStruct((nt, 128, 64), jnp.float32),
    )(samp, g0, g1, w1x0, w1x1, w2_0, b2_0, w3_0, b3_0,
      w2_1, b2_1, w3_1, b3_1, wagg, bagg)



def kernel(points, features, w0_0, b0_0, w0_1, b0_1, w0_2, b0_2,
           w1_0, b1_0, w1_1, b1_1, w1_2, b1_2, w_agg, b_agg):
    px = points[:, :, 0]
    py = points[:, :, 1]
    pz = points[:, :, 2]

    idxs = _fps(px.reshape(B, 8, 1024), py.reshape(B, 8, 1024),
                pz.reshape(B, 8, 1024))
    bq = [_ballq(px, py, pz, idxs.reshape(-1))]

    feats_t = jnp.transpose(features, (0, 2, 1))
    h0, h1 = _prep(points, feats_t,
                   w0_0[:, :3].T, w0_0[:, 3:].T, b0_0.reshape(1, 32),
                   w1_0[:, :3].T, w1_0[:, 3:].T, b1_0.reshape(1, 32))
    h0 = h0.reshape(B * N, 32)
    h1 = h1.reshape(B * N, 32)

    cat = lambda xs, shp: jnp.concatenate(
        [a.reshape(shp) for a in xs], axis=1)
    sx = cat([t[2] for t in bq], (B, KCH))
    sy = cat([t[3] for t in bq], (B, KCH))
    sz = cat([t[4] for t in bq], (B, KCH))
    sampled = jnp.stack([sx, sy, sz], axis=-1)
    i0 = cat([t[0] for t in bq], (B, KCH, P0)).reshape(B * K, P0)[:, :NN0]
    i1 = cat([t[1] for t in bq], (B, KCH, P1)).reshape(B * K, P1)[:, :NN1]

    g0, g1 = _gather(h0, h1,
                     i0.reshape(NW, (KPW * NN0) // 128, 128),
                     i1.reshape(NW, (KPW * NN1) // 128, 128))

    snap = (sampled.reshape(B, 8, 128, 3).transpose(0, 1, 3, 2)
            .reshape((B * K) // 128, 3, 128))
    newf = _mlp(snap,
                g0.reshape((B * K) // 128, 128 * NN0, 32),
                g1.reshape((B * K) // 128, 128 * NN1, 32),
                w0_0[:, :3].T, w1_0[:, :3].T,
                w0_1.T, b0_1.reshape(1, 32), w0_2.T, b0_2.reshape(1, 64),
                w1_1.T, b1_1.reshape(1, 32), w1_2.T, b1_2.reshape(1, 64),
                w_agg.T, b_agg.reshape(1, 64))
    newf = newf.reshape(B, K, 64)
    return sampled, jnp.transpose(newf, (0, 2, 1))

# --- scband reference (transcript-rebuilt; emitter-appended) ---
"""Pipeline reference for scband-point-net2-samsg-27608049778807 (READ-ONLY COPY).

The authoritative reference and input builder live on the scoring server;
editing this copy changes nothing except your own understanding.
"""

import jax, jax.numpy as jnp
import numpy as np

NUM_POINTS = 1024
RADII = (0.2, 0.4)
NUM_NEIGHBORS = (16, 32)
MLPS = ((32, 32, 64), (32, 32, 64))
IN_CHANNELS = 16
AGG_CHANNELS = 64


def setup_inputs(seed: int = 0) -> dict:
    key = jax.random.key(seed)
    ks = jax.random.split(key, 20)
    points = jax.random.uniform(ks[0], (4, 8192, 3), dtype=jnp.float32)
    features = jax.random.normal(ks[1], (4, 16, 8192), dtype=jnp.float32)
    inp = {"points": points, "features": features}
    kidx = 2
    for s, chans in enumerate(MLPS):
        prev = IN_CHANNELS + 3
        for l, c in enumerate(chans):
            inp[f"w{s}_{l}"] = jax.random.normal(ks[kidx], (c, prev), dtype=jnp.float32) * 0.05
            kidx += 1
            inp[f"b{s}_{l}"] = jnp.zeros((c,), dtype=jnp.float32)
            prev = c
    total = sum(ch[-1] for ch in MLPS)
    inp["w_agg"] = jax.random.normal(ks[kidx], (AGG_CHANNELS, total), dtype=jnp.float32) * 0.05
    inp["b_agg"] = jnp.zeros((AGG_CHANNELS,), dtype=jnp.float32)
    return inp


def fps(points, K):
    # farthest point sampling (d-fps)
    B, N, _ = points.shape

    def body(i, state):
        idxs, dists, farthest = state
        idxs = idxs.at[:, i].set(farthest)
        centroid = jnp.take_along_axis(points, farthest[:, None, None].astype(jnp.int32).repeat(3, axis=2), axis=1)
        d = jnp.sum((points - centroid) ** 2, axis=-1)
        dists = jnp.minimum(dists, d)
        farthest = jnp.argmax(dists, axis=1).astype(jnp.int32)
        return idxs, dists, farthest

    idxs0 = jnp.zeros((B, K), dtype=jnp.int32)
    dists0 = jnp.full((B, N), 1e10, dtype=points.dtype)
    far0 = jnp.zeros((B,), dtype=jnp.int32)
    idxs, _, _ = jax.lax.fori_loop(0, K, body, (idxs0, dists0, far0))
    return idxs


def ball_query(sampled, points, radius, nn):
    # indices of first nn points within radius of each centroid
    N = points.shape[1]
    d2 = jnp.sum((sampled[:, :, None, :] - points[:, None, :, :]) ** 2, axis=-1)
    mask = d2 < radius ** 2
    idx = jnp.where(mask, jnp.arange(N, dtype=jnp.int32)[None, None, :], N)
    idx = jnp.sort(idx, axis=-1)[:, :, :nn]
    first = idx[:, :, :1]
    idx = jnp.where(idx == N, first, idx)
    idx = jnp.minimum(idx, N - 1)
    return idx


def reference(points, features, w0_0, b0_0, w0_1, b0_1, w0_2, b0_2, w1_0, b1_0, w1_1, b1_1, w1_2, b1_2, w_agg, b_agg):
    idxs = fps(points, NUM_POINTS)
    sampled = jnp.take_along_axis(points, idxs[:, :, None].repeat(3, axis=2), axis=1)
    feats_t = jnp.transpose(features, (0, 2, 1))  # [B, N, C]
    B = points.shape[0]
    bidx = jnp.arange(B)[:, None, None]
    scale_ws = (((w0_0, b0_0), (w0_1, b0_1), (w0_2, b0_2)),
                ((w1_0, b1_0), (w1_1, b1_1), (w1_2, b1_2)))
    outs = []
    for r, nn, ws in zip(RADII, NUM_NEIGHBORS, scale_ws):
        idx = ball_query(sampled, points, r, nn)  # [B, K, nn]
        gx = points[bidx, idx] - sampled[:, :, None, :]  # [B, K, nn, 3]
        gf = feats_t[bidx, idx]  # [B, K, nn, C]
        h = jnp.concatenate([gx, gf], axis=-1)
        for W, b in ws:
            h = jax.nn.relu(jnp.einsum('bknc,oc->bkno', h, W) + b)
        outs.append(jnp.max(h, axis=2))  # [B, K, out]
    cat = jnp.concatenate(outs, axis=-1)  # [B, K, 128]
    new_feats = jax.nn.relu(jnp.einsum('bkc,oc->bko', cat, w_agg) + b_agg)
    return sampled, jnp.transpose(new_feats, (0, 2, 1))

if __name__ == "__main__":
    import jax
    _d = setup_inputs()
    print(jax.jit(kernel)(*tuple(_d.values())))

</pallas_src>

<mosaic_0001>
#map = affine_map<(d0, d1) -> (0, 0)>
#map1 = affine_map<(d0, d1) -> (0)>
module attributes {stable_mosaic.version = 14 : i64} {
  func.func @_ballq_body(%arg0: i32, %arg1: i32, %arg2: memref<4x8192xf32, #tpu.memory_space<hbm>>, %arg3: memref<4x8192xf32, #tpu.memory_space<hbm>>, %arg4: memref<4x8192xf32, #tpu.memory_space<hbm>>, %arg5: memref<4096xi32, #tpu.memory_space<hbm>>, %arg6: memref<262144xi32, #tpu.memory_space<hbm>>, %arg7: memref<327680xi32, #tpu.memory_space<hbm>>, %arg8: memref<4096xf32, #tpu.memory_space<hbm>>, %arg9: memref<4096xf32, #tpu.memory_space<hbm>>, %arg10: memref<4096xf32, #tpu.memory_space<hbm>>, %arg11: memref<8192xf32, #tpu.memory_space<vmem>>, %arg12: memref<8192xf32, #tpu.memory_space<vmem>>, %arg13: memref<8192xf32, #tpu.memory_space<vmem>>, %arg14: memref<128xi32, #tpu.memory_space<vmem>>, %arg15: memref<144xf32, #tpu.memory_space<vmem>>, %arg16: memref<144xf32, #tpu.memory_space<vmem>>, %arg17: memref<144xf32, #tpu.memory_space<vmem>>, %arg18: memref<8192xi32, #tpu.memory_space<vmem>>, %arg19: memref<10240xi32, #tpu.memory_space<vmem>>) attributes {dimension_semantics = [#tpu.dimension_semantics<core_parallel>, #tpu.dimension_semantics<subcore_parallel>], iteration_bounds = array<i64: 2, 16>, scalar_prefetch = 0 : i64, scratch_operands = 9 : i64, tpu.core_type = #tpu.core_type<sc_vector_subcore>, window_params = [{transform_indices = #map}, {transform_indices = #map}, {transform_indices = #map}, {transform_indices = #map1}, {transform_indices = #map1}, {transform_indices = #map1}, {transform_indices = #map1}, {transform_indices = #map1}, {transform_indices = #map1}]} {
    %mul3A = arith.constant 2 : i32
    %mul3A_0 = arith.muli %arg1, %mul3A : i32
    %add3A = arith.addi %mul3A_0, %arg0 : i32
    %jit3A = arith.constant 8 : i32
    %div3A = arith.divsi %add3A, %jit3A : i32
    %sign3A = arith.constant 0 : i32
    %sign3A_1 = arith.cmpi sgt, %add3A, %sign3A : i32
    %sign3A_2 = arith.extui %sign3A_1 : i1 to i32
    %sign3A_3 = arith.constant 0 : i32
    %sign3A_4 = arith.cmpi slt, %add3A, %sign3A_3 : i32
    %sign3A_5 = arith.extui %sign3A_4 : i1 to i32
    %sign3A_6 = arith.subi %sign3A_2, %sign3A_5 : i32
    %sign3A_7 = arith.constant 0 : i32
    %sign3A_8 = arith.cmpi sgt, %jit3A, %sign3A_7 : i32
    %sign3A_9 = arith.extui %sign3A_8 : i1 to i32
    %sign3A_10 = arith.constant 0 : i32
    %sign3A_11 = arith.cmpi slt, %jit3A, %sign3A_10 : i32
    %sign3A_12 = arith.extui %sign3A_11 : i1 to i32
    %sign3A_13 = arith.subi %sign3A_9, %sign3A_12 : i32
    %ne3A = arith.cmpi ne, %sign3A_6, %sign3A_13 : i32
    %rem3A = arith.remsi %add3A, %jit3A : i32
    %ne3A_14 = arith.constant 0 : i32
    %ne3A_15 = arith.cmpi ne, %rem3A, %ne3A_14 : i32
    %and3A = arith.andi %ne3A, %ne3A_15 : i1
    %sub3A = arith.constant 1 : i32
    %sub3A_16 = arith.subi %div3A, %sub3A : i32
    %select_n3A = arith.select %and3A, %sub3A_16, %div3A : i32
    %mul3A_17 = arith.constant 8192 : i32
    %mul3A_18 = arith.muli %select_n3A, %mul3A_17 : i32
    "tpu.region"() ({
      %run_scoped3A = tpu.sem_alloc : memref<!tpu.dma_semaphore, #tpu.memory_space<semaphore_mem>>
      %dma_start3A = arith.constant 0 : i32
      %dma_start3A_44 = tpu.memref_slice %arg2[%select_n3A, %dma_start3A] : memref<4x8192xf32, #tpu.memory_space<hbm>> -> memref<1x8192xf32, #tpu.memory_space<hbm>>
      %dma_start3A_45 = tpu.memref_squeeze %dma_start3A_44 : memref<1x8192xf32, #tpu.memory_space<hbm>> -> memref<8192xf32, #tpu.memory_space<hbm>>
      %dma_start3A_46 = arith.constant 0 : i32
      %dma_start3A_47 = tpu.memref_slice %arg2[%select_n3A, %dma_start3A_46] : memref<4x8192xf32, #tpu.memory_space<hbm>> -> memref<1x8192xf32, #tpu.memory_space<hbm>>
      %dma_start3A_48 = tpu.memref_squeeze %dma_start3A_47 : memref<1x8192xf32, #tpu.memory_space<hbm>> -> memref<8192xf32, #tpu.memory_space<hbm>>
      tpu.enqueue_dma source(%dma_start3A_48 : memref<8192xf32, #tpu.memory_space<hbm>>) target(%arg11 : memref<8192xf32, #tpu.memory_space<vmem>>) target_semaphore(%run_scoped3A : memref<!tpu.dma_semaphore, #tpu.memory_space<semaphore_mem>>)
      %dma_wait3A = arith.constant 0 : i32
      %dma_wait3A_49 = tpu.memref_slice %arg2[%select_n3A, %dma_wait3A] : memref<4x8192xf32, #tpu.memory_space<hbm>> -> memref<1x8192xf32, #tpu.memory_space<hbm>>
      %dma_wait3A_50 = tpu.memref_squeeze %dma_wait3A_49 : memref<1x8192xf32, #tpu.memory_space<hbm>> -> memref<8192xf32, #tpu.memory_space<hbm>>
      %dma_wait3A_51 = arith.constant 0 : i32
      %dma_wait3A_52 = tpu.memref_slice %arg2[%select_n3A, %dma_wait3A_51] : memref<4x8192xf32, #tpu.memory_space<hbm>> -> memref<1x8192xf32, #tpu.memory_space<hbm>>
      %dma_wait3A_53 = tpu.memref_squeeze %dma_wait3A_52 : memref<1x8192xf32, #tpu.memory_space<hbm>> -> memref<8192xf32, #tpu.memory_space<hbm>>
      tpu.wait_dma2 semaphore(%run_scoped3A : memref<!tpu.dma_semaphore, #tpu.memory_space<semaphore_mem>>) src(%dma_wait3A_53 : memref<8192xf32, #tpu.memory_space<hbm>>) dst(%arg11 : memref<8192xf32, #tpu.memory_space<vmem>>)
      tpu.yield
    }) : () -> ()
    "tpu.region"() ({
      %run_scoped3A = tpu.sem_alloc : memref<!tpu.dma_semaphore, #tpu.memory_space<semaphore_mem>>
      %dma_start3A = arith.constant 0 : i32
      %dma_start3A_44 = tpu.memref_slice %arg3[%select_n3A, %dma_start3A] : memref<4x8192xf32, #tpu.memory_space<hbm>> -> memref<1x8192xf32, #tpu.memory_space<hbm>>
      %dma_start3A_45 = tpu.memref_squeeze %dma_start3A_44 : memref<1x8192xf32, #tpu.memory_space<hbm>> -> memref<8192xf32, #tpu.memory_space<hbm>>
      %dma_start3A_46 = arith.constant 0 : i32
      %dma_start3A_47 = tpu.memref_slice %arg3[%select_n3A, %dma_start3A_46] : memref<4x8192xf32, #tpu.memory_space<hbm>> -> memref<1x8192xf32, #tpu.memory_space<hbm>>
      %dma_start3A_48 = tpu.memref_squeeze %dma_start3A_47 : memref<1x8192xf32, #tpu.memory_space<hbm>> -> memref<8192xf32, #tpu.memory_space<hbm>>
      tpu.enqueue_dma source(%dma_start3A_48 : memref<8192xf32, #tpu.memory_space<hbm>>) target(%arg12 : memref<8192xf32, #tpu.memory_space<vmem>>) target_semaphore(%run_scoped3A : memref<!tpu.dma_semaphore, #tpu.memory_space<semaphore_mem>>)
      %dma_wait3A = arith.constant 0 : i32
      %dma_wait3A_49 = tpu.memref_slice %arg3[%select_n3A, %dma_wait3A] : memref<4x8192xf32, #tpu.memory_space<hbm>> -> memref<1x8192xf32, #tpu.memory_space<hbm>>
      %dma_wait3A_50 = tpu.memref_squeeze %dma_wait3A_49 : memref<1x8192xf32, #tpu.memory_space<hbm>> -> memref<8192xf32, #tpu.memory_space<hbm>>
      %dma_wait3A_51 = arith.constant 0 : i32
      %dma_wait3A_52 = tpu.memref_slice %arg3[%select_n3A, %dma_wait3A_51] : memref<4x8192xf32, #tpu.memory_space<hbm>> -> memref<1x8192xf32, #tpu.memory_space<hbm>>
      %dma_wait3A_53 = tpu.memref_squeeze %dma_wait3A_52 : memref<1x8192xf32, #tpu.memory_space<hbm>> -> memref<8192xf32, #tpu.memory_space<hbm>>
      tpu.wait_dma2 semaphore(%run_scoped3A : memref<!tpu.dma_semaphore, #tpu.memory_space<semaphore_mem>>) src(%dma_wait3A_53 : memref<8192xf32, #tpu.memory_space<hbm>>) dst(%arg12 : memref<8192xf32, #tpu.memory_space<vmem>>)
      tpu.yield
    }) : () -> ()
    "tpu.region"() ({
      %run_scoped3A = tpu.sem_alloc : memref<!tpu.dma_semaphore, #tpu.memory_space<semaphore_mem>>
      %dma_start3A = arith.constant 0 : i32
      %dma_start3A_44 = tpu.memref_slice %arg4[%select_n3A, %dma_start3A] : memref<4x8192xf32, #tpu.memory_space<hbm>> -> memref<1x8192xf32, #tpu.memory_space<hbm>>
      %dma_start3A_45 = tpu.memref_squeeze %dma_start3A_44 : memref<1x8192xf32, #tpu.memory_space<hbm>> -> memref<8192xf32, #tpu.memory_space<hbm>>
      %dma_start3A_46 = arith.constant 0 : i32
      %dma_start3A_47 = tpu.memref_slice %arg4[%select_n3A, %dma_start3A_46] : memref<4x8192xf32, #tpu.memory_space<hbm>> -> memref<1x8192xf32, #tpu.memory_space<hbm>>
      %dma_start3A_48 = tpu.memref_squeeze %dma_start3A_47 : memref<1x8192xf32, #tpu.memory_space<hbm>> -> memref<8192xf32, #tpu.memory_space<hbm>>
      tpu.enqueue_dma source(%dma_start3A_48 : memref<8192xf32, #tpu.memory_space<hbm>>) target(%arg13 : memref<8192xf32, #tpu.memory_space<vmem>>) target_semaphore(%run_scoped3A : memref<!tpu.dma_semaphore, #tpu.memory_space<semaphore_mem>>)
      %dma_wait3A = arith.constant 0 : i32
      %dma_wait3A_49 = tpu.memref_slice %arg4[%select_n3A, %dma_wait3A] : memref<4x8192xf32, #tpu.memory_space<hbm>> -> memref<1x8192xf32, #tpu.memory_space<hbm>>
      %dma_wait3A_50 = tpu.memref_squeeze %dma_wait3A_49 : memref<1x8192xf32, #tpu.memory_space<hbm>> -> memref<8192xf32, #tpu.memory_space<hbm>>
      %dma_wait3A_51 = arith.constant 0 : i32
      %dma_wait3A_52 = tpu.memref_slice %arg4[%select_n3A, %dma_wait3A_51] : memref<4x8192xf32, #tpu.memory_space<hbm>> -> memref<1x8192xf32, #tpu.memory_space<hbm>>
      %dma_wait3A_53 = tpu.memref_squeeze %dma_wait3A_52 : memref<1x8192xf32, #tpu.memory_space<hbm>> -> memref<8192xf32, #tpu.memory_space<hbm>>
      tpu.wait_dma2 semaphore(%run_scoped3A : memref<!tpu.dma_semaphore, #tpu.memory_space<semaphore_mem>>) src(%dma_wait3A_53 : memref<8192xf32, #tpu.memory_space<hbm>>) dst(%arg13 : memref<8192xf32, #tpu.memory_space<vmem>>)
      tpu.yield
    }) : () -> ()
    %mul3A_19 = arith.constant 128 : i32
    %mul3A_20 = arith.muli %add3A, %mul3A_19 : i32
    "tpu.region"() ({
      %run_scoped3A = tpu.sem_alloc : memref<!tpu.dma_semaphore, #tpu.memory_space<semaphore_mem>>
      %dma_start3A = tpu.memref_slice %arg5[%mul3A_20] : memref<4096xi32, #tpu.memory_space<hbm>> -> memref<128xi32, #tpu.memory_space<hbm>>
      %dma_start3A_44 = tpu.memref_slice %arg5[%mul3A_20] : memref<4096xi32, #tpu.memory_space<hbm>> -> memref<128xi32, #tpu.memory_space<hbm>>
      tpu.enqueue_dma source(%dma_start3A_44 : memref<128xi32, #tpu.memory_space<hbm>>) target(%arg14 : memref<128xi32, #tpu.memory_space<vmem>>) target_semaphore(%run_scoped3A : memref<!tpu.dma_semaphore, #tpu.memory_space<semaphore_mem>>)
      %dma_wait3A = tpu.memref_slice %arg5[%mul3A_20] : memref<4096xi32, #tpu.memory_space<hbm>> -> memref<128xi32, #tpu.memory_space<hbm>>
      %dma_wait3A_45 = tpu.memref_slice %arg5[%mul3A_20] : memref<4096xi32, #tpu.memory_space<hbm>> -> memref<128xi32, #tpu.memory_space<hbm>>
      tpu.wait_dma2 semaphore(%run_scoped3A : memref<!tpu.dma_semaphore, #tpu.memory_space<semaphore_mem>>) src(%dma_wait3A_45 : memref<128xi32, #tpu.memory_space<hbm>>) dst(%arg14 : memref<128xi32, #tpu.memory_space<vmem>>)
      tpu.yield
    }) : () -> ()
    %iota3A = tpu.iota {dimensions = array<i32: 0>} : vector<16xi32>
    %scan3A = arith.constant 0 : i32
    %scan3A_21 = arith.constant 0 : i32
    %scan3A_22 = arith.constant 8 : i32
    %scan3A_23 = arith.addi %scan3A_21, %scan3A_22 : i32
    %scan3A_24 = arith.constant 1 : i32
    %scan3A_25 = scf.for %scan3A_44 = %scan3A_21 to %scan3A_23 step %scan3A_24 iter_args(%scan3A_45 = %scan3A) -> (i32)  : i32 {
      %mul3A_46 = arith.constant 16 : i32
      %mul3A_47 = arith.muli %scan3A_44, %mul3A_46 : i32
      %get3A = arith.index_cast %mul3A_47 : i32 to index
      %get3A_48 = tpu.vector_load %arg14[%get3A] {strides = array<i32>} : memref<128xi32, #tpu.memory_space<vmem>>, vector<16xi32>,
      %gather3A = tpu.vector_load_idx %arg11[%get3A_48] : memref<8192xf32, #tpu.memory_space<vmem>>[vector<16xi32>], vector<16xf32>,
      %mul3A_49 = arith.constant 16 : i32
      %mul3A_50 = arith.muli %scan3A_44, %mul3A_49 : i32
      %swap3A = arith.index_cast %mul3A_50 : i32 to index
      %swap3A_51 = tpu.vector_load %arg15[%swap3A] {strides = array<i32>} : memref<144xf32, #tpu.memory_space<vmem>>, vector<16xf32>,
      tpu.vector_store %arg15[%swap3A], %gather3A {strides = array<i32>} : memref<144xf32, #tpu.memory_space<vmem>>, vector<16xf32>,
      %gather3A_52 = tpu.vector_load_idx %arg12[%get3A_48] : memref<8192xf32, #tpu.memory_space<vmem>>[vector<16xi32>], vector<16xf32>,
      %mul3A_53 = arith.constant 16 : i32
      %mul3A_54 = arith.muli %scan3A_44, %mul3A_53 : i32
      %swap3A_55 = arith.index_cast %mul3A_54 : i32 to index
      %swap3A_56 = tpu.vector_load %arg16[%swap3A_55] {strides = array<i32>} : memref<144xf32, #tpu.memory_space<vmem>>, vector<16xf32>,
      tpu.vector_store %arg16[%swap3A_55], %gather3A_52 {strides = array<i32>} : memref<144xf32, #tpu.memory_space<vmem>>, vector<16xf32>,
      %gather3A_57 = tpu.vector_load_idx %arg13[%get3A_48] : memref<8192xf32, #tpu.memory_space<vmem>>[vector<16xi32>], vector<16xf32>,
      %mul3A_58 = arith.constant 16 : i32
      %mul3A_59 = arith.muli %scan3A_44, %mul3A_58 : i32
      %swap3A_60 = arith.index_cast %mul3A_59 : i32 to index
      %swap3A_61 = tpu.vector_load %arg17[%swap3A_60] {strides = array<i32>} : memref<144xf32, #tpu.memory_space<vmem>>, vector<16xf32>,
      tpu.vector_store %arg17[%swap3A_60], %gather3A_57 {strides = array<i32>} : memref<144xf32, #tpu.memory_space<vmem>>, vector<16xf32>,
      %scan3A_62 = arith.constant 0 : i32
      scf.yield %scan3A_62 : i32
    }
    %scan3A_26 = arith.constant 8 : i32
    %mul3A_27 = arith.constant 128 : i32
    %mul3A_28 = arith.muli %add3A, %mul3A_27 : i32
    "tpu.region"() ({
      %run_scoped3A = tpu.sem_alloc : memref<!tpu.dma_semaphore, #tpu.memory_space<semaphore_mem>>
      %dma_start3A = arith.constant 0 : i32
      %dma_start3A_44 = tpu.memref_slice %arg15[%dma_start3A] : memref<144xf32, #tpu.memory_space<vmem>> -> memref<128xf32, #tpu.memory_space<vmem>>
      %dma_start3A_45 = tpu.memref_slice %arg8[%mul3A_28] : memref<4096xf32, #tpu.memory_space<hbm>> -> memref<128xf32, #tpu.memory_space<hbm>>
      %dma_start3A_46 = tpu.memref_slice %arg8[%mul3A_28] : memref<4096xf32, #tpu.memory_space<hbm>> -> memref<128xf32, #tpu.memory_space<hbm>>
      %dma_start3A_47 = arith.constant 0 : i32
      %dma_start3A_48 = tpu.memref_slice %arg15[%dma_start3A_47] : memref<144xf32, #tpu.memory_space<vmem>> -> memref<128xf32, #tpu.memory_space<vmem>>
      tpu.enqueue_dma source(%dma_start3A_48 : memref<128xf32, #tpu.memory_space<vmem>>) target(%dma_start3A_46 : memref<128xf32, #tpu.memory_space<hbm>>) target_semaphore(%run_scoped3A : memref<!tpu.dma_semaphore, #tpu.memory_space<semaphore_mem>>)
      %dma_wait3A = arith.constant 0 : i32
      %dma_wait3A_49 = tpu.memref_slice %arg15[%dma_wait3A] : memref<144xf32, #tpu.memory_space<vmem>> -> memref<128xf32, #tpu.memory_space<vmem>>
      %dma_wait3A_50 = tpu.memref_slice %arg8[%mul3A_28] : memref<4096xf32, #tpu.memory_space<hbm>> -> memref<128xf32, #tpu.memory_space<hbm>>
      %dma_wait3A_51 = tpu.memref_slice %arg8[%mul3A_28] : memref<4096xf32, #tpu.memory_space<hbm>> -> memref<128xf32, #tpu.memory_space<hbm>>
      %dma_wait3A_52 = arith.constant 0 : i32
      %dma_wait3A_53 = tpu.memref_slice %arg15[%dma_wait3A_52] : memref<144xf32, #tpu.memory_space<vmem>> -> memref<128xf32, #tpu.memory_space<vmem>>
      tpu.wait_dma2 semaphore(%run_scoped3A : memref<!tpu.dma_semaphore, #tpu.memory_space<semaphore_mem>>) src(%dma_wait3A_53 : memref<128xf32, #tpu.memory_space<vmem>>) dst(%dma_wait3A_51 : memref<128xf32, #tpu.memory_space<hbm>>)
      tpu.yield
    }) : () -> ()
    %mul3A_29 = arith.constant 128 : i32
    %mul3A_30 = arith.muli %add3A, %mul3A_29 : i32
    "tpu.region"() ({
      %run_scoped3A = tpu.sem_alloc : memref<!tpu.dma_semaphore, #tpu.memory_space<semaphore_mem>>
      %dma_start3A = arith.constant 0 : i32
      %dma_start3A_44 = tpu.memref_slice %arg16[%dma_start3A] : memref<144xf32, #tpu.memory_space<vmem>> -> memref<128xf32, #tpu.memory_space<vmem>>
      %dma_start3A_45 = tpu.memref_slice %arg9[%mul3A_30] : memref<4096xf32, #tpu.memory_space<hbm>> -> memref<128xf32, #tpu.memory_space<hbm>>
      %dma_start3A_46 = tpu.memref_slice %arg9[%mul3A_30] : memref<4096xf32, #tpu.memory_space<hbm>> -> memref<128xf32, #tpu.memory_space<hbm>>
      %dma_start3A_47 = arith.constant 0 : i32
      %dma_start3A_48 = tpu.memref_slice %arg16[%dma_start3A_47] : memref<144xf32, #tpu.memory_space<vmem>> -> memref<128xf32, #tpu.memory_space<vmem>>
      tpu.enqueue_dma source(%dma_start3A_48 : memref<128xf32, #tpu.memory_space<vmem>>) target(%dma_start3A_46 : memref<128xf32, #tpu.memory_space<hbm>>) target_semaphore(%run_scoped3A : memref<!tpu.dma_semaphore, #tpu.memory_space<semaphore_mem>>)
      %dma_wait3A = arith.constant 0 : i32
      %dma_wait3A_49 = tpu.memref_slice %arg16[%dma_wait3A] : memref<144xf32, #tpu.memory_space<vmem>> -> memref<128xf32, #tpu.memory_space<vmem>>
      %dma_wait3A_50 = tpu.memref_slice %arg9[%mul3A_30] : memref<4096xf32, #tpu.memory_space<hbm>> -> memref<128xf32, #tpu.memory_space<hbm>>
      %dma_wait3A_51 = tpu.memref_slice %arg9[%mul3A_30] : memref<4096xf32, #tpu.memory_space<hbm>> -> memref<128xf32, #tpu.memory_space<hbm>>
      %dma_wait3A_52 = arith.constant 0 : i32
      %dma_wait3A_53 = tpu.memref_slice %arg16[%dma_wait3A_52] : memref<144xf32, #tpu.memory_space<vmem>> -> memref<128xf32, #tpu.memory_space<vmem>>
      tpu.wait_dma2 semaphore(%run_scoped3A : memref<!tpu.dma_semaphore, #tpu.memory_space<semaphore_mem>>) src(%dma_wait3A_53 : memref<128xf32, #tpu.memory_space<vmem>>) dst(%dma_wait3A_51 : memref<128xf32, #tpu.memory_space<hbm>>)
      tpu.yield
    }) : () -> ()
    %mul3A_31 = arith.constant 128 : i32
    %mul3A_32 = arith.muli %add3A, %mul3A_31 : i32
    "tpu.region"() ({
      %run_scoped3A = tpu.sem_alloc : memref<!tpu.dma_semaphore, #tpu.memory_space<semaphore_mem>>
      %dma_start3A = arith.constant 0 : i32
      %dma_start3A_44 = tpu.memref_slice %arg17[%dma_start3A] : memref<144xf32, #tpu.memory_space<vmem>> -> memref<128xf32, #tpu.memory_space<vmem>>
      %dma_start3A_45 = tpu.memref_slice %arg10[%mul3A_32] : memref<4096xf32, #tpu.memory_space<hbm>> -> memref<128xf32, #tpu.memory_space<hbm>>
      %dma_start3A_46 = tpu.memref_slice %arg10[%mul3A_32] : memref<4096xf32, #tpu.memory_space<hbm>> -> memref<128xf32, #tpu.memory_space<hbm>>
      %dma_start3A_47 = arith.constant 0 : i32
      %dma_start3A_48 = tpu.memref_slice %arg17[%dma_start3A_47] : memref<144xf32, #tpu.memory_space<vmem>> -> memref<128xf32, #tpu.memory_space<vmem>>
      tpu.enqueue_dma source(%dma_start3A_48 : memref<128xf32, #tpu.memory_space<vmem>>) target(%dma_start3A_46 : memref<128xf32, #tpu.memory_space<hbm>>) target_semaphore(%run_scoped3A : memref<!tpu.dma_semaphore, #tpu.memory_space<semaphore_mem>>)
      %dma_wait3A = arith.constant 0 : i32
      %dma_wait3A_49 = tpu.memref_slice %arg17[%dma_wait3A] : memref<144xf32, #tpu.memory_space<vmem>> -> memref<128xf32, #tpu.memory_space<vmem>>
      %dma_wait3A_50 = tpu.memref_slice %arg10[%mul3A_32] : memref<4096xf32, #tpu.memory_space<hbm>> -> memref<128xf32, #tpu.memory_space<hbm>>
      %dma_wait3A_51 = tpu.memref_slice %arg10[%mul3A_32] : memref<4096xf32, #tpu.memory_space<hbm>> -> memref<128xf32, #tpu.memory_space<hbm>>
      %dma_wait3A_52 = arith.constant 0 : i32
      %dma_wait3A_53 = tpu.memref_slice %arg17[%dma_wait3A_52] : memref<144xf32, #tpu.memory_space<vmem>> -> memref<128xf32, #tpu.memory_space<vmem>>
      tpu.wait_dma2 semaphore(%run_scoped3A : memref<!tpu.dma_semaphore, #tpu.memory_space<semaphore_mem>>) src(%dma_wait3A_53 : memref<128xf32, #tpu.memory_space<vmem>>) dst(%dma_wait3A_51 : memref<128xf32, #tpu.memory_space<hbm>>)
      tpu.yield
    }) : () -> ()
    %scan3A_33 = arith.constant 0 : i32
    %scan3A_34 = arith.constant 0 : i32
    %scan3A_35 = arith.constant 128 : i32
    %scan3A_36 = arith.addi %scan3A_34, %scan3A_35 : i32
    %scan3A_37 = arith.constant 1 : i32
    %scan3A_38 = scf.for %scan3A_44 = %scan3A_34 to %scan3A_36 step %scan3A_37 iter_args(%scan3A_45 = %scan3A_33) -> (i32)  : i32 {
      %get3A = arith.index_cast %scan3A_44 : i32 to index
      %get3A_46 = tpu.vector_load %arg15[%get3A] {strides = array<i32>} : memref<144xf32, #tpu.memory_space<vmem>>, vector<16xf32>,
      %slice3A = vector.extract_strided_slice %get3A_46 {offsets = [0], sizes = [1], strides = [1]} : vector<16xf32> to vector<1xf32>
      %squeeze3A = vector.extract %slice3A[0] : f32 from vector<1xf32>
      %get3A_47 = arith.index_cast %scan3A_44 : i32 to index
      %get3A_48 = tpu.vector_load %arg16[%get3A_47] {strides = array<i32>} : memref<144xf32, #tpu.memory_space<vmem>>, vector<16xf32>,
      %slice3A_49 = vector.extract_strided_slice %get3A_48 {offsets = [0], sizes = [1], strides = [1]} : vector<16xf32> to vector<1xf32>
      %squeeze3A_50 = vector.extract %slice3A_49[0] : f32 from vector<1xf32>
      %get3A_51 = arith.index_cast %scan3A_44 : i32 to index
      %get3A_52 = tpu.vector_load %arg17[%get3A_51] {strides = array<i32>} : memref<144xf32, #tpu.memory_space<vmem>>, vector<16xf32>,
      %slice3A_53 = vector.extract_strided_slice %get3A_52 {offsets = [0], sizes = [1], strides = [1]} : vector<16xf32> to vector<1xf32>
      %squeeze3A_54 = vector.extract %slice3A_53[0] : f32 from vector<1xf32>
      %mul3A_55 = arith.constant 64 : i32
      %mul3A_56 = arith.muli %scan3A_44, %mul3A_55 : i32
      %mul3A_57 = arith.constant 80 : i32
      %mul3A_58 = arith.muli %scan3A_44, %mul3A_57 : i32
      %while3A = arith.constant 0 : i32
      %while3A_59 = arith.constant 0 : i32
      %while3A_60 = arith.constant 0 : i32
      %while3A_61:3 = scf.while (%while3A_94 = %while3A, %while3A_95 = %while3A_59, %while3A_96 = %while3A_60) : (i32, i32, i32) -> (i32, i32, i32) {
        %lt3A_97 = arith.constant 256 : i32
        %lt3A_98 = arith.cmpi slt, %while3A_94, %lt3A_97 : i32
        %lt3A_99 = arith.constant 16 : i32
        %lt3A_100 = arith.cmpi slt, %while3A_95, %lt3A_99 : i32
        %lt3A_101 = arith.constant 32 : i32
        %lt3A_102 = arith.cmpi slt, %while3A_96, %lt3A_101 : i32
        %or3A = arith.ori %lt3A_100, %lt3A_102 : i1
        %and3A_103 = arith.andi %lt3A_98, %or3A : i1
        scf.condition(%and3A_103) %while3A_94, %while3A_95, %while3A_96 : i32, i32, i32
      } do {
      ^bb0(%while3A_94: i32, %while3A_95: i32, %while3A_96: i32):
        %mul3A_97 = arith.constant 32 : i32
        %mul3A_98 = arith.muli %while3A_94, %mul3A_97 : i32
        %add3A_99 = arith.constant 16 : i32
        %add3A_100 = arith.addi %mul3A_98, %add3A_99 : i32
        %get3A_101 = arith.index_cast %mul3A_98 : i32 to index
        %get3A_102 = tpu.vector_load %arg11[%get3A_101] {strides = array<i32>} : memref<8192xf32, #tpu.memory_space<vmem>>, vector<16xf32>,
        %get3A_103 = arith.index_cast %mul3A_98 : i32 to index
        %get3A_104 = tpu.vector_load %arg12[%get3A_103] {strides = array<i32>} : memref<8192xf32, #tpu.memory_space<vmem>>, vector<16xf32>,
        %get3A_105 = arith.index_cast %mul3A_98 : i32 to index
        %get3A_106 = tpu.vector_load %arg13[%get3A_105] {strides = array<i32>} : memref<8192xf32, #tpu.memory_space<vmem>>, vector<16xf32>,
        %sub3A_107 = vector.broadcast %squeeze3A : f32 to vector<16xf32>
        %sub3A_108 = arith.subf %get3A_102, %sub3A_107 : vector<16xf32>
        %sub3A_109 = vector.broadcast %squeeze3A_50 : f32 to vector<16xf32>
        %sub3A_110 = arith.subf %get3A_104, %sub3A_109 : vector<16xf32>
        %sub3A_111 = vector.broadcast %squeeze3A_54 : f32 to vector<16xf32>
        %sub3A_112 = arith.subf %get3A_106, %sub3A_111 : vector<16xf32>
        %mul3A_113 = arith.mulf %sub3A_108, %sub3A_108 : vector<16xf32>
        %mul3A_114 = arith.mulf %sub3A_110, %sub3A_110 : vector<16xf32>
        %add3A_115 = arith.addf %mul3A_113, %mul3A_114 : vector<16xf32>
        %mul3A_116 = arith.mulf %sub3A_112, %sub3A_112 : vector<16xf32>
        %add3A_117 = arith.addf %add3A_115, %mul3A_116 : vector<16xf32>
        %get3A_118 = arith.index_cast %add3A_100 : i32 to index
        %get3A_119 = tpu.vector_load %arg11[%get3A_118] {strides = array<i32>} : memref<8192xf32, #tpu.memory_space<vmem>>, vector<16xf32>,
        %get3A_120 = arith.index_cast %add3A_100 : i32 to index
        %get3A_121 = tpu.vector_load %arg12[%get3A_120] {strides = array<i32>} : memref<8192xf32, #tpu.memory_space<vmem>>, vector<16xf32>,
        %get3A_122 = arith.index_cast %add3A_100 : i32 to index
        %get3A_123 = tpu.vector_load %arg13[%get3A_122] {strides = array<i32>} : memref<8192xf32, #tpu.memory_space<vmem>>, vector<16xf32>,
        %sub3A_124 = vector.broadcast %squeeze3A : f32 to vector<16xf32>
        %sub3A_125 = arith.subf %get3A_119, %sub3A_124 : vector<16xf32>
        %sub3A_126 = vector.broadcast %squeeze3A_50 : f32 to vector<16xf32>
        %sub3A_127 = arith.subf %get3A_121, %sub3A_126 : vector<16xf32>
        %sub3A_128 = vector.broadcast %squeeze3A_54 : f32 to vector<16xf32>
        %sub3A_129 = arith.subf %get3A_123, %sub3A_128 : vector<16xf32>
        %mul3A_130 = arith.mulf %sub3A_125, %sub3A_125 : vector<16xf32>
        %mul3A_131 = arith.mulf %sub3A_127, %sub3A_127 : vector<16xf32>
        %add3A_132 = arith.addf %mul3A_130, %mul3A_131 : vector<16xf32>
        %mul3A_133 = arith.mulf %sub3A_129, %sub3A_129 : vector<16xf32>
        %add3A_134 = arith.addf %add3A_132, %mul3A_133 : vector<16xf32>
        %lt3A_135 = arith.constant 16 : i32
        %lt3A_136 = arith.cmpi slt, %while3A_95, %lt3A_135 : i32
        %lt3A_137 = arith.constant 32 : i32
        %lt3A_138 = arith.cmpi slt, %while3A_96, %lt3A_137 : i32
        %lt3A_139 = arith.constant 4.000000e-02 : f32
        %lt3A_140 = vector.broadcast %lt3A_139 : f32 to vector<16xf32>
        %lt3A_141 = arith.cmpf olt, %add3A_117, %lt3A_140 : vector<16xf32>
        %and3A_142 = vector.broadcast %lt3A_136 : i1 to vector<16xi1>
        %and3A_143 = arith.andi %lt3A_141, %and3A_142 : vector<16xi1>
        %lt3A_144 = arith.constant 4.000000e-02 : f32
        %lt3A_145 = vector.broadcast %lt3A_144 : f32 to vector<16xf32>
        %lt3A_146 = arith.cmpf olt, %add3A_134, %lt3A_145 : vector<16xf32>
        %and3A_147 = vector.broadcast %lt3A_136 : i1 to vector<16xi1>
        %and3A_148 = arith.andi %lt3A_146, %and3A_147 : vector<16xi1>
        %lt3A_149 = arith.constant 1.600000e-01 : f32
        %lt3A_150 = vector.broadcast %lt3A_149 : f32 to vector<16xf32>
        %lt3A_151 = arith.cmpf olt, %add3A_117, %lt3A_150 : vector<16xf32>
        %and3A_152 = vector.broadcast %lt3A_138 : i1 to vector<16xi1>
        %and3A_153 = arith.andi %lt3A_151, %and3A_152 : vector<16xi1>
        %lt3A_154 = arith.constant 1.600000e-01 : f32
        %lt3A_155 = vector.broadcast %lt3A_154 : f32 to vector<16xf32>
        %lt3A_156 = arith.cmpf olt, %add3A_134, %lt3A_155 : vector<16xf32>
        %and3A_157 = vector.broadcast %lt3A_138 : i1 to vector<16xi1>
        %and3A_158 = arith.andi %lt3A_156, %and3A_157 : vector<16xi1>
        %convert_element_type3A = arith.extui %and3A_143 : vector<16xi1> to vector<16xi32>
        %broadcast_in_dim3A_159 = arith.constant true
        %broadcast_in_dim3A_160 = vector.broadcast %broadcast_in_dim3A_159 : i1 to vector<16xi1>
        %masked_cumsum3A = tpu.scan <sum>, %convert_element_type3A masked %broadcast_in_dim3A_160 : vector<16xi32>, vector<16xi1> -> vector<16xi32>
        %convert_element_type3A_161 = arith.extui %and3A_148 : vector<16xi1> to vector<16xi32>
        %broadcast_in_dim3A_162 = arith.constant true
        %broadcast_in_dim3A_163 = vector.broadcast %broadcast_in_dim3A_162 : i1 to vector<16xi1>
        %masked_cumsum3A_164 = tpu.scan <sum>, %convert_element_type3A_161 masked %broadcast_in_dim3A_163 : vector<16xi32>, vector<16xi1> -> vector<16xi32>
        %convert_element_type3A_165 = arith.extui %and3A_153 : vector<16xi1> to vector<16xi32>
        %broadcast_in_dim3A_166 = arith.constant true
        %broadcast_in_dim3A_167 = vector.broadcast %broadcast_in_dim3A_166 : i1 to vector<16xi1>
        %masked_cumsum3A_168 = tpu.scan <sum>, %convert_element_type3A_165 masked %broadcast_in_dim3A_167 : vector<16xi32>, vector<16xi1> -> vector<16xi32>
        %convert_element_type3A_169 = arith.extui %and3A_158 : vector<16xi1> to vector<16xi32>
        %broadcast_in_dim3A_170 = arith.constant true
        %broadcast_in_dim3A_171 = vector.broadcast %broadcast_in_dim3A_170 : i1 to vector<16xi1>
        %masked_cumsum3A_172 = tpu.scan <sum>, %convert_element_type3A_169 masked %broadcast_in_dim3A_171 : vector<16xi32>, vector<16xi1> -> vector<16xi32>
        %add3A_173 = arith.addi %mul3A_98, %mul3A_18 : i32
        %add3A_174 = vector.broadcast %add3A_173 : i32 to vector<16xi32>
        %add3A_175 = arith.addi %iota3A, %add3A_174 : vector<16xi32>
        %add3A_176 = arith.addi %add3A_100, %mul3A_18 : i32
        %add3A_177 = vector.broadcast %add3A_176 : i32 to vector<16xi32>
        %add3A_178 = arith.addi %iota3A, %add3A_177 : vector<16xi32>
        %slice3A_179 = vector.extract_strided_slice %masked_cumsum3A {offsets = [15], sizes = [1], strides = [1]} : vector<16xi32> to vector<1xi32>
        %squeeze3A_180 = vector.extract %slice3A_179[0] : i32 from vector<1xi32>
        %slice3A_181 = vector.extract_strided_slice %masked_cumsum3A_168 {offsets = [15], sizes = [1], strides = [1]} : vector<16xi32> to vector<1xi32>
        %squeeze3A_182 = vector.extract %slice3A_181[0] : i32 from vector<1xi32>
        %add3A_183 = arith.addi %mul3A_56, %while3A_95 : i32
        %sub3A_184 = arith.constant 1 : i32
        %sub3A_185 = arith.subi %add3A_183, %sub3A_184 : i32
        %add3A_186 = vector.broadcast %sub3A_185 : i32 to vector<16xi32>
        %add3A_187 = arith.addi %add3A_186, %masked_cumsum3A : vector<16xi32>
        tpu.vector_store_idx %arg18[%add3A_187], %add3A_175 masked %and3A_143 : memref<8192xi32, #tpu.memory_space<vmem>>[vector<16xi32>], vector<16xi32>, vector<16xi1>
        %add3A_188 = arith.addi %mul3A_56, %while3A_95 : i32
        %sub3A_189 = arith.constant 1 : i32
        %sub3A_190 = arith.subi %add3A_188, %sub3A_189 : i32
        %add3A_191 = arith.addi %sub3A_190, %squeeze3A_180 : i32
        %add3A_192 = vector.broadcast %add3A_191 : i32 to vector<16xi32>
        %add3A_193 = arith.addi %add3A_192, %masked_cumsum3A_164 : vector<16xi32>
        tpu.vector_store_idx %arg18[%add3A_193], %add3A_178 masked %and3A_148 : memref<8192xi32, #tpu.memory_space<vmem>>[vector<16xi32>], vector<16xi32>, vector<16xi1>
        %add3A_194 = arith.addi %mul3A_58, %while3A_96 : i32
        %sub3A_195 = arith.constant 1 : i32
        %sub3A_196 = arith.subi %add3A_194, %sub3A_195 : i32
        %add3A_197 = vector.broadcast %sub3A_196 : i32 to vector<16xi32>
        %add3A_198 = arith.addi %add3A_197, %masked_cumsum3A_168 : vector<16xi32>
        tpu.vector_store_idx %arg19[%add3A_198], %add3A_175 masked %and3A_153 : memref<10240xi32, #tpu.memory_space<vmem>>[vector<16xi32>], vector<16xi32>, vector<16xi1>
        %add3A_199 = arith.addi %mul3A_58, %while3A_96 : i32
        %sub3A_200 = arith.constant 1 : i32
        %sub3A_201 = arith.subi %add3A_199, %sub3A_200 : i32
        %add3A_202 = arith.addi %sub3A_201, %squeeze3A_182 : i32
        %add3A_203 = vector.broadcast %add3A_202 : i32 to vector<16xi32>
        %add3A_204 = arith.addi %add3A_203, %masked_cumsum3A_172 : vector<16xi32>
        tpu.vector_store_idx %arg19[%add3A_204], %add3A_178 masked %and3A_158 : memref<10240xi32, #tpu.memory_space<vmem>>[vector<16xi32>], vector<16xi32>, vector<16xi1>
        %add3A_205 = arith.constant 1 : i32
        %add3A_206 = arith.addi %while3A_94, %add3A_205 : i32
        %add3A_207 = arith.addi %while3A_95, %squeeze3A_180 : i32
        %slice3A_208 = vector.extract_strided_slice %masked_cumsum3A_164 {offsets = [15], sizes = [1], strides = [1]} : vector<16xi32> to vector<1xi32>
        %squeeze3A_209 = vector.extract %slice3A_208[0] : i32 from vector<1xi32>
        %add3A_210 = arith.addi %add3A_207, %squeeze3A_209 : i32
        %add3A_211 = arith.addi %while3A_96, %squeeze3A_182 : i32
        %slice3A_212 = vector.extract_strided_slice %masked_cumsum3A_172 {offsets = [15], sizes = [1], strides = [1]} : vector<16xi32> to vector<1xi32>
        %squeeze3A_213 = vector.extract %slice3A_212[0] : i32 from vector<1xi32>
        %add3A_214 = arith.addi %add3A_211, %squeeze3A_213 : i32
        scf.yield %add3A_206, %add3A_210, %add3A_214 : i32, i32, i32
      }
      %get3A_62 = arith.index_cast %mul3A_56 : i32 to index
      %get3A_63 = tpu.vector_load %arg18[%get3A_62] {strides = array<i32>} : memref<8192xi32, #tpu.memory_space<vmem>>, vector<16xi32>,
      %slice3A_64 = vector.extract_strided_slice %get3A_63 {offsets = [0], sizes = [1], strides = [1]} : vector<16xi32> to vector<1xi32>
      %squeeze3A_65 = vector.extract %slice3A_64[0] : i32 from vector<1xi32>
      %broadcast_in_dim3A = vector.broadcast %squeeze3A_65 : i32 to vector<16xi32>
      %lt3A = vector.broadcast %while3A_61#1 : i32 to vector<16xi32>
      %lt3A_66 = arith.cmpi slt, %iota3A, %lt3A : vector<16xi32>
      %select_n3A_67 = arith.select %lt3A_66, %get3A_63, %broadcast_in_dim3A : vector<16xi1>, vector<16xi32>
      %swap3A = arith.index_cast %mul3A_56 : i32 to index
      %swap3A_68 = tpu.vector_load %arg18[%swap3A] {strides = array<i32>} : memref<8192xi32, #tpu.memory_space<vmem>>, vector<16xi32>,
      tpu.vector_store %arg18[%swap3A], %select_n3A_67 {strides = array<i32>} : memref<8192xi32, #tpu.memory_space<vmem>>, vector<16xi32>,
      %get3A_69 = arith.index_cast %mul3A_58 : i32 to index
      %get3A_70 = tpu.vector_load %arg19[%get3A_69] {strides = array<i32>} : memref<10240xi32, #tpu.memory_space<vmem>>, vector<16xi32>,
      %add3A_71 = arith.constant 16 : i32
      %add3A_72 = arith.addi %mul3A_58, %add3A_71 : i32
      %get3A_73 = arith.index_cast %add3A_72 : i32 to index
      %get3A_74 = tpu.vector_load %arg19[%get3A_73] {strides = array<i32>} : memref<10240xi32, #tpu.memory_space<vmem>>, vector<16xi32>,
      %slice3A_75 = vector.extract_strided_slice %get3A_70 {offsets = [0], sizes = [1], strides = [1]} : vector<16xi32> to vector<1xi32>
      %squeeze3A_76 = vector.extract %slice3A_75[0] : i32 from vector<1xi32>
      %broadcast_in_dim3A_77 = vector.broadcast %squeeze3A_76 : i32 to vector<16xi32>
      %lt3A_78 = vector.broadcast %while3A_61#2 : i32 to vector<16xi32>
      %lt3A_79 = arith.cmpi slt, %iota3A, %lt3A_78 : vector<16xi32>
      %select_n3A_80 = arith.select %lt3A_79, %get3A_70, %broadcast_in_dim3A_77 : vector<16xi1>, vector<16xi32>
      %swap3A_81 = arith.index_cast %mul3A_58 : i32 to index
      %swap3A_82 = tpu.vector_load %arg19[%swap3A_81] {strides = array<i32>} : memref<10240xi32, #tpu.memory_space<vmem>>, vector<16xi32>,
      tpu.vector_store %arg19[%swap3A_81], %select_n3A_80 {strides = array<i32>} : memref<10240xi32, #tpu.memory_space<vmem>>, vector<16xi32>,
      %add3A_83 = arith.constant 16 : i32
      %add3A_84 = vector.broadcast %add3A_83 : i32 to vector<16xi32>
      %add3A_85 = arith.addi %iota3A, %add3A_84 : vector<16xi32>
      %lt3A_86 = vector.broadcast %while3A_61#2 : i32 to vector<16xi32>
      %lt3A_87 = arith.cmpi slt, %add3A_85, %lt3A_86 : vector<16xi32>
      %select_n3A_88 = arith.select %lt3A_87, %get3A_74, %broadcast_in_dim3A_77 : vector<16xi1>, vector<16xi32>
      %add3A_89 = arith.constant 16 : i32
      %add3A_90 = arith.addi %mul3A_58, %add3A_89 : i32
      %swap3A_91 = arith.index_cast %add3A_90 : i32 to index
      %swap3A_92 = tpu.vector_load %arg19[%swap3A_91] {strides = array<i32>} : memref<10240xi32, #tpu.memory_space<vmem>>, vector<16xi32>,
      tpu.vector_store %arg19[%swap3A_91], %select_n3A_88 {strides = array<i32>} : memref<10240xi32, #tpu.memory_space<vmem>>, vector<16xi32>,
      %scan3A_93 = arith.constant 0 : i32
      scf.yield %scan3A_93 : i32
    }
    %scan3A_39 = arith.constant 128 : i32
    %mul3A_40 = arith.constant 8192 : i32
    %mul3A_41 = arith.muli %add3A, %mul3A_40 : i32
    "tpu.region"() ({
      %run_scoped3A = tpu.sem_alloc : memref<!tpu.dma_semaphore, #tpu.memory_space<semaphore_mem>>
      %dma_start3A = tpu.memref_slice %arg6[%mul3A_41] : memref<262144xi32, #tpu.memory_space<hbm>> -> memref<8192xi32, #tpu.memory_space<hbm>>
      %dma_start3A_44 = tpu.memref_slice %arg6[%mul3A_41] : memref<262144xi32, #tpu.memory_space<hbm>> -> memref<8192xi32, #tpu.memory_space<hbm>>
      tpu.enqueue_dma source(%arg18 : memref<8192xi32, #tpu.memory_space<vmem>>) target(%dma_start3A_44 : memref<8192xi32, #tpu.memory_space<hbm>>) target_semaphore(%run_scoped3A : memref<!tpu.dma_semaphore, #tpu.memory_space<semaphore_mem>>)
      %dma_wait3A = tpu.memref_slice %arg6[%mul3A_41] : memref<262144xi32, #tpu.memory_space<hbm>> -> memref<8192xi32, #tpu.memory_space<hbm>>
      %dma_wait3A_45 = tpu.memref_slice %arg6[%mul3A_41] : memref<262144xi32, #tpu.memory_space<hbm>> -> memref<8192xi32, #tpu.memory_space<hbm>>
      tpu.wait_dma2 semaphore(%run_scoped3A : memref<!tpu.dma_semaphore, #tpu.memory_space<semaphore_mem>>) src(%arg18 : memref<8192xi32, #tpu.memory_space<vmem>>) dst(%dma_wait3A_45 : memref<8192xi32, #tpu.memory_space<hbm>>)
      tpu.yield
    }) : () -> ()
    %mul3A_42 = arith.constant 10240 : i32
    %mul3A_43 = arith.muli %add3A, %mul3A_42 : i32
    "tpu.region"() ({
      %run_scoped3A = tpu.sem_alloc : memref<!tpu.dma_semaphore, #tpu.memory_space<semaphore_mem>>
      %dma_start3A = tpu.memref_slice %arg7[%mul3A_43] : memref<327680xi32, #tpu.memory_space<hbm>> -> memref<10240xi32, #tpu.memory_space<hbm>>
      %dma_start3A_44 = tpu.memref_slice %arg7[%mul3A_43] : memref<327680xi32, #tpu.memory_space<hbm>> -> memref<10240xi32, #tpu.memory_space<hbm>>
      tpu.enqueue_dma source(%arg19 : memref<10240xi32, #tpu.memory_space<vmem>>) target(%dma_start3A_44 : memref<10240xi32, #tpu.memory_space<hbm>>) target_semaphore(%run_scoped3A : memref<!tpu.dma_semaphore, #tpu.memory_space<semaphore_mem>>)
      %dma_wait3A = tpu.memref_slice %arg7[%mul3A_43] : memref<327680xi32, #tpu.memory_space<hbm>> -> memref<10240xi32, #tpu.memory_space<hbm>>
      %dma_wait3A_45 = tpu.memref_slice %arg7[%mul3A_43] : memref<327680xi32, #tpu.memory_space<hbm>> -> memref<10240xi32, #tpu.memory_space<hbm>>
      tpu.wait_dma2 semaphore(%run_scoped3A : memref<!tpu.dma_semaphore, #tpu.memory_space<semaphore_mem>>) src(%arg19 : memref<10240xi32, #tpu.memory_space<vmem>>) dst(%dma_wait3A_45 : memref<10240xi32, #tpu.memory_space<hbm>>)
      tpu.yield
    }) : () -> ()
    return
  }
}

#map = affine_map<(d0, d1) -> (0, 0)>
#map1 = affine_map<(d0, d1) -> (0, 0, 0)>
module attributes {stable_mosaic.version = 14 : i64} {
  func.func @_gather_body(%arg0: i32, %arg1: i32, %arg2: memref<32768x32xf32, #tpu.memory_space<hbm>>, %arg3: memref<32768x32xf32, #tpu.memory_space<hbm>>, %arg4: memref<32x16x128xi32, #tpu.memory_space<hbm>>, %arg5: memref<32x32x128xi32, #tpu.memory_space<hbm>>, %arg6: memref<65536x32xf32, #tpu.memory_space<hbm>>, %arg7: memref<131072x32xf32, #tpu.memory_space<hbm>>, %arg8: memref<16x128xi32, #tpu.memory_space<vmem>>, %arg9: memref<32x128xi32, #tpu.memory_space<vmem>>, %arg10: memref<2048x32xf32, #tpu.memory_space<vmem>>, %arg11: memref<!tpu.dma_semaphore, #tpu.memory_space<semaphore_mem>>) attributes {dimension_semantics = [#tpu.dimension_semantics<core_parallel>, #tpu.dimension_semantics<subcore_parallel>], iteration_bounds = array<i64: 2, 16>, scalar_prefetch = 0 : i64, scratch_operands = 4 : i64, tpu.core_type = #tpu.core_type<sc_vector_subcore>, window_params = [{transform_indices = #map}, {transform_indices = #map}, {transform_indices = #map1}, {transform_indices = #map1}, {transform_indices = #map}, {transform_indices = #map}]} {
    %mul3A = arith.constant 2 : i32
    %mul3A_0 = arith.muli %arg1, %mul3A : i32
    %add3A = arith.addi %mul3A_0, %arg0 : i32
    "tpu.region"() ({
      %run_scoped3A = tpu.sem_alloc : memref<!tpu.dma_semaphore, #tpu.memory_space<semaphore_mem>>
      %dma_start3A_509 = arith.constant 0 : i32
      %dma_start3A_510 = arith.constant 0 : i32
      %dma_start3A_511 = tpu.memref_slice %arg4[%add3A, %dma_start3A_509, %dma_start3A_510] : memref<32x16x128xi32, #tpu.memory_space<hbm>> -> memref<1x16x128xi32, #tpu.memory_space<hbm>>
      %dma_start3A_512 = tpu.memref_squeeze %dma_start3A_511 : memref<1x16x128xi32, #tpu.memory_space<hbm>> -> memref<16x128xi32, #tpu.memory_space<hbm>>
      %dma_start3A_513 = arith.constant 0 : i32
      %dma_start3A_514 = arith.constant 0 : i32
      %dma_start3A_515 = tpu.memref_slice %arg4[%add3A, %dma_start3A_513, %dma_start3A_514] : memref<32x16x128xi32, #tpu.memory_space<hbm>> -> memref<1x16x128xi32, #tpu.memory_space<hbm>>
      %dma_start3A_516 = tpu.memref_squeeze %dma_start3A_515 : memref<1x16x128xi32, #tpu.memory_space<hbm>> -> memref<16x128xi32, #tpu.memory_space<hbm>>
      tpu.enqueue_dma source(%dma_start3A_516 : memref<16x128xi32, #tpu.memory_space<hbm>>) target(%arg8 : memref<16x128xi32, #tpu.memory_space<vmem>>) target_semaphore(%run_scoped3A : memref<!tpu.dma_semaphore, #tpu.memory_space<semaphore_mem>>)
      %dma_wait3A_517 = arith.constant 0 : i32
      %dma_wait3A_518 = arith.constant 0 : i32
      %dma_wait3A_519 = tpu.memref_slice %arg4[%add3A, %dma_wait3A_517, %dma_wait3A_518] : memref<32x16x128xi32, #tpu.memory_space<hbm>> -> memref<1x16x128xi32, #tpu.memory_space<hbm>>
      %dma_wait3A_520 = tpu.memref_squeeze %dma_wait3A_519 : memref<1x16x128xi32, #tpu.memory_space<hbm>> -> memref<16x128xi32, #tpu.memory_space<hbm>>
      %dma_wait3A_521 = arith.constant 0 : i32
      %dma_wait3A_522 = arith.constant 0 : i32
      %dma_wait3A_523 = tpu.memref_slice %arg4[%add3A, %dma_wait3A_521, %dma_wait3A_522] : memref<32x16x128xi32, #tpu.memory_space<hbm>> -> memref<1x16x128xi32, #tpu.memory_space<hbm>>
      %dma_wait3A_524 = tpu.memref_squeeze %dma_wait3A_523 : memref<1x16x128xi32, #tpu.memory_space<hbm>> -> memref<16x128xi32, #tpu.memory_space<hbm>>
      tpu.wait_dma2 semaphore(%run_scoped3A : memref<!tpu.dma_semaphore, #tpu.memory_space<semaphore_mem>>) src(%dma_wait3A_524 : memref<16x128xi32, #tpu.memory_space<hbm>>) dst(%arg8 : memref<16x128xi32, #tpu.memory_space<vmem>>)
      tpu.yield
    }) : () -> ()
    "tpu.region"() ({
      %run_scoped3A = tpu.sem_alloc : memref<!tpu.dma_semaphore, #tpu.memory_space<semaphore_mem>>
      %dma_start3A_509 = arith.constant 0 : i32
      %dma_start3A_510 = arith.constant 0 : i32
      %dma_start3A_511 = tpu.memref_slice %arg5[%add3A, %dma_start3A_509, %dma_start3A_510] : memref<32x32x128xi32, #tpu.memory_space<hbm>> -> memref<1x32x128xi32, #tpu.memory_space<hbm>>
      %dma_start3A_512 = tpu.memref_squeeze %dma_start3A_511 : memref<1x32x128xi32, #tpu.memory_space<hbm>> -> memref<32x128xi32, #tpu.memory_space<hbm>>
      %dma_start3A_513 = arith.constant 0 : i32
      %dma_start3A_514 = arith.constant 0 : i32
      %dma_start3A_515 = tpu.memref_slice %arg5[%add3A, %dma_start3A_513, %dma_start3A_514] : memref<32x32x128xi32, #tpu.memory_space<hbm>> -> memref<1x32x128xi32, #tpu.memory_space<hbm>>
      %dma_start3A_516 = tpu.memref_squeeze %dma_start3A_515 : memref<1x32x128xi32, #tpu.memory_space<hbm>> -> memref<32x128xi32, #tpu.memory_space<hbm>>
      tpu.enqueue_dma source(%dma_start3A_516 : memref<32x128xi32, #tpu.memory_space<hbm>>) target(%arg9 : memref<32x128xi32, #tpu.memory_space<vmem>>) target_semaphore(%run_scoped3A : memref<!tpu.dma_semaphore, #tpu.memory_space<semaphore_mem>>)
      %dma_wait3A_517 = arith.constant 0 : i32
      %dma_wait3A_518 = arith.constant 0 : i32
      %dma_wait3A_519 = tpu.memref_slice %arg5[%add3A, %dma_wait3A_517, %dma_wait3A_518] : memref<32x32x128xi32, #tpu.memory_space<hbm>> -> memref<1x32x128xi32, #tpu.memory_space<hbm>>
      %dma_wait3A_520 = tpu.memref_squeeze %dma_wait3A_519 : memref<1x32x128xi32, #tpu.memory_space<hbm>> -> memref<32x128xi32, #tpu.memory_space<hbm>>
      %dma_wait3A_521 = arith.constant 0 : i32
      %dma_wait3A_522 = arith.constant 0 : i32
      %dma_wait3A_523 = tpu.memref_slice %arg5[%add3A, %dma_wait3A_521, %dma_wait3A_522] : memref<32x32x128xi32, #tpu.memory_space<hbm>> -> memref<1x32x128xi32, #tpu.memory_space<hbm>>
      %dma_wait3A_524 = tpu.memref_squeeze %dma_wait3A_523 : memref<1x32x128xi32, #tpu.memory_space<hbm>> -> memref<32x128xi32, #tpu.memory_space<hbm>>
      tpu.wait_dma2 semaphore(%run_scoped3A : memref<!tpu.dma_semaphore, #tpu.memory_space<semaphore_mem>>) src(%dma_wait3A_524 : memref<32x128xi32, #tpu.memory_space<hbm>>) dst(%arg9 : memref<32x128xi32, #tpu.memory_space<vmem>>)
      tpu.yield
    }) : () -> ()
    %mul3A_1 = arith.constant 2048 : i32
    %mul3A_2 = arith.muli %add3A, %mul3A_1 : i32
    %dma_start3A = arith.constant 0 : i32
    %dma_start3A_3 = arith.constant 0 : i32
    %dma_start3A_4 = arith.constant 0 : i32
    %dma_start3A_5 = tpu.memref_slice %arg10[%dma_start3A_3, %dma_start3A_4] : memref<2048x32xf32, #tpu.memory_space<vmem>> -> memref<128x32xf32, #tpu.memory_space<vmem>>
    %dma_start3A_6 = arith.constant 0 : i32
    %dma_start3A_7 = tpu.memref_slice %arg8[%dma_start3A, %dma_start3A_6] : memref<16x128xi32, #tpu.memory_space<vmem>> -> memref<1x128xi32, #tpu.memory_space<vmem>>
    %dma_start3A_8 = tpu.memref_squeeze %dma_start3A_7 : memref<1x128xi32, #tpu.memory_space<vmem>> -> memref<128xi32, #tpu.memory_space<vmem>>
    %dma_start3A_9 = arith.constant 0 : i32
    %dma_start3A_10 = arith.constant 0 : i32
    %dma_start3A_11 = tpu.memref_slice %arg2[%dma_start3A_9, %dma_start3A_10] : memref<32768x32xf32, #tpu.memory_space<hbm>> -> memref<32768x32xf32, #tpu.memory_space<hbm>>
    tpu.enqueue_indirect_dma source(%dma_start3A_11 : memref<32768x32xf32, #tpu.memory_space<hbm>>) target(%dma_start3A_5 : memref<128x32xf32, #tpu.memory_space<vmem>>) offsets(%dma_start3A_8 : memref<128xi32, #tpu.memory_space<vmem>>) semaphore(%arg11 : memref<!tpu.dma_semaphore, #tpu.memory_space<semaphore_mem>>)
    %dma_start3A_12 = arith.constant 1 : i32
    %dma_start3A_13 = arith.constant 128 : i32
    %dma_start3A_14 = arith.constant 0 : i32
    %dma_start3A_15 = tpu.memref_slice %arg10[%dma_start3A_13, %dma_start3A_14] : memref<2048x32xf32, #tpu.memory_space<vmem>> -> memref<128x32xf32, #tpu.memory_space<vmem>>
    %dma_start3A_16 = arith.constant 0 : i32
    %dma_start3A_17 = tpu.memref_slice %arg8[%dma_start3A_12, %dma_start3A_16] : memref<16x128xi32, #tpu.memory_space<vmem>> -> memref<1x128xi32, #tpu.memory_space<vmem>>
    %dma_start3A_18 = tpu.memref_squeeze %dma_start3A_17 : memref<1x128xi32, #tpu.memory_space<vmem>> -> memref<128xi32, #tpu.memory_space<vmem>>
    %dma_start3A_19 = arith.constant 0 : i32
    %dma_start3A_20 = arith.constant 0 : i32
    %dma_start3A_21 = tpu.memref_slice %arg2[%dma_start3A_19, %dma_start3A_20] : memref<32768x32xf32, #tpu.memory_space<hbm>> -> memref<32768x32xf32, #tpu.memory_space<hbm>>
    tpu.enqueue_indirect_dma source(%dma_start3A_21 : memref<32768x32xf32, #tpu.memory_space<hbm>>) target(%dma_start3A_15 : memref<128x32xf32, #tpu.memory_space<vmem>>) offsets(%dma_start3A_18 : memref<128xi32, #tpu.memory_space<vmem>>) semaphore(%arg11 : memref<!tpu.dma_semaphore, #tpu.memory_space<semaphore_mem>>)
    %dma_start3A_22 = arith.constant 2 : i32
    %dma_start3A_23 = arith.constant 256 : i32
    %dma_start3A_24 = arith.constant 0 : i32
    %dma_start3A_25 = tpu.memref_slice %arg10[%dma_start3A_23, %dma_start3A_24] : memref<2048x32xf32, #tpu.memory_space<vmem>> -> memref<128x32xf32, #tpu.memory_space<vmem>>
    %dma_start3A_26 = arith.constant 0 : i32
    %dma_start3A_27 = tpu.memref_slice %arg8[%dma_start3A_22, %dma_start3A_26] : memref<16x128xi32, #tpu.memory_space<vmem>> -> memref<1x128xi32, #tpu.memory_space<vmem>>
    %dma_start3A_28 = tpu.memref_squeeze %dma_start3A_27 : memref<1x128xi32, #tpu.memory_space<vmem>> -> memref<128xi32, #tpu.memory_space<vmem>>
    %dma_start3A_29 = arith.constant 0 : i32
    %dma_start3A_30 = arith.constant 0 : i32
    %dma_start3A_31 = tpu.memref_slice %arg2[%dma_start3A_29, %dma_start3A_30] : memref<32768x32xf32, #tpu.memory_space<hbm>> -> memref<32768x32xf32, #tpu.memory_space<hbm>>
    tpu.enqueue_indirect_dma source(%dma_start3A_31 : memref<32768x32xf32, #tpu.memory_space<hbm>>) target(%dma_start3A_25 : memref<128x32xf32, #tpu.memory_space<vmem>>) offsets(%dma_start3A_28 : memref<128xi32, #tpu.memory_space<vmem>>) semaphore(%arg11 : memref<!tpu.dma_semaphore, #tpu.memory_space<semaphore_mem>>)
    %dma_start3A_32 = arith.constant 3 : i32
    %dma_start3A_33 = arith.constant 384 : i32
    %dma_start3A_34 = arith.constant 0 : i32
    %dma_start3A_35 = tpu.memref_slice %arg10[%dma_start3A_33, %dma_start3A_34] : memref<2048x32xf32, #tpu.memory_space<vmem>> -> memref<128x32xf32, #tpu.memory_space<vmem>>
    %dma_start3A_36 = arith.constant 0 : i32
    %dma_start3A_37 = tpu.memref_slice %arg8[%dma_start3A_32, %dma_start3A_36] : memref<16x128xi32, #tpu.memory_space<vmem>> -> memref<1x128xi32, #tpu.memory_space<vmem>>
    %dma_start3A_38 = tpu.memref_squeeze %dma_start3A_37 : memref<1x128xi32, #tpu.memory_space<vmem>> -> memref<128xi32, #tpu.memory_space<vmem>>
    %dma_start3A_39 = arith.constant 0 : i32
    %dma_start3A_40 = arith.constant 0 : i32
    %dma_start3A_41 = tpu.memref_slice %arg2[%dma_start3A_39, %dma_start3A_40] : memref<32768x32xf32, #tpu.memory_space<hbm>> -> memref<32768x32xf32, #tpu.memory_space<hbm>>
    tpu.enqueue_indirect_dma source(%dma_start3A_41 : memref<32768x32xf32, #tpu.memory_space<hbm>>) target(%dma_start3A_35 : memref<128x32xf32, #tpu.memory_space<vmem>>) offsets(%dma_start3A_38 : memref<128xi32, #tpu.memory_space<vmem>>) semaphore(%arg11 : memref<!tpu.dma_semaphore, #tpu.memory_space<semaphore_mem>>)
    %dma_start3A_42 = arith.constant 4 : i32
    %dma_start3A_43 = arith.constant 512 : i32
    %dma_start3A_44 = arith.constant 0 : i32
    %dma_start3A_45 = tpu.memref_slice %arg10[%dma_start3A_43, %dma_start3A_44] : memref<2048x32xf32, #tpu.memory_space<vmem>> -> memref<128x32xf32, #tpu.memory_space<vmem>>
    %dma_start3A_46 = arith.constant 0 : i32
    %dma_start3A_47 = tpu.memref_slice %arg8[%dma_start3A_42, %dma_start3A_46] : memref<16x128xi32, #tpu.memory_space<vmem>> -> memref<1x128xi32, #tpu.memory_space<vmem>>
    %dma_start3A_48 = tpu.memref_squeeze %dma_start3A_47 : memref<1x128xi32, #tpu.memory_space<vmem>> -> memref<128xi32, #tpu.memory_space<vmem>>
    %dma_start3A_49 = arith.constant 0 : i32
    %dma_start3A_50 = arith.constant 0 : i32
    %dma_start3A_51 = tpu.memref_slice %arg2[%dma_start3A_49, %dma_start3A_50] : memref<32768x32xf32, #tpu.memory_space<hbm>> -> memref<32768x32xf32, #tpu.memory_space<hbm>>
    tpu.enqueue_indirect_dma source(%dma_start3A_51 : memref<32768x32xf32, #tpu.memory_space<hbm>>) target(%dma_start3A_45 : memref<128x32xf32, #tpu.memory_space<vmem>>) offsets(%dma_start3A_48 : memref<128xi32, #tpu.memory_space<vmem>>) semaphore(%arg11 : memref<!tpu.dma_semaphore, #tpu.memory_space<semaphore_mem>>)
    %dma_start3A_52 = arith.constant 5 : i32
    %dma_start3A_53 = arith.constant 640 : i32
    %dma_start3A_54 = arith.constant 0 : i32
    %dma_start3A_55 = tpu.memref_slice %arg10[%dma_start3A_53, %dma_start3A_54] : memref<2048x32xf32, #tpu.memory_space<vmem>> -> memref<128x32xf32, #tpu.memory_space<vmem>>
    %dma_start3A_56 = arith.constant 0 : i32
    %dma_start3A_57 = tpu.memref_slice %arg8[%dma_start3A_52, %dma_start3A_56] : memref<16x128xi32, #tpu.memory_space<vmem>> -> memref<1x128xi32, #tpu.memory_space<vmem>>
    %dma_start3A_58 = tpu.memref_squeeze %dma_start3A_57 : memref<1x128xi32, #tpu.memory_space<vmem>> -> memref<128xi32, #tpu.memory_space<vmem>>
    %dma_start3A_59 = arith.constant 0 : i32
    %dma_start3A_60 = arith.constant 0 : i32
    %dma_start3A_61 = tpu.memref_slice %arg2[%dma_start3A_59, %dma_start3A_60] : memref<32768x32xf32, #tpu.memory_space<hbm>> -> memref<32768x32xf32, #tpu.memory_space<hbm>>
    tpu.enqueue_indirect_dma source(%dma_start3A_61 : memref<32768x32xf32, #tpu.memory_space<hbm>>) target(%dma_start3A_55 : memref<128x32xf32, #tpu.memory_space<vmem>>) offsets(%dma_start3A_58 : memref<128xi32, #tpu.memory_space<vmem>>) semaphore(%arg11 : memref<!tpu.dma_semaphore, #tpu.memory_space<semaphore_mem>>)
    %dma_start3A_62 = arith.constant 6 : i32
    %dma_start3A_63 = arith.constant 768 : i32
    %dma_start3A_64 = arith.constant 0 : i32
    %dma_start3A_65 = tpu.memref_slice %arg10[%dma_start3A_63, %dma_start3A_64] : memref<2048x32xf32, #tpu.memory_space<vmem>> -> memref<128x32xf32, #tpu.memory_space<vmem>>
    %dma_start3A_66 = arith.constant 0 : i32
    %dma_start3A_67 = tpu.memref_slice %arg8[%dma_start3A_62, %dma_start3A_66] : memref<16x128xi32, #tpu.memory_space<vmem>> -> memref<1x128xi32, #tpu.memory_space<vmem>>
    %dma_start3A_68 = tpu.memref_squeeze %dma_start3A_67 : memref<1x128xi32, #tpu.memory_space<vmem>> -> memref<128xi32, #tpu.memory_space<vmem>>
    %dma_start3A_69 = arith.constant 0 : i32
    %dma_start3A_70 = arith.constant 0 : i32
    %dma_start3A_71 = tpu.memref_slice %arg2[%dma_start3A_69, %dma_start3A_70] : memref<32768x32xf32, #tpu.memory_space<hbm>> -> memref<32768x32xf32, #tpu.memory_space<hbm>>
    tpu.enqueue_indirect_dma source(%dma_start3A_71 : memref<32768x32xf32, #tpu.memory_space<hbm>>) target(%dma_start3A_65 : memref<128x32xf32, #tpu.memory_space<vmem>>) offsets(%dma_start3A_68 : memref<128xi32, #tpu.memory_space<vmem>>) semaphore(%arg11 : memref<!tpu.dma_semaphore, #tpu.memory_space<semaphore_mem>>)
    %dma_start3A_72 = arith.constant 7 : i32
    %dma_start3A_73 = arith.constant 896 : i32
    %dma_start3A_74 = arith.constant 0 : i32
    %dma_start3A_75 = tpu.memref_slice %arg10[%dma_start3A_73, %dma_start3A_74] : memref<2048x32xf32, #tpu.memory_space<vmem>> -> memref<128x32xf32, #tpu.memory_space<vmem>>
    %dma_start3A_76 = arith.constant 0 : i32
    %dma_start3A_77 = tpu.memref_slice %arg8[%dma_start3A_72, %dma_start3A_76] : memref<16x128xi32, #tpu.memory_space<vmem>> -> memref<1x128xi32, #tpu.memory_space<vmem>>
    %dma_start3A_78 = tpu.memref_squeeze %dma_start3A_77 : memref<1x128xi32, #tpu.memory_space<vmem>> -> memref<128xi32, #tpu.memory_space<vmem>>
    %dma_start3A_79 = arith.constant 0 : i32
    %dma_start3A_80 = arith.constant 0 : i32
    %dma_start3A_81 = tpu.memref_slice %arg2[%dma_start3A_79, %dma_start3A_80] : memref<32768x32xf32, #tpu.memory_space<hbm>> -> memref<32768x32xf32, #tpu.memory_space<hbm>>
    tpu.enqueue_indirect_dma source(%dma_start3A_81 : memref<32768x32xf32, #tpu.memory_space<hbm>>) target(%dma_start3A_75 : memref<128x32xf32, #tpu.memory_space<vmem>>) offsets(%dma_start3A_78 : memref<128xi32, #tpu.memory_space<vmem>>) semaphore(%arg11 : memref<!tpu.dma_semaphore, #tpu.memory_space<semaphore_mem>>)
    %dma_start3A_82 = arith.constant 8 : i32
    %dma_start3A_83 = arith.constant 1024 : i32
    %dma_start3A_84 = arith.constant 0 : i32
    %dma_start3A_85 = tpu.memref_slice %arg10[%dma_start3A_83, %dma_start3A_84] : memref<2048x32xf32, #tpu.memory_space<vmem>> -> memref<128x32xf32, #tpu.memory_space<vmem>>
    %dma_start3A_86 = arith.constant 0 : i32
    %dma_start3A_87 = tpu.memref_slice %arg8[%dma_start3A_82, %dma_start3A_86] : memref<16x128xi32, #tpu.memory_space<vmem>> -> memref<1x128xi32, #tpu.memory_space<vmem>>
    %dma_start3A_88 = tpu.memref_squeeze %dma_start3A_87 : memref<1x128xi32, #tpu.memory_space<vmem>> -> memref<128xi32, #tpu.memory_space<vmem>>
    %dma_start3A_89 = arith.constant 0 : i32
    %dma_start3A_90 = arith.constant 0 : i32
    %dma_start3A_91 = tpu.memref_slice %arg2[%dma_start3A_89, %dma_start3A_90] : memref<32768x32xf32, #tpu.memory_space<hbm>> -> memref<32768x32xf32, #tpu.memory_space<hbm>>
    tpu.enqueue_indirect_dma source(%dma_start3A_91 : memref<32768x32xf32, #tpu.memory_space<hbm>>) target(%dma_start3A_85 : memref<128x32xf32, #tpu.memory_space<vmem>>) offsets(%dma_start3A_88 : memref<128xi32, #tpu.memory_space<vmem>>) semaphore(%arg11 : memref<!tpu.dma_semaphore, #tpu.memory_space<semaphore_mem>>)
    %dma_start3A_92 = arith.constant 9 : i32
    %dma_start3A_93 = arith.constant 1152 : i32
    %dma_start3A_94 = arith.constant 0 : i32
    %dma_start3A_95 = tpu.memref_slice %arg10[%dma_start3A_93, %dma_start3A_94] : memref<2048x32xf32, #tpu.memory_space<vmem>> -> memref<128x32xf32, #tpu.memory_space<vmem>>
    %dma_start3A_96 = arith.constant 0 : i32
    %dma_start3A_97 = tpu.memref_slice %arg8[%dma_start3A_92, %dma_start3A_96] : memref<16x128xi32, #tpu.memory_space<vmem>> -> memref<1x128xi32, #tpu.memory_space<vmem>>
    %dma_start3A_98 = tpu.memref_squeeze %dma_start3A_97 : memref<1x128xi32, #tpu.memory_space<vmem>> -> memref<128xi32, #tpu.memory_space<vmem>>
    %dma_start3A_99 = arith.constant 0 : i32
    %dma_start3A_100 = arith.constant 0 : i32
    %dma_start3A_101 = tpu.memref_slice %arg2[%dma_start3A_99, %dma_start3A_100] : memref<32768x32xf32, #tpu.memory_space<hbm>> -> memref<32768x32xf32, #tpu.memory_space<hbm>>
    tpu.enqueue_indirect_dma source(%dma_start3A_101 : memref<32768x32xf32, #tpu.memory_space<hbm>>) target(%dma_start3A_95 : memref<128x32xf32, #tpu.memory_space<vmem>>) offsets(%dma_start3A_98 : memref<128xi32, #tpu.memory_space<vmem>>) semaphore(%arg11 : memref<!tpu.dma_semaphore, #tpu.memory_space<semaphore_mem>>)
    %dma_start3A_102 = arith.constant 10 : i32
    %dma_start3A_103 = arith.constant 1280 : i32
    %dma_start3A_104 = arith.constant 0 : i32
    %dma_start3A_105 = tpu.memref_slice %arg10[%dma_start3A_103, %dma_start3A_104] : memref<2048x32xf32, #tpu.memory_space<vmem>> -> memref<128x32xf32, #tpu.memory_space<vmem>>
    %dma_start3A_106 = arith.constant 0 : i32
    %dma_start3A_107 = tpu.memref_slice %arg8[%dma_start3A_102, %dma_start3A_106] : memref<16x128xi32, #tpu.memory_space<vmem>> -> memref<1x128xi32, #tpu.memory_space<vmem>>
    %dma_start3A_108 = tpu.memref_squeeze %dma_start3A_107 : memref<1x128xi32, #tpu.memory_space<vmem>> -> memref<128xi32, #tpu.memory_space<vmem>>
    %dma_start3A_109 = arith.constant 0 : i32
    %dma_start3A_110 = arith.constant 0 : i32
    %dma_start3A_111 = tpu.memref_slice %arg2[%dma_start3A_109, %dma_start3A_110] : memref<32768x32xf32, #tpu.memory_space<hbm>> -> memref<32768x32xf32, #tpu.memory_space<hbm>>
    tpu.enqueue_indirect_dma source(%dma_start3A_111 : memref<32768x32xf32, #tpu.memory_space<hbm>>) target(%dma_start3A_105 : memref<128x32xf32, #tpu.memory_space<vmem>>) offsets(%dma_start3A_108 : memref<128xi32, #tpu.memory_space<vmem>>) semaphore(%arg11 : memref<!tpu.dma_semaphore, #tpu.memory_space<semaphore_mem>>)
    %dma_start3A_112 = arith.constant 11 : i32
    %dma_start3A_113 = arith.constant 1408 : i32
    %dma_start3A_114 = arith.constant 0 : i32
    %dma_start3A_115 = tpu.memref_slice %arg10[%dma_start3A_113, %dma_start3A_114] : memref<2048x32xf32, #tpu.memory_space<vmem>> -> memref<128x32xf32, #tpu.memory_space<vmem>>
    %dma_start3A_116 = arith.constant 0 : i32
    %dma_start3A_117 = tpu.memref_slice %arg8[%dma_start3A_112, %dma_start3A_116] : memref<16x128xi32, #tpu.memory_space<vmem>> -> memref<1x128xi32, #tpu.memory_space<vmem>>
    %dma_start3A_118 = tpu.memref_squeeze %dma_start3A_117 : memref<1x128xi32, #tpu.memory_space<vmem>> -> memref<128xi32, #tpu.memory_space<vmem>>
    %dma_start3A_119 = arith.constant 0 : i32
    %dma_start3A_120 = arith.constant 0 : i32
    %dma_start3A_121 = tpu.memref_slice %arg2[%dma_start3A_119, %dma_start3A_120] : memref<32768x32xf32, #tpu.memory_space<hbm>> -> memref<32768x32xf32, #tpu.memory_space<hbm>>
    tpu.enqueue_indirect_dma source(%dma_start3A_121 : memref<32768x32xf32, #tpu.memory_space<hbm>>) target(%dma_start3A_115 : memref<128x32xf32, #tpu.memory_space<vmem>>) offsets(%dma_start3A_118 : memref<128xi32, #tpu.memory_space<vmem>>) semaphore(%arg11 : memref<!tpu.dma_semaphore, #tpu.memory_space<semaphore_mem>>)
    %dma_start3A_122 = arith.constant 12 : i32
    %dma_start3A_123 = arith.constant 1536 : i32
    %dma_start3A_124 = arith.constant 0 : i32
    %dma_start3A_125 = tpu.memref_slice %arg10[%dma_start3A_123, %dma_start3A_124] : memref<2048x32xf32, #tpu.memory_space<vmem>> -> memref<128x32xf32, #tpu.memory_space<vmem>>
    %dma_start3A_126 = arith.constant 0 : i32
    %dma_start3A_127 = tpu.memref_slice %arg8[%dma_start3A_122, %dma_start3A_126] : memref<16x128xi32, #tpu.memory_space<vmem>> -> memref<1x128xi32, #tpu.memory_space<vmem>>
    %dma_start3A_128 = tpu.memref_squeeze %dma_start3A_127 : memref<1x128xi32, #tpu.memory_space<vmem>> -> memref<128xi32, #tpu.memory_space<vmem>>
    %dma_start3A_129 = arith.constant 0 : i32
    %dma_start3A_130 = arith.constant 0 : i32
    %dma_start3A_131 = tpu.memref_slice %arg2[%dma_start3A_129, %dma_start3A_130] : memref<32768x32xf32, #tpu.memory_space<hbm>> -> memref<32768x32xf32, #tpu.memory_space<hbm>>
    tpu.enqueue_indirect_dma source(%dma_start3A_131 : memref<32768x32xf32, #tpu.memory_space<hbm>>) target(%dma_start3A_125 : memref<128x32xf32, #tpu.memory_space<vmem>>) offsets(%dma_start3A_128 : memref<128xi32, #tpu.memory_space<vmem>>) semaphore(%arg11 : memref<!tpu.dma_semaphore, #tpu.memory_space<semaphore_mem>>)
    %dma_start3A_132 = arith.constant 13 : i32
    %dma_start3A_133 = arith.constant 1664 : i32
    %dma_start3A_134 = arith.constant 0 : i32
    %dma_start3A_135 = tpu.memref_slice %arg10[%dma_start3A_133, %dma_start3A_134] : memref<2048x32xf32, #tpu.memory_space<vmem>> -> memref<128x32xf32, #tpu.memory_space<vmem>>
    %dma_start3A_136 = arith.constant 0 : i32
    %dma_start3A_137 = tpu.memref_slice %arg8[%dma_start3A_132, %dma_start3A_136] : memref<16x128xi32, #tpu.memory_space<vmem>> -> memref<1x128xi32, #tpu.memory_space<vmem>>
    %dma_start3A_138 = tpu.memref_squeeze %dma_start3A_137 : memref<1x128xi32, #tpu.memory_space<vmem>> -> memref<128xi32, #tpu.memory_space<vmem>>
    %dma_start3A_139 = arith.constant 0 : i32
    %dma_start3A_140 = arith.constant 0 : i32
    %dma_start3A_141 = tpu.memref_slice %arg2[%dma_start3A_139, %dma_start3A_140] : memref<32768x32xf32, #tpu.memory_space<hbm>> -> memref<32768x32xf32, #tpu.memory_space<hbm>>
    tpu.enqueue_indirect_dma source(%dma_start3A_141 : memref<32768x32xf32, #tpu.memory_space<hbm>>) target(%dma_start3A_135 : memref<128x32xf32, #tpu.memory_space<vmem>>) offsets(%dma_start3A_138 : memref<128xi32, #tpu.memory_space<vmem>>) semaphore(%arg11 : memref<!tpu.dma_semaphore, #tpu.memory_space<semaphore_mem>>)
    %dma_start3A_142 = arith.constant 14 : i32
    %dma_start3A_143 = arith.constant 1792 : i32
    %dma_start3A_144 = arith.constant 0 : i32
    %dma_start3A_145 = tpu.memref_slice %arg10[%dma_start3A_143, %dma_start3A_144] : memref<2048x32xf32, #tpu.memory_space<vmem>> -> memref<128x32xf32, #tpu.memory_space<vmem>>
    %dma_start3A_146 = arith.constant 0 : i32
    %dma_start3A_147 = tpu.memref_slice %arg8[%dma_start3A_142, %dma_start3A_146] : memref<16x128xi32, #tpu.memory_space<vmem>> -> memref<1x128xi32, #tpu.memory_space<vmem>>
    %dma_start3A_148 = tpu.memref_squeeze %dma_start3A_147 : memref<1x128xi32, #tpu.memory_space<vmem>> -> memref<128xi32, #tpu.memory_space<vmem>>
    %dma_start3A_149 = arith.constant 0 : i32
    %dma_start3A_150 = arith.constant 0 : i32
    %dma_start3A_151 = tpu.memref_slice %arg2[%dma_start3A_149, %dma_start3A_150] : memref<32768x32xf32, #tpu.memory_space<hbm>> -> memref<32768x32xf32, #tpu.memory_space<hbm>>
    tpu.enqueue_indirect_dma source(%dma_start3A_151 : memref<32768x32xf32, #tpu.memory_space<hbm>>) target(%dma_start3A_145 : memref<128x32xf32, #tpu.memory_space<vmem>>) offsets(%dma_start3A_148 : memref<128xi32, #tpu.memory_space<vmem>>) semaphore(%arg11 : memref<!tpu.dma_semaphore, #tpu.memory_space<semaphore_mem>>)
    %dma_start3A_152 = arith.constant 15 : i32
    %dma_start3A_153 = arith.constant 1920 : i32
    %dma_start3A_154 = arith.constant 0 : i32
    %dma_start3A_155 = tpu.memref_slice %arg10[%dma_start3A_153, %dma_start3A_154] : memref<2048x32xf32, #tpu.memory_space<vmem>> -> memref<128x32xf32, #tpu.memory_space<vmem>>
    %dma_start3A_156 = arith.constant 0 : i32
    %dma_start3A_157 = tpu.memref_slice %arg8[%dma_start3A_152, %dma_start3A_156] : memref<16x128xi32, #tpu.memory_space<vmem>> -> memref<1x128xi32, #tpu.memory_space<vmem>>
    %dma_start3A_158 = tpu.memref_squeeze %dma_start3A_157 : memref<1x128xi32, #tpu.memory_space<vmem>> -> memref<128xi32, #tpu.memory_space<vmem>>
    %dma_start3A_159 = arith.constant 0 : i32
    %dma_start3A_160 = arith.constant 0 : i32
    %dma_start3A_161 = tpu.memref_slice %arg2[%dma_start3A_159, %dma_start3A_160] : memref<32768x32xf32, #tpu.memory_space<hbm>> -> memref<32768x32xf32, #tpu.memory_space<hbm>>
    tpu.enqueue_indirect_dma source(%dma_start3A_161 : memref<32768x32xf32, #tpu.memory_space<hbm>>) target(%dma_start3A_155 : memref<128x32xf32, #tpu.memory_space<vmem>>) offsets(%dma_start3A_158 : memref<128xi32, #tpu.memory_space<vmem>>) semaphore(%arg11 : memref<!tpu.dma_semaphore, #tpu.memory_space<semaphore_mem>>)
    %dma_wait3A = arith.constant 0 : i32
    %dma_wait3A_162 = arith.constant 0 : i32
    %dma_wait3A_163 = tpu.memref_slice %arg2[%dma_wait3A, %dma_wait3A_162] : memref<32768x32xf32, #tpu.memory_space<hbm>> -> memref<2048x32xf32, #tpu.memory_space<hbm>>
    %dma_wait3A_164 = arith.constant 0 : i32
    %dma_wait3A_165 = arith.constant 0 : i32
    %dma_wait3A_166 = tpu.memref_slice %arg2[%dma_wait3A_164, %dma_wait3A_165] : memref<32768x32xf32, #tpu.memory_space<hbm>> -> memref<2048x32xf32, #tpu.memory_space<hbm>>
    tpu.wait_dma2 semaphore(%arg11 : memref<!tpu.dma_semaphore, #tpu.memory_space<semaphore_mem>>) src(%dma_wait3A_166 : memref<2048x32xf32, #tpu.memory_space<hbm>>) dst(%arg10 : memref<2048x32xf32, #tpu.memory_space<vmem>>)
    "tpu.region"() ({
      %run_scoped3A = tpu.sem_alloc : memref<!tpu.dma_semaphore, #tpu.memory_space<semaphore_mem>>
      %dma_start3A_509 = arith.constant 0 : i32
      %dma_start3A_510 = tpu.memref_slice %arg6[%mul3A_2, %dma_start3A_509] : memref<65536x32xf32, #tpu.memory_space<hbm>> -> memref<2048x32xf32, #tpu.memory_space<hbm>>
      %dma_start3A_511 = arith.constant 0 : i32
      %dma_start3A_512 = tpu.memref_slice %arg6[%mul3A_2, %dma_start3A_511] : memref<65536x32xf32, #tpu.memory_space<hbm>> -> memref<2048x32xf32, #tpu.memory_space<hbm>>
      tpu.enqueue_dma source(%arg10 : memref<2048x32xf32, #tpu.memory_space<vmem>>) target(%dma_start3A_512 : memref<2048x32xf32, #tpu.memory_space<hbm>>) target_semaphore(%run_scoped3A : memref<!tpu.dma_semaphore, #tpu.memory_space<semaphore_mem>>)
      %dma_wait3A_513 = arith.constant 0 : i32
      %dma_wait3A_514 = tpu.memref_slice %arg6[%mul3A_2, %dma_wait3A_513] : memref<65536x32xf32, #tpu.memory_space<hbm>> -> memref<2048x32xf32, #tpu.memory_space<hbm>>
      %dma_wait3A_515 = arith.constant 0 : i32
      %dma_wait3A_516 = tpu.memref_slice %arg6[%mul3A_2, %dma_wait3A_515] : memref<65536x32xf32, #tpu.memory_space<hbm>> -> memref<2048x32xf32, #tpu.memory_space<hbm>>
      tpu.wait_dma2 semaphore(%run_scoped3A : memref<!tpu.dma_semaphore, #tpu.memory_space<semaphore_mem>>) src(%arg10 : memref<2048x32xf32, #tpu.memory_space<vmem>>) dst(%dma_wait3A_516 : memref<2048x32xf32, #tpu.memory_space<hbm>>)
      tpu.yield
    }) : () -> ()
    %mul3A_167 = arith.constant 2 : i32
    %mul3A_168 = arith.muli %add3A, %mul3A_167 : i32
    %mul3A_169 = arith.constant 2048 : i32
    %mul3A_170 = arith.muli %mul3A_168, %mul3A_169 : i32
    %dma_start3A_171 = arith.constant 0 : i32
    %dma_start3A_172 = arith.constant 0 : i32
    %dma_start3A_173 = arith.constant 0 : i32
    %dma_start3A_174 = tpu.memref_slice %arg10[%dma_start3A_172, %dma_start3A_173] : memref<2048x32xf32, #tpu.memory_space<vmem>> -> memref<128x32xf32, #tpu.memory_space<vmem>>
    %dma_start3A_175 = arith.constant 0 : i32
    %dma_start3A_176 = tpu.memref_slice %arg9[%dma_start3A_171, %dma_start3A_175] : memref<32x128xi32, #tpu.memory_space<vmem>> -> memref<1x128xi32, #tpu.memory_space<vmem>>
    %dma_start3A_177 = tpu.memref_squeeze %dma_start3A_176 : memref<1x128xi32, #tpu.memory_space<vmem>> -> memref<128xi32, #tpu.memory_space<vmem>>
    %dma_start3A_178 = arith.constant 0 : i32
    %dma_start3A_179 = arith.constant 0 : i32
    %dma_start3A_180 = tpu.memref_slice %arg3[%dma_start3A_178, %dma_start3A_179] : memref<32768x32xf32, #tpu.memory_space<hbm>> -> memref<32768x32xf32, #tpu.memory_space<hbm>>
    tpu.enqueue_indirect_dma source(%dma_start3A_180 : memref<32768x32xf32, #tpu.memory_space<hbm>>) target(%dma_start3A_174 : memref<128x32xf32, #tpu.memory_space<vmem>>) offsets(%dma_start3A_177 : memref<128xi32, #tpu.memory_space<vmem>>) semaphore(%arg11 : memref<!tpu.dma_semaphore, #tpu.memory_space<semaphore_mem>>)
    %dma_start3A_181 = arith.constant 1 : i32
    %dma_start3A_182 = arith.constant 128 : i32
    %dma_start3A_183 = arith.constant 0 : i32
    %dma_start3A_184 = tpu.memref_slice %arg10[%dma_start3A_182, %dma_start3A_183] : memref<2048x32xf32, #tpu.memory_space<vmem>> -> memref<128x32xf32, #tpu.memory_space<vmem>>
    %dma_start3A_185 = arith.constant 0 : i32
    %dma_start3A_186 = tpu.memref_slice %arg9[%dma_start3A_181, %dma_start3A_185] : memref<32x128xi32, #tpu.memory_space<vmem>> -> memref<1x128xi32, #tpu.memory_space<vmem>>
    %dma_start3A_187 = tpu.memref_squeeze %dma_start3A_186 : memref<1x128xi32, #tpu.memory_space<vmem>> -> memref<128xi32, #tpu.memory_space<vmem>>
    %dma_start3A_188 = arith.constant 0 : i32
    %dma_start3A_189 = arith.constant 0 : i32
    %dma_start3A_190 = tpu.memref_slice %arg3[%dma_start3A_188, %dma_start3A_189] : memref<32768x32xf32, #tpu.memory_space<hbm>> -> memref<32768x32xf32, #tpu.memory_space<hbm>>
    tpu.enqueue_indirect_dma source(%dma_start3A_190 : memref<32768x32xf32, #tpu.memory_space<hbm>>) target(%dma_start3A_184 : memref<128x32xf32, #tpu.memory_space<vmem>>) offsets(%dma_start3A_187 : memref<128xi32, #tpu.memory_space<vmem>>) semaphore(%arg11 : memref<!tpu.dma_semaphore, #tpu.memory_space<semaphore_mem>>)
    %dma_start3A_191 = arith.constant 2 : i32
    %dma_start3A_192 = arith.constant 256 : i32
    %dma_start3A_193 = arith.constant 0 : i32
    %dma_start3A_194 = tpu.memref_slice %arg10[%dma_start3A_192, %dma_start3A_193] : memref<2048x32xf32, #tpu.memory_space<vmem>> -> memref<128x32xf32, #tpu.memory_space<vmem>>
    %dma_start3A_195 = arith.constant 0 : i32
    %dma_start3A_196 = tpu.memref_slice %arg9[%dma_start3A_191, %dma_start3A_195] : memref<32x128xi32, #tpu.memory_space<vmem>> -> memref<1x128xi32, #tpu.memory_space<vmem>>
    %dma_start3A_197 = tpu.memref_squeeze %dma_start3A_196 : memref<1x128xi32, #tpu.memory_space<vmem>> -> memref<128xi32, #tpu.memory_space<vmem>>
    %dma_start3A_198 = arith.constant 0 : i32
    %dma_start3A_199 = arith.constant 0 : i32
    %dma_start3A_200 = tpu.memref_slice %arg3[%dma_start3A_198, %dma_start3A_199] : memref<32768x32xf32, #tpu.memory_space<hbm>> -> memref<32768x32xf32, #tpu.memory_space<hbm>>
    tpu.enqueue_indirect_dma source(%dma_start3A_200 : memref<32768x32xf32, #tpu.memory_space<hbm>>) target(%dma_start3A_194 : memref<128x32xf32, #tpu.memory_space<vmem>>) offsets(%dma_start3A_197 : memref<128xi32, #tpu.memory_space<vmem>>) semaphore(%arg11 : memref<!tpu.dma_semaphore, #tpu.memory_space<semaphore_mem>>)
    %dma_start3A_201 = arith.constant 3 : i32
    %dma_start3A_202 = arith.constant 384 : i32
    %dma_start3A_203 = arith.constant 0 : i32
    %dma_start3A_204 = tpu.memref_slice %arg10[%dma_start3A_202, %dma_start3A_203] : memref<2048x32xf32, #tpu.memory_space<vmem>> -> memref<128x32xf32, #tpu.memory_space<vmem>>
    %dma_start3A_205 = arith.constant 0 : i32
    %dma_start3A_206 = tpu.memref_slice %arg9[%dma_start3A_201, %dma_start3A_205] : memref<32x128xi32, #tpu.memory_space<vmem>> -> memref<1x128xi32, #tpu.memory_space<vmem>>
    %dma_start3A_207 = tpu.memref_squeeze %dma_start3A_206 : memref<1x128xi32, #tpu.memory_space<vmem>> -> memref<128xi32, #tpu.memory_space<vmem>>
    %dma_start3A_208 = arith.constant 0 : i32
    %dma_start3A_209 = arith.constant 0 : i32
    %dma_start3A_210 = tpu.memref_slice %arg3[%dma_start3A_208, %dma_start3A_209] : memref<32768x32xf32, #tpu.memory_space<hbm>> -> memref<32768x32xf32, #tpu.memory_space<hbm>>
    tpu.enqueue_indirect_dma source(%dma_start3A_210 : memref<32768x32xf32, #tpu.memory_space<hbm>>) target(%dma_start3A_204 : memref<128x32xf32, #tpu.memory_space<vmem>>) offsets(%dma_start3A_207 : memref<128xi32, #tpu.memory_space<vmem>>) semaphore(%arg11 : memref<!tpu.dma_semaphore, #tpu.memory_space<semaphore_mem>>)
    %dma_start3A_211 = arith.constant 4 : i32
    %dma_start3A_212 = arith.constant 512 : i32
    %dma_start3A_213 = arith.constant 0 : i32
    %dma_start3A_214 = tpu.memref_slice %arg10[%dma_start3A_212, %dma_start3A_213] : memref<2048x32xf32, #tpu.memory_space<vmem>> -> memref<128x32xf32, #tpu.memory_space<vmem>>
    %dma_start3A_215 = arith.constant 0 : i32
    %dma_start3A_216 = tpu.memref_slice %arg9[%dma_start3A_211, %dma_start3A_215] : memref<32x128xi32, #tpu.memory_space<vmem>> -> memref<1x128xi32, #tpu.memory_space<vmem>>
    %dma_start3A_217 = tpu.memref_squeeze %dma_start3A_216 : memref<1x128xi32, #tpu.memory_space<vmem>> -> memref<128xi32, #tpu.memory_space<vmem>>
    %dma_start3A_218 = arith.constant 0 : i32
    %dma_start3A_219 = arith.constant 0 : i32
    %dma_start3A_220 = tpu.memref_slice %arg3[%dma_start3A_218, %dma_start3A_219] : memref<32768x32xf32, #tpu.memory_space<hbm>> -> memref<32768x32xf32, #tpu.memory_space<hbm>>
    tpu.enqueue_indirect_dma source(%dma_start3A_220 : memref<32768x32xf32, #tpu.memory_space<hbm>>) target(%dma_start3A_214 : memref<128x32xf32, #tpu.memory_space<vmem>>) offsets(%dma_start3A_217 : memref<128xi32, #tpu.memory_space<vmem>>) semaphore(%arg11 : memref<!tpu.dma_semaphore, #tpu.memory_space<semaphore_mem>>)
    %dma_start3A_221 = arith.constant 5 : i32
    %dma_start3A_222 = arith.constant 640 : i32
    %dma_start3A_223 = arith.constant 0 : i32
    %dma_start3A_224 = tpu.memref_slice %arg10[%dma_start3A_222, %dma_start3A_223] : memref<2048x32xf32, #tpu.memory_space<vmem>> -> memref<128x32xf32, #tpu.memory_space<vmem>>
    %dma_start3A_225 = arith.constant 0 : i32
    %dma_start3A_226 = tpu.memref_slice %arg9[%dma_start3A_221, %dma_start3A_225] : memref<32x128xi32, #tpu.memory_space<vmem>> -> memref<1x128xi32, #tpu.memory_space<vmem>>
    %dma_start3A_227 = tpu.memref_squeeze %dma_start3A_226 : memref<1x128xi32, #tpu.memory_space<vmem>> -> memref<128xi32, #tpu.memory_space<vmem>>
    %dma_start3A_228 = arith.constant 0 : i32
    %dma_start3A_229 = arith.constant 0 : i32
    %dma_start3A_230 = tpu.memref_slice %arg3[%dma_start3A_228, %dma_start3A_229] : memref<32768x32xf32, #tpu.memory_space<hbm>> -> memref<32768x32xf32, #tpu.memory_space<hbm>>
    tpu.enqueue_indirect_dma source(%dma_start3A_230 : memref<32768x32xf32, #tpu.memory_space<hbm>>) target(%dma_start3A_224 : memref<128x32xf32, #tpu.memory_space<vmem>>) offsets(%dma_start3A_227 : memref<128xi32, #tpu.memory_space<vmem>>) semaphore(%arg11 : memref<!tpu.dma_semaphore, #tpu.memory_space<semaphore_mem>>)
    %dma_start3A_231 = arith.constant 6 : i32
    %dma_start3A_232 = arith.constant 768 : i32
    %dma_start3A_233 = arith.constant 0 : i32
    %dma_start3A_234 = tpu.memref_slice %arg10[%dma_start3A_232, %dma_start3A_233] : memref<2048x32xf32, #tpu.memory_space<vmem>> -> memref<128x32xf32, #tpu.memory_space<vmem>>
    %dma_start3A_235 = arith.constant 0 : i32
    %dma_start3A_236 = tpu.memref_slice %arg9[%dma_start3A_231, %dma_start3A_235] : memref<32x128xi32, #tpu.memory_space<vmem>> -> memref<1x128xi32, #tpu.memory_space<vmem>>
    %dma_start3A_237 = tpu.memref_squeeze %dma_start3A_236 : memref<1x128xi32, #tpu.memory_space<vmem>> -> memref<128xi32, #tpu.memory_space<vmem>>
    %dma_start3A_238 = arith.constant 0 : i32
    %dma_start3A_239 = arith.constant 0 : i32
    %dma_start3A_240 = tpu.memref_slice %arg3[%dma_start3A_238, %dma_start3A_239] : memref<32768x32xf32, #tpu.memory_space<hbm>> -> memref<32768x32xf32, #tpu.memory_space<hbm>>
    tpu.enqueue_indirect_dma source(%dma_start3A_240 : memref<32768x32xf32, #tpu.memory_space<hbm>>) target(%dma_start3A_234 : memref<128x32xf32, #tpu.memory_space<vmem>>) offsets(%dma_start3A_237 : memref<128xi32, #tpu.memory_space<vmem>>) semaphore(%arg11 : memref<!tpu.dma_semaphore, #tpu.memory_space<semaphore_mem>>)
    %dma_start3A_241 = arith.constant 7 : i32
    %dma_start3A_242 = arith.constant 896 : i32
    %dma_start3A_243 = arith.constant 0 : i32
    %dma_start3A_244 = tpu.memref_slice %arg10[%dma_start3A_242, %dma_start3A_243] : memref<2048x32xf32, #tpu.memory_space<vmem>> -> memref<128x32xf32, #tpu.memory_space<vmem>>
    %dma_start3A_245 = arith.constant 0 : i32
    %dma_start3A_246 = tpu.memref_slice %arg9[%dma_start3A_241, %dma_start3A_245] : memref<32x128xi32, #tpu.memory_space<vmem>> -> memref<1x128xi32, #tpu.memory_space<vmem>>
    %dma_start3A_247 = tpu.memref_squeeze %dma_start3A_246 : memref<1x128xi32, #tpu.memory_space<vmem>> -> memref<128xi32, #tpu.memory_space<vmem>>
    %dma_start3A_248 = arith.constant 0 : i32
    %dma_start3A_249 = arith.constant 0 : i32
    %dma_start3A_250 = tpu.memref_slice %arg3[%dma_start3A_248, %dma_start3A_249] : memref<32768x32xf32, #tpu.memory_space<hbm>> -> memref<32768x32xf32, #tpu.memory_space<hbm>>
    tpu.enqueue_indirect_dma source(%dma_start3A_250 : memref<32768x32xf32, #tpu.memory_space<hbm>>) target(%dma_start3A_244 : memref<128x32xf32, #tpu.memory_space<vmem>>) offsets(%dma_start3A_247 : memref<128xi32, #tpu.memory_space<vmem>>) semaphore(%arg11 : memref<!tpu.dma_semaphore, #tpu.memory_space<semaphore_mem>>)
    %dma_start3A_251 = arith.constant 8 : i32
    %dma_start3A_252 = arith.constant 1024 : i32
    %dma_start3A_253 = arith.constant 0 : i32
    %dma_start3A_254 = tpu.memref_slice %arg10[%dma_start3A_252, %dma_start3A_253] : memref<2048x32xf32, #tpu.memory_space<vmem>> -> memref<128x32xf32, #tpu.memory_space<vmem>>
    %dma_start3A_255 = arith.constant 0 : i32
    %dma_start3A_256 = tpu.memref_slice %arg9[%dma_start3A_251, %dma_start3A_255] : memref<32x128xi32, #tpu.memory_space<vmem>> -> memref<1x128xi32, #tpu.memory_space<vmem>>
    %dma_start3A_257 = tpu.memref_squeeze %dma_start3A_256 : memref<1x128xi32, #tpu.memory_space<vmem>> -> memref<128xi32, #tpu.memory_space<vmem>>
    %dma_start3A_258 = arith.constant 0 : i32
    %dma_start3A_259 = arith.constant 0 : i32
    %dma_start3A_260 = tpu.memref_slice %arg3[%dma_start3A_258, %dma_start3A_259] : memref<32768x32xf32, #tpu.memory_space<hbm>> -> memref<32768x32xf32, #tpu.memory_space<hbm>>
    tpu.enqueue_indirect_dma source(%dma_start3A_260 : memref<32768x32xf32, #tpu.memory_space<hbm>>) target(%dma_start3A_254 : memref<128x32xf32, #tpu.memory_space<vmem>>) offsets(%dma_start3A_257 : memref<128xi32, #tpu.memory_space<vmem>>) semaphore(%arg11 : memref<!tpu.dma_semaphore, #tpu.memory_space<semaphore_mem>>)
    %dma_start3A_261 = arith.constant 9 : i32
    %dma_start3A_262 = arith.constant 1152 : i32
    %dma_start3A_263 = arith.constant 0 : i32
    %dma_start3A_264 = tpu.memref_slice %arg10[%dma_start3A_262, %dma_start3A_263] : memref<2048x32xf32, #tpu.memory_space<vmem>> -> memref<128x32xf32, #tpu.memory_space<vmem>>
    %dma_start3A_265 = arith.constant 0 : i32
    %dma_start3A_266 = tpu.memref_slice %arg9[%dma_start3A_261, %dma_start3A_265] : memref<32x128xi32, #tpu.memory_space<vmem>> -> memref<1x128xi32, #tpu.memory_space<vmem>>
    %dma_start3A_267 = tpu.memref_squeeze %dma_start3A_266 : memref<1x128xi32, #tpu.memory_space<vmem>> -> memref<128xi32, #tpu.memory_space<vmem>>
    %dma_start3A_268 = arith.constant 0 : i32
    %dma_start3A_269 = arith.constant 0 : i32
    %dma_start3A_270 = tpu.memref_slice %arg3[%dma_start3A_268, %dma_start3A_269] : memref<32768x32xf32, #tpu.memory_space<hbm>> -> memref<32768x32xf32, #tpu.memory_space<hbm>>
    tpu.enqueue_indirect_dma source(%dma_start3A_270 : memref<32768x32xf32, #tpu.memory_space<hbm>>) target(%dma_start3A_264 : memref<128x32xf32, #tpu.memory_space<vmem>>) offsets(%dma_start3A_267 : memref<128xi32, #tpu.memory_space<vmem>>) semaphore(%arg11 : memref<!tpu.dma_semaphore, #tpu.memory_space<semaphore_mem>>)
    %dma_start3A_271 = arith.constant 10 : i32
    %dma_start3A_272 = arith.constant 1280 : i32
    %dma_start3A_273 = arith.constant 0 : i32
    %dma_start3A_274 = tpu.memref_slice %arg10[%dma_start3A_272, %dma_start3A_273] : memref<2048x32xf32, #tpu.memory_space<vmem>> -> memref<128x32xf32, #tpu.memory_space<vmem>>
    %dma_start3A_275 = arith.constant 0 : i32
    %dma_start3A_276 = tpu.memref_slice %arg9[%dma_start3A_271, %dma_start3A_275] : memref<32x128xi32, #tpu.memory_space<vmem>> -> memref<1x128xi32, #tpu.memory_space<vmem>>
    %dma_start3A_277 = tpu.memref_squeeze %dma_start3A_276 : memref<1x128xi32, #tpu.memory_space<vmem>> -> memref<128xi32, #tpu.memory_space<vmem>>
    %dma_start3A_278 = arith.constant 0 : i32
    %dma_start3A_279 = arith.constant 0 : i32
    %dma_start3A_280 = tpu.memref_slice %arg3[%dma_start3A_278, %dma_start3A_279] : memref<32768x32xf32, #tpu.memory_space<hbm>> -> memref<32768x32xf32, #tpu.memory_space<hbm>>
    tpu.enqueue_indirect_dma source(%dma_start3A_280 : memref<32768x32xf32, #tpu.memory_space<hbm>>) target(%dma_start3A_274 : memref<128x32xf32, #tpu.memory_space<vmem>>) offsets(%dma_start3A_277 : memref<128xi32, #tpu.memory_space<vmem>>) semaphore(%arg11 : memref<!tpu.dma_semaphore, #tpu.memory_space<semaphore_mem>>)
    %dma_start3A_281 = arith.constant 11 : i32
    %dma_start3A_282 = arith.constant 1408 : i32
    %dma_start3A_283 = arith.constant 0 : i32
    %dma_start3A_284 = tpu.memref_slice %arg10[%dma_start3A_282, %dma_start3A_283] : memref<2048x32xf32, #tpu.memory_space<vmem>> -> memref<128x32xf32, #tpu.memory_space<vmem>>
    %dma_start3A_285 = arith.constant 0 : i32
    %dma_start3A_286 = tpu.memref_slice %arg9[%dma_start3A_281, %dma_start3A_285] : memref<32x128xi32, #tpu.memory_space<vmem>> -> memref<1x128xi32, #tpu.memory_space<vmem>>
    %dma_start3A_287 = tpu.memref_squeeze %dma_start3A_286 : memref<1x128xi32, #tpu.memory_space<vmem>> -> memref<128xi32, #tpu.memory_space<vmem>>
    %dma_start3A_288 = arith.constant 0 : i32
    %dma_start3A_289 = arith.constant 0 : i32
    %dma_start3A_290 = tpu.memref_slice %arg3[%dma_start3A_288, %dma_start3A_289] : memref<32768x32xf32, #tpu.memory_space<hbm>> -> memref<32768x32xf32, #tpu.memory_space<hbm>>
    tpu.enqueue_indirect_dma source(%dma_start3A_290 : memref<32768x32xf32, #tpu.memory_space<hbm>>) target(%dma_start3A_284 : memref<128x32xf32, #tpu.memory_space<vmem>>) offsets(%dma_start3A_287 : memref<128xi32, #tpu.memory_space<vmem>>) semaphore(%arg11 : memref<!tpu.dma_semaphore, #tpu.memory_space<semaphore_mem>>)
    %dma_start3A_291 = arith.constant 12 : i32
    %dma_start3A_292 = arith.constant 1536 : i32
    %dma_start3A_293 = arith.constant 0 : i32
    %dma_start3A_294 = tpu.memref_slice %arg10[%dma_start3A_292, %dma_start3A_293] : memref<2048x32xf32, #tpu.memory_space<vmem>> -> memref<128x32xf32, #tpu.memory_space<vmem>>
    %dma_start3A_295 = arith.constant 0 : i32
    %dma_start3A_296 = tpu.memref_slice %arg9[%dma_start3A_291, %dma_start3A_295] : memref<32x128xi32, #tpu.memory_space<vmem>> -> memref<1x128xi32, #tpu.memory_space<vmem>>
    %dma_start3A_297 = tpu.memref_squeeze %dma_start3A_296 : memref<1x128xi32, #tpu.memory_space<vmem>> -> memref<128xi32, #tpu.memory_space<vmem>>
    %dma_start3A_298 = arith.constant 0 : i32
    %dma_start3A_299 = arith.constant 0 : i32
    %dma_start3A_300 = tpu.memref_slice %arg3[%dma_start3A_298, %dma_start3A_299] : memref<32768x32xf32, #tpu.memory_space<hbm>> -> memref<32768x32xf32, #tpu.memory_space<hbm>>
    tpu.enqueue_indirect_dma source(%dma_start3A_300 : memref<32768x32xf32, #tpu.memory_space<hbm>>) target(%dma_start3A_294 : memref<128x32xf32, #tpu.memory_space<vmem>>) offsets(%dma_start3A_297 : memref<128xi32, #tpu.memory_space<vmem>>) semaphore(%arg11 : memref<!tpu.dma_semaphore, #tpu.memory_space<semaphore_mem>>)
    %dma_start3A_301 = arith.constant 13 : i32
    %dma_start3A_302 = arith.constant 1664 : i32
    %dma_start3A_303 = arith.constant 0 : i32
    %dma_start3A_304 = tpu.memref_slice %arg10[%dma_start3A_302, %dma_start3A_303] : memref<2048x32xf32, #tpu.memory_space<vmem>> -> memref<128x32xf32, #tpu.memory_space<vmem>>
    %dma_start3A_305 = arith.constant 0 : i32
    %dma_start3A_306 = tpu.memref_slice %arg9[%dma_start3A_301, %dma_start3A_305] : memref<32x128xi32, #tpu.memory_space<vmem>> -> memref<1x128xi32, #tpu.memory_space<vmem>>
    %dma_start3A_307 = tpu.memref_squeeze %dma_start3A_306 : memref<1x128xi32, #tpu.memory_space<vmem>> -> memref<128xi32, #tpu.memory_space<vmem>>
    %dma_start3A_308 = arith.constant 0 : i32
    %dma_start3A_309 = arith.constant 0 : i32
    %dma_start3A_310 = tpu.memref_slice %arg3[%dma_start3A_308, %dma_start3A_309] : memref<32768x32xf32, #tpu.memory_space<hbm>> -> memref<32768x32xf32, #tpu.memory_space<hbm>>
    tpu.enqueue_indirect_dma source(%dma_start3A_310 : memref<32768x32xf32, #tpu.memory_space<hbm>>) target(%dma_start3A_304 : memref<128x32xf32, #tpu.memory_space<vmem>>) offsets(%dma_start3A_307 : memref<128xi32, #tpu.memory_space<vmem>>) semaphore(%arg11 : memref<!tpu.dma_semaphore, #tpu.memory_space<semaphore_mem>>)
    %dma_start3A_311 = arith.constant 14 : i32
    %dma_start3A_312 = arith.constant 1792 : i32
    %dma_start3A_313 = arith.constant 0 : i32
    %dma_start3A_314 = tpu.memref_slice %arg10[%dma_start3A_312, %dma_start3A_313] : memref<2048x32xf32, #tpu.memory_space<vmem>> -> memref<128x32xf32, #tpu.memory_space<vmem>>
    %dma_start3A_315 = arith.constant 0 : i32
    %dma_start3A_316 = tpu.memref_slice %arg9[%dma_start3A_311, %dma_start3A_315] : memref<32x128xi32, #tpu.memory_space<vmem>> -> memref<1x128xi32, #tpu.memory_space<vmem>>
    %dma_start3A_317 = tpu.memref_squeeze %dma_start3A_316 : memref<1x128xi32, #tpu.memory_space<vmem>> -> memref<128xi32, #tpu.memory_space<vmem>>
    %dma_start3A_318 = arith.constant 0 : i32
    %dma_start3A_319 = arith.constant 0 : i32
    %dma_start3A_320 = tpu.memref_slice %arg3[%dma_start3A_318, %dma_start3A_319] : memref<32768x32xf32, #tpu.memory_space<hbm>> -> memref<32768x32xf32, #tpu.memory_space<hbm>>
    tpu.enqueue_indirect_dma source(%dma_start3A_320 : memref<32768x32xf32, #tpu.memory_space<hbm>>) target(%dma_start3A_314 : memref<128x32xf32, #tpu.memory_space<vmem>>) offsets(%dma_start3A_317 : memref<128xi32, #tpu.memory_space<vmem>>) semaphore(%arg11 : memref<!tpu.dma_semaphore, #tpu.memory_space<semaphore_mem>>)
    %dma_start3A_321 = arith.constant 15 : i32
    %dma_start3A_322 = arith.constant 1920 : i32
    %dma_start3A_323 = arith.constant 0 : i32
    %dma_start3A_324 = tpu.memref_slice %arg10[%dma_start3A_322, %dma_start3A_323] : memref<2048x32xf32, #tpu.memory_space<vmem>> -> memref<128x32xf32, #tpu.memory_space<vmem>>
    %dma_start3A_325 = arith.constant 0 : i32
    %dma_start3A_326 = tpu.memref_slice %arg9[%dma_start3A_321, %dma_start3A_325] : memref<32x128xi32, #tpu.memory_space<vmem>> -> memref<1x128xi32, #tpu.memory_space<vmem>>
    %dma_start3A_327 = tpu.memref_squeeze %dma_start3A_326 : memref<1x128xi32, #tpu.memory_space<vmem>> -> memref<128xi32, #tpu.memory_space<vmem>>
    %dma_start3A_328 = arith.constant 0 : i32
    %dma_start3A_329 = arith.constant 0 : i32
    %dma_start3A_330 = tpu.memref_slice %arg3[%dma_start3A_328, %dma_start3A_329] : memref<32768x32xf32, #tpu.memory_space<hbm>> -> memref<32768x32xf32, #tpu.memory_space<hbm>>
    tpu.enqueue_indirect_dma source(%dma_start3A_330 : memref<32768x32xf32, #tpu.memory_space<hbm>>) target(%dma_start3A_324 : memref<128x32xf32, #tpu.memory_space<vmem>>) offsets(%dma_start3A_327 : memref<128xi32, #tpu.memory_space<vmem>>) semaphore(%arg11 : memref<!tpu.dma_semaphore, #tpu.memory_space<semaphore_mem>>)
    %dma_wait3A_331 = arith.constant 0 : i32
    %dma_wait3A_332 = arith.constant 0 : i32
    %dma_wait3A_333 = tpu.memref_slice %arg3[%dma_wait3A_331, %dma_wait3A_332] : memref<32768x32xf32, #tpu.memory_space<hbm>> -> memref<2048x32xf32, #tpu.memory_space<hbm>>
    %dma_wait3A_334 = arith.constant 0 : i32
    %dma_wait3A_335 = arith.constant 0 : i32
    %dma_wait3A_336 = tpu.memref_slice %arg3[%dma_wait3A_334, %dma_wait3A_335] : memref<32768x32xf32, #tpu.memory_space<hbm>> -> memref<2048x32xf32, #tpu.memory_space<hbm>>
    tpu.wait_dma2 semaphore(%arg11 : memref<!tpu.dma_semaphore, #tpu.memory_space<semaphore_mem>>) src(%dma_wait3A_336 : memref<2048x32xf32, #tpu.memory_space<hbm>>) dst(%arg10 : memref<2048x32xf32, #tpu.memory_space<vmem>>)
    "tpu.region"() ({
      %run_scoped3A = tpu.sem_alloc : memref<!tpu.dma_semaphore, #tpu.memory_space<semaphore_mem>>
      %dma_start3A_509 = arith.constant 0 : i32
      %dma_start3A_510 = tpu.memref_slice %arg7[%mul3A_170, %dma_start3A_509] : memref<131072x32xf32, #tpu.memory_space<hbm>> -> memref<2048x32xf32, #tpu.memory_space<hbm>>
      %dma_start3A_511 = arith.constant 0 : i32
      %dma_start3A_512 = tpu.memref_slice %arg7[%mul3A_170, %dma_start3A_511] : memref<131072x32xf32, #tpu.memory_space<hbm>> -> memref<2048x32xf32, #tpu.memory_space<hbm>>
      tpu.enqueue_dma source(%arg10 : memref<2048x32xf32, #tpu.memory_space<vmem>>) target(%dma_start3A_512 : memref<2048x32xf32, #tpu.memory_space<hbm>>) target_semaphore(%run_scoped3A : memref<!tpu.dma_semaphore, #tpu.memory_space<semaphore_mem>>)
      %dma_wait3A_513 = arith.constant 0 : i32
      %dma_wait3A_514 = tpu.memref_slice %arg7[%mul3A_170, %dma_wait3A_513] : memref<131072x32xf32, #tpu.memory_space<hbm>> -> memref<2048x32xf32, #tpu.memory_space<hbm>>
      %dma_wait3A_515 = arith.constant 0 : i32
      %dma_wait3A_516 = tpu.memref_slice %arg7[%mul3A_170, %dma_wait3A_515] : memref<131072x32xf32, #tpu.memory_space<hbm>> -> memref<2048x32xf32, #tpu.memory_space<hbm>>
      tpu.wait_dma2 semaphore(%run_scoped3A : memref<!tpu.dma_semaphore, #tpu.memory_space<semaphore_mem>>) src(%arg10 : memref<2048x32xf32, #tpu.memory_space<vmem>>) dst(%dma_wait3A_516 : memref<2048x32xf32, #tpu.memory_space<hbm>>)
      tpu.yield
    }) : () -> ()
    %mul3A_337 = arith.constant 2 : i32
    %mul3A_338 = arith.muli %add3A, %mul3A_337 : i32
    %mul3A_339 = arith.constant 2048 : i32
    %mul3A_340 = arith.muli %mul3A_338, %mul3A_339 : i32
    %add3A_341 = arith.constant 2048 : i32
    %add3A_342 = arith.addi %mul3A_340, %add3A_341 : i32
    %dma_start3A_343 = arith.constant 16 : i32
    %dma_start3A_344 = arith.constant 0 : i32
    %dma_start3A_345 = arith.constant 0 : i32
    %dma_start3A_346 = tpu.memref_slice %arg10[%dma_start3A_344, %dma_start3A_345] : memref<2048x32xf32, #tpu.memory_space<vmem>> -> memref<128x32xf32, #tpu.memory_space<vmem>>
    %dma_start3A_347 = arith.constant 0 : i32
    %dma_start3A_348 = tpu.memref_slice %arg9[%dma_start3A_343, %dma_start3A_347] : memref<32x128xi32, #tpu.memory_space<vmem>> -> memref<1x128xi32, #tpu.memory_space<vmem>>
    %dma_start3A_349 = tpu.memref_squeeze %dma_start3A_348 : memref<1x128xi32, #tpu.memory_space<vmem>> -> memref<128xi32, #tpu.memory_space<vmem>>
    %dma_start3A_350 = arith.constant 0 : i32
    %dma_start3A_351 = arith.constant 0 : i32
    %dma_start3A_352 = tpu.memref_slice %arg3[%dma_start3A_350, %dma_start3A_351] : memref<32768x32xf32, #tpu.memory_space<hbm>> -> memref<32768x32xf32, #tpu.memory_space<hbm>>
    tpu.enqueue_indirect_dma source(%dma_start3A_352 : memref<32768x32xf32, #tpu.memory_space<hbm>>) target(%dma_start3A_346 : memref<128x32xf32, #tpu.memory_space<vmem>>) offsets(%dma_start3A_349 : memref<128xi32, #tpu.memory_space<vmem>>) semaphore(%arg11 : memref<!tpu.dma_semaphore, #tpu.memory_space<semaphore_mem>>)
    %dma_start3A_353 = arith.constant 17 : i32
    %dma_start3A_354 = arith.constant 128 : i32
    %dma_start3A_355 = arith.constant 0 : i32
    %dma_start3A_356 = tpu.memref_slice %arg10[%dma_start3A_354, %dma_start3A_355] : memref<2048x32xf32, #tpu.memory_space<vmem>> -> memref<128x32xf32, #tpu.memory_space<vmem>>
    %dma_start3A_357 = arith.constant 0 : i32
    %dma_start3A_358 = tpu.memref_slice %arg9[%dma_start3A_353, %dma_start3A_357] : memref<32x128xi32, #tpu.memory_space<vmem>> -> memref<1x128xi32, #tpu.memory_space<vmem>>
    %dma_start3A_359 = tpu.memref_squeeze %dma_start3A_358 : memref<1x128xi32, #tpu.memory_space<vmem>> -> memref<128xi32, #tpu.memory_space<vmem>>
    %dma_start3A_360 = arith.constant 0 : i32
    %dma_start3A_361 = arith.constant 0 : i32
    %dma_start3A_362 = tpu.memref_slice %arg3[%dma_start3A_360, %dma_start3A_361] : memref<32768x32xf32, #tpu.memory_space<hbm>> -> memref<32768x32xf32, #tpu.memory_space<hbm>>
    tpu.enqueue_indirect_dma source(%dma_start3A_362 : memref<32768x32xf32, #tpu.memory_space<hbm>>) target(%dma_start3A_356 : memref<128x32xf32, #tpu.memory_space<vmem>>) offsets(%dma_start3A_359 : memref<128xi32, #tpu.memory_space<vmem>>) semaphore(%arg11 : memref<!tpu.dma_semaphore, #tpu.memory_space<semaphore_mem>>)
    %dma_start3A_363 = arith.constant 18 : i32
    %dma_start3A_364 = arith.constant 256 : i32
    %dma_start3A_365 = arith.constant 0 : i32
    %dma_start3A_366 = tpu.memref_slice %arg10[%dma_start3A_364, %dma_start3A_365] : memref<2048x32xf32, #tpu.memory_space<vmem>> -> memref<128x32xf32, #tpu.memory_space<vmem>>
    %dma_start3A_367 = arith.constant 0 : i32
    %dma_start3A_368 = tpu.memref_slice %arg9[%dma_start3A_363, %dma_start3A_367] : memref<32x128xi32, #tpu.memory_space<vmem>> -> memref<1x128xi32, #tpu.memory_space<vmem>>
    %dma_start3A_369 = tpu.memref_squeeze %dma_start3A_368 : memref<1x128xi32, #tpu.memory_space<vmem>> -> memref<128xi32, #tpu.memory_space<vmem>>
    %dma_start3A_370 = arith.constant 0 : i32
    %dma_start3A_371 = arith.constant 0 : i32
    %dma_start3A_372 = tpu.memref_slice %arg3[%dma_start3A_370, %dma_start3A_371] : memref<32768x32xf32, #tpu.memory_space<hbm>> -> memref<32768x32xf32, #tpu.memory_space<hbm>>
    tpu.enqueue_indirect_dma source(%dma_start3A_372 : memref<32768x32xf32, #tpu.memory_space<hbm>>) target(%dma_start3A_366 : memref<128x32xf32, #tpu.memory_space<vmem>>) offsets(%dma_start3A_369 : memref<128xi32, #tpu.memory_space<vmem>>) semaphore(%arg11 : memref<!tpu.dma_semaphore, #tpu.memory_space<semaphore_mem>>)
    %dma_start3A_373 = arith.constant 19 : i32
    %dma_start3A_374 = arith.constant 384 : i32
    %dma_start3A_375 = arith.constant 0 : i32
    %dma_start3A_376 = tpu.memref_slice %arg10[%dma_start3A_374, %dma_start3A_375] : memref<2048x32xf32, #tpu.memory_space<vmem>> -> memref<128x32xf32, #tpu.memory_space<vmem>>
    %dma_start3A_377 = arith.constant 0 : i32
    %dma_start3A_378 = tpu.memref_slice %arg9[%dma_start3A_373, %dma_start3A_377] : memref<32x128xi32, #tpu.memory_space<vmem>> -> memref<1x128xi32, #tpu.memory_space<vmem>>
    %dma_start3A_379 = tpu.memref_squeeze %dma_start3A_378 : memref<1x128xi32, #tpu.memory_space<vmem>> -> memref<128xi32, #tpu.memory_space<vmem>>
    %dma_start3A_380 = arith.constant 0 : i32
    %dma_start3A_381 = arith.constant 0 : i32
    %dma_start3A_382 = tpu.memref_slice %arg3[%dma_start3A_380, %dma_start3A_381] : memref<32768x32xf32, #tpu.memory_space<hbm>> -> memref<32768x32xf32, #tpu.memory_space<hbm>>
    tpu.enqueue_indirect_dma source(%dma_start3A_382 : memref<32768x32xf32, #tpu.memory_space<hbm>>) target(%dma_start3A_376 : memref<128x32xf32, #tpu.memory_space<vmem>>) offsets(%dma_start3A_379 : memref<128xi32, #tpu.memory_space<vmem>>) semaphore(%arg11 : memref<!tpu.dma_semaphore, #tpu.memory_space<semaphore_mem>>)
    %dma_start3A_383 = arith.constant 20 : i32
    %dma_start3A_384 = arith.constant 512 : i32
    %dma_start3A_385 = arith.constant 0 : i32
    %dma_start3A_386 = tpu.memref_slice %arg10[%dma_start3A_384, %dma_start3A_385] : memref<2048x32xf32, #tpu.memory_space<vmem>> -> memref<128x32xf32, #tpu.memory_space<vmem>>
    %dma_start3A_387 = arith.constant 0 : i32
    %dma_start3A_388 = tpu.memref_slice %arg9[%dma_start3A_383, %dma_start3A_387] : memref<32x128xi32, #tpu.memory_space<vmem>> -> memref<1x128xi32, #tpu.memory_space<vmem>>
    %dma_start3A_389 = tpu.memref_squeeze %dma_start3A_388 : memref<1x128xi32, #tpu.memory_space<vmem>> -> memref<128xi32, #tpu.memory_space<vmem>>
    %dma_start3A_390 = arith.constant 0 : i32
    %dma_start3A_391 = arith.constant 0 : i32
    %dma_start3A_392 = tpu.memref_slice %arg3[%dma_start3A_390, %dma_start3A_391] : memref<32768x32xf32, #tpu.memory_space<hbm>> -> memref<32768x32xf32, #tpu.memory_space<hbm>>
    tpu.enqueue_indirect_dma source(%dma_start3A_392 : memref<32768x32xf32, #tpu.memory_space<hbm>>) target(%dma_start3A_386 : memref<128x32xf32, #tpu.memory_space<vmem>>) offsets(%dma_start3A_389 : memref<128xi32, #tpu.memory_space<vmem>>) semaphore(%arg11 : memref<!tpu.dma_semaphore, #tpu.memory_space<semaphore_mem>>)
    %dma_start3A_393 = arith.constant 21 : i32
    %dma_start3A_394 = arith.constant 640 : i32
    %dma_start3A_395 = arith.constant 0 : i32
    %dma_start3A_396 = tpu.memref_slice %arg10[%dma_start3A_394, %dma_start3A_395] : memref<2048x32xf32, #tpu.memory_space<vmem>> -> memref<128x32xf32, #tpu.memory_space<vmem>>
    %dma_start3A_397 = arith.constant 0 : i32
    %dma_start3A_398 = tpu.memref_slice %arg9[%dma_start3A_393, %dma_start3A_397] : memref<32x128xi32, #tpu.memory_space<vmem>> -> memref<1x128xi32, #tpu.memory_space<vmem>>
    %dma_start3A_399 = tpu.memref_squeeze %dma_start3A_398 : memref<1x128xi32, #tpu.memory_space<vmem>> -> memref<128xi32, #tpu.memory_space<vmem>>
    %dma_start3A_400 = arith.constant 0 : i32
    %dma_start3A_401 = arith.constant 0 : i32
    %dma_start3A_402 = tpu.memref_slice %arg3[%dma_start3A_400, %dma_start3A_401] : memref<32768x32xf32, #tpu.memory_space<hbm>> -> memref<32768x32xf32, #tpu.memory_space<hbm>>
    tpu.enqueue_indirect_dma source(%dma_start3A_402 : memref<32768x32xf32, #tpu.memory_space<hbm>>) target(%dma_start3A_396 : memref<128x32xf32, #tpu.memory_space<vmem>>) offsets(%dma_start3A_399 : memref<128xi32, #tpu.memory_space<vmem>>) semaphore(%arg11 : memref<!tpu.dma_semaphore, #tpu.memory_space<semaphore_mem>>)
    %dma_start3A_403 = arith.constant 22 : i32
    %dma_start3A_404 = arith.constant 768 : i32
    %dma_start3A_405 = arith.constant 0 : i32
    %dma_start3A_406 = tpu.memref_slice %arg10[%dma_start3A_404, %dma_start3A_405] : memref<2048x32xf32, #tpu.memory_space<vmem>> -> memref<128x32xf32, #tpu.memory_space<vmem>>
    %dma_start3A_407 = arith.constant 0 : i32
    %dma_start3A_408 = tpu.memref_slice %arg9[%dma_start3A_403, %dma_start3A_407] : memref<32x128xi32, #tpu.memory_space<vmem>> -> memref<1x128xi32, #tpu.memory_space<vmem>>
    %dma_start3A_409 = tpu.memref_squeeze %dma_start3A_408 : memref<1x128xi32, #tpu.memory_space<vmem>> -> memref<128xi32, #tpu.memory_space<vmem>>
    %dma_start3A_410 = arith.constant 0 : i32
    %dma_start3A_411 = arith.constant 0 : i32
    %dma_start3A_412 = tpu.memref_slice %arg3[%dma_start3A_410, %dma_start3A_411] : memref<32768x32xf32, #tpu.memory_space<hbm>> -> memref<32768x32xf32, #tpu.memory_space<hbm>>
    tpu.enqueue_indirect_dma source(%dma_start3A_412 : memref<32768x32xf32, #tpu.memory_space<hbm>>) target(%dma_start3A_406 : memref<128x32xf32, #tpu.memory_space<vmem>>) offsets(%dma_start3A_409 : memref<128xi32, #tpu.memory_space<vmem>>) semaphore(%arg11 : memref<!tpu.dma_semaphore, #tpu.memory_space<semaphore_mem>>)
    %dma_start3A_413 = arith.constant 23 : i32
    %dma_start3A_414 = arith.constant 896 : i32
    %dma_start3A_415 = arith.constant 0 : i32
    %dma_start3A_416 = tpu.memref_slice %arg10[%dma_start3A_414, %dma_start3A_415] : memref<2048x32xf32, #tpu.memory_space<vmem>> -> memref<128x32xf32, #tpu.memory_space<vmem>>
    %dma_start3A_417 = arith.constant 0 : i32
    %dma_start3A_418 = tpu.memref_slice %arg9[%dma_start3A_413, %dma_start3A_417] : memref<32x128xi32, #tpu.memory_space<vmem>> -> memref<1x128xi32, #tpu.memory_space<vmem>>
    %dma_start3A_419 = tpu.memref_squeeze %dma_start3A_418 : memref<1x128xi32, #tpu.memory_space<vmem>> -> memref<128xi32, #tpu.memory_space<vmem>>
    %dma_start3A_420 = arith.constant 0 : i32
    %dma_start3A_421 = arith.constant 0 : i32
    %dma_start3A_422 = tpu.memref_slice %arg3[%dma_start3A_420, %dma_start3A_421] : memref<32768x32xf32, #tpu.memory_space<hbm>> -> memref<32768x32xf32, #tpu.memory_space<hbm>>
    tpu.enqueue_indirect_dma source(%dma_start3A_422 : memref<32768x32xf32, #tpu.memory_space<hbm>>) target(%dma_start3A_416 : memref<128x32xf32, #tpu.memory_space<vmem>>) offsets(%dma_start3A_419 : memref<128xi32, #tpu.memory_space<vmem>>) semaphore(%arg11 : memref<!tpu.dma_semaphore, #tpu.memory_space<semaphore_mem>>)
    %dma_start3A_423 = arith.constant 24 : i32
    %dma_start3A_424 = arith.constant 1024 : i32
    %dma_start3A_425 = arith.constant 0 : i32
    %dma_start3A_426 = tpu.memref_slice %arg10[%dma_start3A_424, %dma_start3A_425] : memref<2048x32xf32, #tpu.memory_space<vmem>> -> memref<128x32xf32, #tpu.memory_space<vmem>>
    %dma_start3A_427 = arith.constant 0 : i32
    %dma_start3A_428 = tpu.memref_slice %arg9[%dma_start3A_423, %dma_start3A_427] : memref<32x128xi32, #tpu.memory_space<vmem>> -> memref<1x128xi32, #tpu.memory_space<vmem>>
    %dma_start3A_429 = tpu.memref_squeeze %dma_start3A_428 : memref<1x128xi32, #tpu.memory_space<vmem>> -> memref<128xi32, #tpu.memory_space<vmem>>
    %dma_start3A_430 = arith.constant 0 : i32
    %dma_start3A_431 = arith.constant 0 : i32
    %dma_start3A_432 = tpu.memref_slice %arg3[%dma_start3A_430, %dma_start3A_431] : memref<32768x32xf32, #tpu.memory_space<hbm>> -> memref<32768x32xf32, #tpu.memory_space<hbm>>
    tpu.enqueue_indirect_dma source(%dma_start3A_432 : memref<32768x32xf32, #tpu.memory_space<hbm>>) target(%dma_start3A_426 : memref<128x32xf32, #tpu.memory_space<vmem>>) offsets(%dma_start3A_429 : memref<128xi32, #tpu.memory_space<vmem>>) semaphore(%arg11 : memref<!tpu.dma_semaphore, #tpu.memory_space<semaphore_mem>>)
    %dma_start3A_433 = arith.constant 25 : i32
    %dma_start3A_434 = arith.constant 1152 : i32
    %dma_start3A_435 = arith.constant 0 : i32
    %dma_start3A_436 = tpu.memref_slice %arg10[%dma_start3A_434, %dma_start3A_435] : memref<2048x32xf32, #tpu.memory_space<vmem>> -> memref<128x32xf32, #tpu.memory_space<vmem>>
    %dma_start3A_437 = arith.constant 0 : i32
    %dma_start3A_438 = tpu.memref_slice %arg9[%dma_start3A_433, %dma_start3A_437] : memref<32x128xi32, #tpu.memory_space<vmem>> -> memref<1x128xi32, #tpu.memory_space<vmem>>
    %dma_start3A_439 = tpu.memref_squeeze %dma_start3A_438 : memref<1x128xi32, #tpu.memory_space<vmem>> -> memref<128xi32, #tpu.memory_space<vmem>>
    %dma_start3A_440 = arith.constant 0 : i32
    %dma_start3A_441 = arith.constant 0 : i32
    %dma_start3A_442 = tpu.memref_slice %arg3[%dma_start3A_440, %dma_start3A_441] : memref<32768x32xf32, #tpu.memory_space<hbm>> -> memref<32768x32xf32, #tpu.memory_space<hbm>>
    tpu.enqueue_indirect_dma source(%dma_start3A_442 : memref<32768x32xf32, #tpu.memory_space<hbm>>) target(%dma_start3A_436 : memref<128x32xf32, #tpu.memory_space<vmem>>) offsets(%dma_start3A_439 : memref<128xi32, #tpu.memory_space<vmem>>) semaphore(%arg11 : memref<!tpu.dma_semaphore, #tpu.memory_space<semaphore_mem>>)
    %dma_start3A_443 = arith.constant 26 : i32
    %dma_start3A_444 = arith.constant 1280 : i32
    %dma_start3A_445 = arith.constant 0 : i32
    %dma_start3A_446 = tpu.memref_slice %arg10[%dma_start3A_444, %dma_start3A_445] : memref<2048x32xf32, #tpu.memory_space<vmem>> -> memref<128x32xf32, #tpu.memory_space<vmem>>
    %dma_start3A_447 = arith.constant 0 : i32
    %dma_start3A_448 = tpu.memref_slice %arg9[%dma_start3A_443, %dma_start3A_447] : memref<32x128xi32, #tpu.memory_space<vmem>> -> memref<1x128xi32, #tpu.memory_space<vmem>>
    %dma_start3A_449 = tpu.memref_squeeze %dma_start3A_448 : memref<1x128xi32, #tpu.memory_space<vmem>> -> memref<128xi32, #tpu.memory_space<vmem>>
    %dma_start3A_450 = arith.constant 0 : i32
    %dma_start3A_451 = arith.constant 0 : i32
    %dma_start3A_452 = tpu.memref_slice %arg3[%dma_start3A_450, %dma_start3A_451] : memref<32768x32xf32, #tpu.memory_space<hbm>> -> memref<32768x32xf32, #tpu.memory_space<hbm>>
    tpu.enqueue_indirect_dma source(%dma_start3A_452 : memref<32768x32xf32, #tpu.memory_space<hbm>>) target(%dma_start3A_446 : memref<128x32xf32, #tpu.memory_space<vmem>>) offsets(%dma_start3A_449 : memref<128xi32, #tpu.memory_space<vmem>>) semaphore(%arg11 : memref<!tpu.dma_semaphore, #tpu.memory_space<semaphore_mem>>)
    %dma_start3A_453 = arith.constant 27 : i32
    %dma_start3A_454 = arith.constant 1408 : i32
    %dma_start3A_455 = arith.constant 0 : i32
    %dma_start3A_456 = tpu.memref_slice %arg10[%dma_start3A_454, %dma_start3A_455] : memref<2048x32xf32, #tpu.memory_space<vmem>> -> memref<128x32xf32, #tpu.memory_space<vmem>>
    %dma_start3A_457 = arith.constant 0 : i32
    %dma_start3A_458 = tpu.memref_slice %arg9[%dma_start3A_453, %dma_start3A_457] : memref<32x128xi32, #tpu.memory_space<vmem>> -> memref<1x128xi32, #tpu.memory_space<vmem>>
    %dma_start3A_459 = tpu.memref_squeeze %dma_start3A_458 : memref<1x128xi32, #tpu.memory_space<vmem>> -> memref<128xi32, #tpu.memory_space<vmem>>
    %dma_start3A_460 = arith.constant 0 : i32
    %dma_start3A_461 = arith.constant 0 : i32
    %dma_start3A_462 = tpu.memref_slice %arg3[%dma_start3A_460, %dma_start3A_461] : memref<32768x32xf32, #tpu.memory_space<hbm>> -> memref<32768x32xf32, #tpu.memory_space<hbm>>
    tpu.enqueue_indirect_dma source(%dma_start3A_462 : memref<32768x32xf32, #tpu.memory_space<hbm>>) target(%dma_start3A_456 : memref<128x32xf32, #tpu.memory_space<vmem>>) offsets(%dma_start3A_459 : memref<128xi32, #tpu.memory_space<vmem>>) semaphore(%arg11 : memref<!tpu.dma_semaphore, #tpu.memory_space<semaphore_mem>>)
    %dma_start3A_463 = arith.constant 28 : i32
    %dma_start3A_464 = arith.constant 1536 : i32
    %dma_start3A_465 = arith.constant 0 : i32
    %dma_start3A_466 = tpu.memref_slice %arg10[%dma_start3A_464, %dma_start3A_465] : memref<2048x32xf32, #tpu.memory_space<vmem>> -> memref<128x32xf32, #tpu.memory_space<vmem>>
    %dma_start3A_467 = arith.constant 0 : i32
    %dma_start3A_468 = tpu.memref_slice %arg9[%dma_start3A_463, %dma_start3A_467] : memref<32x128xi32, #tpu.memory_space<vmem>> -> memref<1x128xi32, #tpu.memory_space<vmem>>
    %dma_start3A_469 = tpu.memref_squeeze %dma_start3A_468 : memref<1x128xi32, #tpu.memory_space<vmem>> -> memref<128xi32, #tpu.memory_space<vmem>>
    %dma_start3A_470 = arith.constant 0 : i32
    %dma_start3A_471 = arith.constant 0 : i32
    %dma_start3A_472 = tpu.memref_slice %arg3[%dma_start3A_470, %dma_start3A_471] : memref<32768x32xf32, #tpu.memory_space<hbm>> -> memref<32768x32xf32, #tpu.memory_space<hbm>>
    tpu.enqueue_indirect_dma source(%dma_start3A_472 : memref<32768x32xf32, #tpu.memory_space<hbm>>) target(%dma_start3A_466 : memref<128x32xf32, #tpu.memory_space<vmem>>) offsets(%dma_start3A_469 : memref<128xi32, #tpu.memory_space<vmem>>) semaphore(%arg11 : memref<!tpu.dma_semaphore, #tpu.memory_space<semaphore_mem>>)
    %dma_start3A_473 = arith.constant 29 : i32
    %dma_start3A_474 = arith.constant 1664 : i32
    %dma_start3A_475 = arith.constant 0 : i32
    %dma_start3A_476 = tpu.memref_slice %arg10[%dma_start3A_474, %dma_start3A_475] : memref<2048x32xf32, #tpu.memory_space<vmem>> -> memref<128x32xf32, #tpu.memory_space<vmem>>
    %dma_start3A_477 = arith.constant 0 : i32
    %dma_start3A_478 = tpu.memref_slice %arg9[%dma_start3A_473, %dma_start3A_477] : memref<32x128xi32, #tpu.memory_space<vmem>> -> memref<1x128xi32, #tpu.memory_space<vmem>>
    %dma_start3A_479 = tpu.memref_squeeze %dma_start3A_478 : memref<1x128xi32, #tpu.memory_space<vmem>> -> memref<128xi32, #tpu.memory_space<vmem>>
    %dma_start3A_480 = arith.constant 0 : i32
    %dma_start3A_481 = arith.constant 0 : i32
    %dma_start3A_482 = tpu.memref_slice %arg3[%dma_start3A_480, %dma_start3A_481] : memref<32768x32xf32, #tpu.memory_space<hbm>> -> memref<32768x32xf32, #tpu.memory_space<hbm>>
    tpu.enqueue_indirect_dma source(%dma_start3A_482 : memref<32768x32xf32, #tpu.memory_space<hbm>>) target(%dma_start3A_476 : memref<128x32xf32, #tpu.memory_space<vmem>>) offsets(%dma_start3A_479 : memref<128xi32, #tpu.memory_space<vmem>>) semaphore(%arg11 : memref<!tpu.dma_semaphore, #tpu.memory_space<semaphore_mem>>)
    %dma_start3A_483 = arith.constant 30 : i32
    %dma_start3A_484 = arith.constant 1792 : i32
    %dma_start3A_485 = arith.constant 0 : i32
    %dma_start3A_486 = tpu.memref_slice %arg10[%dma_start3A_484, %dma_start3A_485] : memref<2048x32xf32, #tpu.memory_space<vmem>> -> memref<128x32xf32, #tpu.memory_space<vmem>>
    %dma_start3A_487 = arith.constant 0 : i32
    %dma_start3A_488 = tpu.memref_slice %arg9[%dma_start3A_483, %dma_start3A_487] : memref<32x128xi32, #tpu.memory_space<vmem>> -> memref<1x128xi32, #tpu.memory_space<vmem>>
    %dma_start3A_489 = tpu.memref_squeeze %dma_start3A_488 : memref<1x128xi32, #tpu.memory_space<vmem>> -> memref<128xi32, #tpu.memory_space<vmem>>
    %dma_start3A_490 = arith.constant 0 : i32
    %dma_start3A_491 = arith.constant 0 : i32
    %dma_start3A_492 = tpu.memref_slice %arg3[%dma_start3A_490, %dma_start3A_491] : memref<32768x32xf32, #tpu.memory_space<hbm>> -> memref<32768x32xf32, #tpu.memory_space<hbm>>
    tpu.enqueue_indirect_dma source(%dma_start3A_492 : memref<32768x32xf32, #tpu.memory_space<hbm>>) target(%dma_start3A_486 : memref<128x32xf32, #tpu.memory_space<vmem>>) offsets(%dma_start3A_489 : memref<128xi32, #tpu.memory_space<vmem>>) semaphore(%arg11 : memref<!tpu.dma_semaphore, #tpu.memory_space<semaphore_mem>>)
    %dma_start3A_493 = arith.constant 31 : i32
    %dma_start3A_494 = arith.constant 1920 : i32
    %dma_start3A_495 = arith.constant 0 : i32
    %dma_start3A_496 = tpu.memref_slice %arg10[%dma_start3A_494, %dma_start3A_495] : memref<2048x32xf32, #tpu.memory_space<vmem>> -> memref<128x32xf32, #tpu.memory_space<vmem>>
    %dma_start3A_497 = arith.constant 0 : i32
    %dma_start3A_498 = tpu.memref_slice %arg9[%dma_start3A_493, %dma_start3A_497] : memref<32x128xi32, #tpu.memory_space<vmem>> -> memref<1x128xi32, #tpu.memory_space<vmem>>
    %dma_start3A_499 = tpu.memref_squeeze %dma_start3A_498 : memref<1x128xi32, #tpu.memory_space<vmem>> -> memref<128xi32, #tpu.memory_space<vmem>>
    %dma_start3A_500 = arith.constant 0 : i32
    %dma_start3A_501 = arith.constant 0 : i32
    %dma_start3A_502 = tpu.memref_slice %arg3[%dma_start3A_500, %dma_start3A_501] : memref<32768x32xf32, #tpu.memory_space<hbm>> -> memref<32768x32xf32, #tpu.memory_space<hbm>>
    tpu.enqueue_indirect_dma source(%dma_start3A_502 : memref<32768x32xf32, #tpu.memory_space<hbm>>) target(%dma_start3A_496 : memref<128x32xf32, #tpu.memory_space<vmem>>) offsets(%dma_start3A_499 : memref<128xi32, #tpu.memory_space<vmem>>) semaphore(%arg11 : memref<!tpu.dma_semaphore, #tpu.memory_space<semaphore_mem>>)
    %dma_wait3A_503 = arith.constant 0 : i32
    %dma_wait3A_504 = arith.constant 0 : i32
    %dma_wait3A_505 = tpu.memref_slice %arg3[%dma_wait3A_503, %dma_wait3A_504] : memref<32768x32xf32, #tpu.memory_space<hbm>> -> memref<2048x32xf32, #tpu.memory_space<hbm>>
    %dma_wait3A_506 = arith.constant 0 : i32
    %dma_wait3A_507 = arith.constant 0 : i32
    %dma_wait3A_508 = tpu.memref_slice %arg3[%dma_wait3A_506, %dma_wait3A_507] : memref<32768x32xf32, #tpu.memory_space<hbm>> -> memref<2048x32xf32, #tpu.memory_space<hbm>>
    tpu.wait_dma2 semaphore(%arg11 : memref<!tpu.dma_semaphore, #tpu.memory_space<semaphore_mem>>) src(%dma_wait3A_508 : memref<2048x32xf32, #tpu.memory_space<hbm>>) dst(%arg10 : memref<2048x32xf32, #tpu.memory_space<vmem>>)
    "tpu.region"() ({
      %run_scoped3A = tpu.sem_alloc : memref<!tpu.dma_semaphore, #tpu.memory_space<semaphore_mem>>
      %dma_start3A_509 = arith.constant 0 : i32
      %dma_start3A_510 = tpu.memref_slice %arg7[%add3A_342, %dma_start3A_509] : memref<131072x32xf32, #tpu.memory_space<hbm>> -> memref<2048x32xf32, #tpu.memory_space<hbm>>
      %dma_start3A_511 = arith.constant 0 : i32
      %dma_start3A_512 = tpu.memref_slice %arg7[%add3A_342, %dma_start3A_511] : memref<131072x32xf32, #tpu.memory_space<hbm>> -> memref<2048x32xf32, #tpu.memory_space<hbm>>
      tpu.enqueue_dma source(%arg10 : memref<2048x32xf32, #tpu.memory_space<vmem>>) target(%dma_start3A_512 : memref<2048x32xf32, #tpu.memory_space<hbm>>) target_semaphore(%run_scoped3A : memref<!tpu.dma_semaphore, #tpu.memory_space<semaphore_mem>>)
      %dma_wait3A_513 = arith.constant 0 : i32
      %dma_wait3A_514 = tpu.memref_slice %arg7[%add3A_342, %dma_wait3A_513] : memref<131072x32xf32, #tpu.memory_space<hbm>> -> memref<2048x32xf32, #tpu.memory_space<hbm>>
      %dma_wait3A_515 = arith.constant 0 : i32
      %dma_wait3A_516 = tpu.memref_slice %arg7[%add3A_342, %dma_wait3A_515] : memref<131072x32xf32, #tpu.memory_space<hbm>> -> memref<2048x32xf32, #tpu.memory_space<hbm>>
      tpu.wait_dma2 semaphore(%run_scoped3A : memref<!tpu.dma_semaphore, #tpu.memory_space<semaphore_mem>>) src(%arg10 : memref<2048x32xf32, #tpu.memory_space<vmem>>) dst(%dma_wait3A_516 : memref<2048x32xf32, #tpu.memory_space<hbm>>)
      tpu.yield
    }) : () -> ()
    return
  }
}

module attributes {stable_mosaic.version = 14 : i64} {
  func.func @_fps_body(%arg0: memref<4x8x1024xf32, #tpu.memory_space<vmem>>, %arg1: memref<4x8x1024xf32, #tpu.memory_space<vmem>>, %arg2: memref<4x8x1024xf32, #tpu.memory_space<vmem>>, %arg3: memref<4x1024xi32, #tpu.memory_space<vmem>>) attributes {dimension_semantics = [], scalar_prefetch = 0 : i64, scratch_operands = 0 : i64, tpu.core_type = #tpu.core_type<tc>} {
    %get3A = arith.constant 0 : index
    %get3A_0 = arith.constant 0 : index
    %get3A_1 = arith.constant 0 : index
    %get3A_2 = vector.load %arg0[%get3A, %get3A_0, %get3A_1] : memref<4x8x1024xf32, #tpu.memory_space<vmem>>, vector<4x8x1024xf32>
    %get3A_3 = arith.constant 0 : index
    %get3A_4 = arith.constant 0 : index
    %get3A_5 = arith.constant 0 : index
    %get3A_6 = vector.load %arg1[%get3A_3, %get3A_4, %get3A_5] : memref<4x8x1024xf32, #tpu.memory_space<vmem>>, vector<4x8x1024xf32>
    %get3A_7 = arith.constant 0 : index
    %get3A_8 = arith.constant 0 : index
    %get3A_9 = arith.constant 0 : index
    %get3A_10 = vector.load %arg2[%get3A_7, %get3A_8, %get3A_9] : memref<4x8x1024xf32, #tpu.memory_space<vmem>>, vector<4x8x1024xf32>
    %iota3A = tpu.iota {dimensions = array<i32: 1>} : vector<4x8x1024xi32>
    %mul3A = arith.constant 1024 : i32
    %mul3A_11 = vector.broadcast %mul3A : i32 to vector<4x8x1024xi32>
    %mul3A_12 = arith.muli %iota3A, %mul3A_11 : vector<4x8x1024xi32>
    %iota3A_13 = tpu.iota {dimensions = array<i32: 2>} : vector<4x8x1024xi32>
    %add3A = arith.addi %mul3A_12, %iota3A_13 : vector<4x8x1024xi32>
    %iota3A_14 = tpu.iota {dimensions = array<i32: 1>} : vector<4x1024xi32>
    %broadcast_in_dim3A = arith.constant 1.000000e+10 : f32
    %broadcast_in_dim3A_15 = vector.broadcast %broadcast_in_dim3A : f32 to vector<4x8x1024xf32>
    %broadcast_in_dim3A_16 = arith.constant 0 : i32
    %broadcast_in_dim3A_17 = vector.broadcast %broadcast_in_dim3A_16 : i32 to vector<4x1x1xi32>
    %scan3A = arith.constant 0 : i32
    %scan3A_18 = arith.constant 1024 : i32
    %scan3A_19 = arith.addi %scan3A, %scan3A_18 : i32
    %scan3A_20 = arith.constant 1 : i32
    %scan3A_21:2 = scf.for %scan3A_23 = %scan3A to %scan3A_19 step %scan3A_20 iter_args(%scan3A_24 = %broadcast_in_dim3A_15, %scan3A_25 = %broadcast_in_dim3A_17) -> (vector<4x8x1024xf32>, vector<4x1x1xi32>)  : i32 {
      %eq3A = vector.broadcast %scan3A_25 : vector<4x1x1xi32> to vector<4x8x1024xi32>
      %eq3A_26 = arith.cmpi eq, %add3A, %eq3A : vector<4x8x1024xi32>
      %jit3A = arith.constant 0.000000e+00 : f32
      %broadcast_in_dim3A_27 = vector.broadcast %jit3A : f32 to vector<4x8x1024xf32>
      %select_n3A = arith.select %eq3A_26, %get3A_2, %broadcast_in_dim3A_27 : vector<4x8x1024xi1>, vector<4x8x1024xf32>
      %reduce_sum3A = arith.constant dense<0.000000e+00> : vector<4xf32>
      %reduce_sum3A_28 = vector.multi_reduction <add>, %select_n3A, %reduce_sum3A [1, 2] : vector<4x8x1024xf32> to vector<4xf32>
      %broadcast_in_dim3A_29 = vector.shape_cast %reduce_sum3A_28 : vector<4xf32> to vector<4x1x1xf32>
      %jit3A_30 = arith.constant 0.000000e+00 : f32
      %broadcast_in_dim3A_31 = vector.broadcast %jit3A_30 : f32 to vector<4x8x1024xf32>
      %select_n3A_32 = arith.select %eq3A_26, %get3A_6, %broadcast_in_dim3A_31 : vector<4x8x1024xi1>, vector<4x8x1024xf32>
      %reduce_sum3A_33 = arith.constant dense<0.000000e+00> : vector<4xf32>
      %reduce_sum3A_34 = vector.multi_reduction <add>, %select_n3A_32, %reduce_sum3A_33 [1, 2] : vector<4x8x1024xf32> to vector<4xf32>
      %broadcast_in_dim3A_35 = vector.shape_cast %reduce_sum3A_34 : vector<4xf32> to vector<4x1x1xf32>
      %jit3A_36 = arith.constant 0.000000e+00 : f32
      %broadcast_in_dim3A_37 = vector.broadcast %jit3A_36 : f32 to vector<4x8x1024xf32>
      %select_n3A_38 = arith.select %eq3A_26, %get3A_10, %broadcast_in_dim3A_37 : vector<4x8x1024xi1>, vector<4x8x1024xf32>
      %reduce_sum3A_39 = arith.constant dense<0.000000e+00> : vector<4xf32>
      %reduce_sum3A_40 = vector.multi_reduction <add>, %select_n3A_38, %reduce_sum3A_39 [1, 2] : vector<4x8x1024xf32> to vector<4xf32>
      %broadcast_in_dim3A_41 = vector.shape_cast %reduce_sum3A_40 : vector<4xf32> to vector<4x1x1xf32>
      %eq3A_42 = vector.broadcast %scan3A_23 : i32 to vector<4x1024xi32>
      %eq3A_43 = arith.cmpi eq, %iota3A_14, %eq3A_42 : vector<4x1024xi32>
      %squeeze3A = vector.shape_cast %scan3A_25 : vector<4x1x1xi32> to vector<4x1xi32>
      %get3A_44 = arith.constant 0 : index
      %get3A_45 = arith.constant 0 : index
      %get3A_46 = vector.load %arg3[%get3A_44, %get3A_45] : memref<4x1024xi32, #tpu.memory_space<vmem>>, vector<4x1024xi32>
      %broadcast_in_dim3A_47 = vector.shape_cast %squeeze3A : vector<4x1xi32> to vector<4x1xi32>
      %broadcast_in_dim3A_48 = vector.broadcast %broadcast_in_dim3A_47 : vector<4x1xi32> to vector<4x1024xi32>
      %select_n3A_49 = arith.select %eq3A_43, %broadcast_in_dim3A_48, %get3A_46 : vector<4x1024xi1>, vector<4x1024xi32>
      %swap3A = arith.constant 0 : index
      %swap3A_50 = arith.constant 0 : index
      %swap3A_51 = vector.load %arg3[%swap3A, %swap3A_50] : memref<4x1024xi32, #tpu.memory_space<vmem>>, vector<4x1024xi32>
      tpu.vector_store %arg3[%swap3A, %swap3A_50], %select_n3A_49 {strides = array<i32>} : memref<4x1024xi32, #tpu.memory_space<vmem>>, vector<4x1024xi32>,
      %sub3A = vector.broadcast %broadcast_in_dim3A_29 : vector<4x1x1xf32> to vector<4x8x1024xf32>
      %sub3A_52 = arith.subf %get3A_2, %sub3A : vector<4x8x1024xf32>
      %sub3A_53 = vector.broadcast %broadcast_in_dim3A_35 : vector<4x1x1xf32> to vector<4x8x1024xf32>
      %sub3A_54 = arith.subf %get3A_6, %sub3A_53 : vector<4x8x1024xf32>
      %sub3A_55 = vector.broadcast %broadcast_in_dim3A_41 : vector<4x1x1xf32> to vector<4x8x1024xf32>
      %sub3A_56 = arith.subf %get3A_10, %sub3A_55 : vector<4x8x1024xf32>
      %mul3A_57 = arith.mulf %sub3A_52, %sub3A_52 : vector<4x8x1024xf32>
      %mul3A_58 = arith.mulf %sub3A_54, %sub3A_54 : vector<4x8x1024xf32>
      %add3A_59 = arith.addf %mul3A_57, %mul3A_58 : vector<4x8x1024xf32>
      %mul3A_60 = arith.mulf %sub3A_56, %sub3A_56 : vector<4x8x1024xf32>
      %add3A_61 = arith.addf %add3A_59, %mul3A_60 : vector<4x8x1024xf32>
      %min3A = arith.minimumf %scan3A_24, %add3A_61 : vector<4x8x1024xf32>
      %reduce_max3A = arith.constant dense<0xFF800000> : vector<4xf32>
      %reduce_max3A_62 = vector.multi_reduction <maximumf>, %min3A, %reduce_max3A [1, 2] : vector<4x8x1024xf32> to vector<4xf32>
      %broadcast_in_dim3A_63 = vector.shape_cast %reduce_max3A_62 : vector<4xf32> to vector<4x1x1xf32>
      %eq3A_64 = vector.broadcast %broadcast_in_dim3A_63 : vector<4x1x1xf32> to vector<4x8x1024xf32>
      %eq3A_65 = arith.cmpf oeq, %min3A, %eq3A_64 : vector<4x8x1024xf32>
      %jit3A_66 = arith.constant 8192 : i32
      %broadcast_in_dim3A_67 = vector.broadcast %jit3A_66 : i32 to vector<4x8x1024xi32>
      %select_n3A_68 = arith.select %eq3A_65, %add3A, %broadcast_in_dim3A_67 : vector<4x8x1024xi1>, vector<4x8x1024xi32>
      %reduce_min3A = arith.constant dense<2147483647> : vector<4xi32>
      %reduce_min3A_69 = vector.multi_reduction <minsi>, %select_n3A_68, %reduce_min3A [1, 2] : vector<4x8x1024xi32> to vector<4xi32>
      %broadcast_in_dim3A_70 = vector.shape_cast %reduce_min3A_69 : vector<4xi32> to vector<4x1x1xi32>
      scf.yield %min3A, %broadcast_in_dim3A_70 : vector<4x8x1024xf32>, vector<4x1x1xi32>
    }
    %scan3A_22 = arith.constant 1024 : i32
    return
  }
}

module attributes {stable_mosaic.version = 14 : i64} {
  func.func @_prep_body(%arg0: i32, %arg1: memref<1x8192x3xf32, #tpu.memory_space<vmem>>, %arg2: memref<1x8192x16xf32, #tpu.memory_space<vmem>>, %arg3: memref<3x32xf32, #tpu.memory_space<vmem>>, %arg4: memref<16x32xf32, #tpu.memory_space<vmem>>, %arg5: memref<1x32xf32, #tpu.memory_space<vmem>>, %arg6: memref<3x32xf32, #tpu.memory_space<vmem>>, %arg7: memref<16x32xf32, #tpu.memory_space<vmem>>, %arg8: memref<1x32xf32, #tpu.memory_space<vmem>>, %arg9: memref<1x8192x32xf32, #tpu.memory_space<vmem>>, %arg10: memref<1x8192x32xf32, #tpu.memory_space<vmem>>) attributes {dimension_semantics = [#tpu.dimension_semantics<arbitrary>], iteration_bounds = array<i64: 4>, scalar_prefetch = 0 : i64, scratch_operands = 0 : i64, tpu.core_type = #tpu.core_type<tc>, window_params = [{transform_indices = @transform_0, window_bounds = array<i64: 1, 8192, 3>}, {transform_indices = @transform_1, window_bounds = array<i64: 1, 8192, 16>}, {pipeline_mode = #tpu.pipeline_mode<synchronous>, transform_indices = @transform_2, window_bounds = array<i64: 3, 32>}, {pipeline_mode = #tpu.pipeline_mode<synchronous>, transform_indices = @transform_3, window_bounds = array<i64: 16, 32>}, {pipeline_mode = #tpu.pipeline_mode<synchronous>, transform_indices = @transform_4, window_bounds = array<i64: 1, 32>}, {pipeline_mode = #tpu.pipeline_mode<synchronous>, transform_indices = @transform_5, window_bounds = array<i64: 3, 32>}, {pipeline_mode = #tpu.pipeline_mode<synchronous>, transform_indices = @transform_6, window_bounds = array<i64: 16, 32>}, {pipeline_mode = #tpu.pipeline_mode<synchronous>, transform_indices = @transform_7, window_bounds = array<i64: 1, 32>}, {transform_indices = @transform_8, window_bounds = array<i64: 1, 8192, 32>}, {transform_indices = @transform_9, window_bounds = array<i64: 1, 8192, 32>}]} {
    %get3A = arith.constant 0 : index
    %get3A_0 = arith.constant 0 : index
    %get3A_1 = arith.constant 0 : index
    %get3A_2 = vector.load %arg1[%get3A, %get3A_0, %get3A_1] : memref<1x8192x3xf32, #tpu.memory_space<vmem>>, vector<1x8192x3xf32>
    %get3A_3 = vector.shape_cast %get3A_2 : vector<1x8192x3xf32> to vector<8192x3xf32>
    %get3A_4 = arith.constant 0 : index
    %get3A_5 = arith.constant 0 : index
    %get3A_6 = arith.constant 0 : index
    %get3A_7 = vector.load %arg2[%get3A_4, %get3A_5, %get3A_6] : memref<1x8192x16xf32, #tpu.memory_space<vmem>>, vector<1x8192x16xf32>
    %get3A_8 = vector.shape_cast %get3A_7 : vector<1x8192x16xf32> to vector<8192x16xf32>
    %get3A_9 = arith.constant 0 : index
    %get3A_10 = arith.constant 0 : index
    %get3A_11 = vector.load %arg3[%get3A_9, %get3A_10] : memref<3x32xf32, #tpu.memory_space<vmem>>, vector<3x32xf32>
    %dot_general3A = arith.constant dense<0.000000e+00> : vector<8192x32xf32>
    %dot_general3A_12 = tpu.matmul %get3A_3, %get3A_11, %dot_general3A {dimension_numbers = #tpu.dot_dimension_numbers<[1], [0], [0], [1], [0, 0, 1, 1], [], []>, transpose_lhs_hint = false} : vector<8192x3xf32>, vector<3x32xf32>, vector<8192x32xf32> -> vector<8192x32xf32>
    %get3A_13 = arith.constant 0 : index
    %get3A_14 = arith.constant 0 : index
    %get3A_15 = vector.load %arg4[%get3A_13, %get3A_14] : memref<16x32xf32, #tpu.memory_space<vmem>>, vector<16x32xf32>
    %dot_general3A_16 = arith.constant dense<0.000000e+00> : vector<8192x32xf32>
    %dot_general3A_17 = tpu.matmul %get3A_8, %get3A_15, %dot_general3A_16 {dimension_numbers = #tpu.dot_dimension_numbers<[1], [0], [0], [1], [0, 0, 1, 1], [], []>, transpose_lhs_hint = false} : vector<8192x16xf32>, vector<16x32xf32>, vector<8192x32xf32> -> vector<8192x32xf32>
    %add3A = arith.addf %dot_general3A_12, %dot_general3A_17 : vector<8192x32xf32>
    %get3A_18 = arith.constant 0 : index
    %get3A_19 = arith.constant 0 : index
    %get3A_20 = vector.load %arg5[%get3A_18, %get3A_19] : memref<1x32xf32, #tpu.memory_space<vmem>>, vector<1x32xf32>
    %add3A_21 = vector.broadcast %get3A_20 : vector<1x32xf32> to vector<8192x32xf32>
    %add3A_22 = arith.addf %add3A, %add3A_21 : vector<8192x32xf32>
    %swap3A = arith.constant 0 : index
    %swap3A_23 = arith.constant 0 : index
    %swap3A_24 = arith.constant 0 : index
    %swap3A_25 = vector.load %arg9[%swap3A, %swap3A_23, %swap3A_24] : memref<1x8192x32xf32, #tpu.memory_space<vmem>>, vector<1x8192x32xf32>
    %swap3A_26 = vector.shape_cast %swap3A_25 : vector<1x8192x32xf32> to vector<8192x32xf32>
    %swap3A_27 = vector.shape_cast %add3A_22 : vector<8192x32xf32> to vector<1x8192x32xf32>
    tpu.vector_store %arg9[%swap3A, %swap3A_23, %swap3A_24], %swap3A_27 {strides = array<i32>} : memref<1x8192x32xf32, #tpu.memory_space<vmem>>, vector<1x8192x32xf32>,
    %get3A_28 = arith.constant 0 : index
    %get3A_29 = arith.constant 0 : index
    %get3A_30 = vector.load %arg6[%get3A_28, %get3A_29] : memref<3x32xf32, #tpu.memory_space<vmem>>, vector<3x32xf32>
    %dot_general3A_31 = arith.constant dense<0.000000e+00> : vector<8192x32xf32>
    %dot_general3A_32 = tpu.matmul %get3A_3, %get3A_30, %dot_general3A_31 {dimension_numbers = #tpu.dot_dimension_numbers<[1], [0], [0], [1], [0, 0, 1, 1], [], []>, transpose_lhs_hint = false} : vector<8192x3xf32>, vector<3x32xf32>, vector<8192x32xf32> -> vector<8192x32xf32>
    %get3A_33 = arith.constant 0 : index
    %get3A_34 = arith.constant 0 : index
    %get3A_35 = vector.load %arg7[%get3A_33, %get3A_34] : memref<16x32xf32, #tpu.memory_space<vmem>>, vector<16x32xf32>
    %dot_general3A_36 = arith.constant dense<0.000000e+00> : vector<8192x32xf32>
    %dot_general3A_37 = tpu.matmul %get3A_8, %get3A_35, %dot_general3A_36 {dimension_numbers = #tpu.dot_dimension_numbers<[1], [0], [0], [1], [0, 0, 1, 1], [], []>, transpose_lhs_hint = false} : vector<8192x16xf32>, vector<16x32xf32>, vector<8192x32xf32> -> vector<8192x32xf32>
    %add3A_38 = arith.addf %dot_general3A_32, %dot_general3A_37 : vector<8192x32xf32>
    %get3A_39 = arith.constant 0 : index
    %get3A_40 = arith.constant 0 : index
    %get3A_41 = vector.load %arg8[%get3A_39, %get3A_40] : memref<1x32xf32, #tpu.memory_space<vmem>>, vector<1x32xf32>
    %add3A_42 = vector.broadcast %get3A_41 : vector<1x32xf32> to vector<8192x32xf32>
    %add3A_43 = arith.addf %add3A_38, %add3A_42 : vector<8192x32xf32>
    %swap3A_44 = arith.constant 0 : index
    %swap3A_45 = arith.constant 0 : index
    %swap3A_46 = arith.constant 0 : index
    %swap3A_47 = vector.load %arg10[%swap3A_44, %swap3A_45, %swap3A_46] : memref<1x8192x32xf32, #tpu.memory_space<vmem>>, vector<1x8192x32xf32>
    %swap3A_48 = vector.shape_cast %swap3A_47 : vector<1x8192x32xf32> to vector<8192x32xf32>
    %swap3A_49 = vector.shape_cast %add3A_43 : vector<8192x32xf32> to vector<1x8192x32xf32>
    tpu.vector_store %arg10[%swap3A_44, %swap3A_45, %swap3A_46], %swap3A_49 {strides = array<i32>} : memref<1x8192x32xf32, #tpu.memory_space<vmem>>, vector<1x8192x32xf32>,
    return
  }
  func.func @transform_0(%arg0: i32) -> (i32, i32, i32) {
    %c0_i32 = arith.constant 0 : i32
    %c0_i32_0 = arith.constant 0 : i32
    %c0_i32_1 = arith.constant 0 : i32
    return %arg0, %c0_i32, %c0_i32_0 : i32, i32, i32
  }
  func.func @transform_1(%arg0: i32) -> (i32, i32, i32) {
    %c0_i32 = arith.constant 0 : i32
    %c0_i32_0 = arith.constant 0 : i32
    %c0_i32_1 = arith.constant 0 : i32
    return %arg0, %c0_i32, %c0_i32_0 : i32, i32, i32
  }
  func.func @transform_2(%arg0: i32) -> (i32, i32) {
    %c0_i32 = arith.constant 0 : i32
    %c0_i32_0 = arith.constant 0 : i32
    %c0_i32_1 = arith.constant 0 : i32
    return %c0_i32, %c0_i32_0 : i32, i32
  }
  func.func @transform_3(%arg0: i32) -> (i32, i32) {
    %c0_i32 = arith.constant 0 : i32
    %c0_i32_0 = arith.constant 0 : i32
    %c0_i32_1 = arith.constant 0 : i32
    return %c0_i32, %c0_i32_0 : i32, i32
  }
  func.func @transform_4(%arg0: i32) -> (i32, i32) {
    %c0_i32 = arith.constant 0 : i32
    %c0_i32_0 = arith.constant 0 : i32
    %c0_i32_1 = arith.constant 0 : i32
    return %c0_i32, %c0_i32_0 : i32, i32
  }
  func.func @transform_5(%arg0: i32) -> (i32, i32) {
    %c0_i32 = arith.constant 0 : i32
    %c0_i32_0 = arith.constant 0 : i32
    %c0_i32_1 = arith.constant 0 : i32
    return %c0_i32, %c0_i32_0 : i32, i32
  }
  func.func @transform_6(%arg0: i32) -> (i32, i32) {
    %c0_i32 = arith.constant 0 : i32
    %c0_i32_0 = arith.constant 0 : i32
    %c0_i32_1 = arith.constant 0 : i32
    return %c0_i32, %c0_i32_0 : i32, i32
  }
  func.func @transform_7(%arg0: i32) -> (i32, i32) {
    %c0_i32 = arith.constant 0 : i32
    %c0_i32_0 = arith.constant 0 : i32
    %c0_i32_1 = arith.constant 0 : i32
    return %c0_i32, %c0_i32_0 : i32, i32
  }
  func.func @transform_8(%arg0: i32) -> (i32, i32, i32) {
    %c0_i32 = arith.constant 0 : i32
    %c0_i32_0 = arith.constant 0 : i32
    %c0_i32_1 = arith.constant 0 : i32
    return %arg0, %c0_i32, %c0_i32_0 : i32, i32, i32
  }
  func.func @transform_9(%arg0: i32) -> (i32, i32, i32) {
    %c0_i32 = arith.constant 0 : i32
    %c0_i32_0 = arith.constant 0 : i32
    %c0_i32_1 = arith.constant 0 : i32
    return %arg0, %c0_i32, %c0_i32_0 : i32, i32, i32
  }
}

module attributes {stable_mosaic.version = 14 : i64} {
  func.func @_mlp_body(%arg0: i32, %arg1: memref<1x3x128xf32, #tpu.memory_space<vmem>>, %arg2: memref<1x2048x32xf32, #tpu.memory_space<vmem>>, %arg3: memref<1x4096x32xf32, #tpu.memory_space<vmem>>, %arg4: memref<3x32xf32, #tpu.memory_space<vmem>>, %arg5: memref<3x32xf32, #tpu.memory_space<vmem>>, %arg6: memref<32x32xf32, #tpu.memory_space<vmem>>, %arg7: memref<1x32xf32, #tpu.memory_space<vmem>>, %arg8: memref<32x64xf32, #tpu.memory_space<vmem>>, %arg9: memref<1x64xf32, #tpu.memory_space<vmem>>, %arg10: memref<32x32xf32, #tpu.memory_space<vmem>>, %arg11: memref<1x32xf32, #tpu.memory_space<vmem>>, %arg12: memref<32x64xf32, #tpu.memory_space<vmem>>, %arg13: memref<1x64xf32, #tpu.memory_space<vmem>>, %arg14: memref<128x64xf32, #tpu.memory_space<vmem>>, %arg15: memref<1x64xf32, #tpu.memory_space<vmem>>, %arg16: memref<1x128x64xf32, #tpu.memory_space<vmem>>) attributes {dimension_semantics = [#tpu.dimension_semantics<arbitrary>], iteration_bounds = array<i64: 32>, scalar_prefetch = 0 : i64, scratch_operands = 0 : i64, tpu.core_type = #tpu.core_type<tc>, window_params = [{transform_indices = @transform_0, window_bounds = array<i64: 1, 3, 128>}, {transform_indices = @transform_1, window_bounds = array<i64: 1, 2048, 32>}, {transform_indices = @transform_2, window_bounds = array<i64: 1, 4096, 32>}, {pipeline_mode = #tpu.pipeline_mode<synchronous>, transform_indices = @transform_3, window_bounds = array<i64: 3, 32>}, {pipeline_mode = #tpu.pipeline_mode<synchronous>, transform_indices = @transform_4, window_bounds = array<i64: 3, 32>}, {pipeline_mode = #tpu.pipeline_mode<synchronous>, transform_indices = @transform_5, window_bounds = array<i64: 32, 32>}, {pipeline_mode = #tpu.pipeline_mode<synchronous>, transform_indices = @transform_6, window_bounds = array<i64: 1, 32>}, {pipeline_mode = #tpu.pipeline_mode<synchronous>, transform_indices = @transform_7, window_bounds = array<i64: 32, 64>}, {pipeline_mode = #tpu.pipeline_mode<synchronous>, transform_indices = @transform_8, window_bounds = array<i64: 1, 64>}, {pipeline_mode = #tpu.pipeline_mode<synchronous>, transform_indices = @transform_9, window_bounds = array<i64: 32, 32>}, {pipeline_mode = #tpu.pipeline_mode<synchronous>, transform_indices = @transform_10, window_bounds = array<i64: 1, 32>}, {pipeline_mode = #tpu.pipeline_mode<synchronous>, transform_indices = @transform_11, window_bounds = array<i64: 32, 64>}, {pipeline_mode = #tpu.pipeline_mode<synchronous>, transform_indices = @transform_12, window_bounds = array<i64: 1, 64>}, {pipeline_mode = #tpu.pipeline_mode<synchronous>, transform_indices = @transform_13, window_bounds = array<i64: 128, 64>}, {pipeline_mode = #tpu.pipeline_mode<synchronous>, transform_indices = @transform_14, window_bounds = array<i64: 1, 64>}, {transform_indices = @transform_15, window_bounds = array<i64: 1, 128, 64>}]} {
    %get3A = arith.constant 0 : index
    %get3A_0 = arith.constant 0 : index
    %get3A_1 = arith.constant 0 : index
    %get3A_2 = vector.load %arg1[%get3A, %get3A_0, %get3A_1] : memref<1x3x128xf32, #tpu.memory_space<vmem>>, vector<1x3x128xf32>
    %get3A_3 = vector.shape_cast %get3A_2 : vector<1x3x128xf32> to vector<3x128xf32>
    %get3A_4 = arith.constant 0 : index
    %get3A_5 = arith.constant 0 : index
    %get3A_6 = vector.load %arg4[%get3A_4, %get3A_5] : memref<3x32xf32, #tpu.memory_space<vmem>>, vector<3x32xf32>
    %dot_general3A = arith.constant dense<0.000000e+00> : vector<128x32xf32>
    %dot_general3A_7 = tpu.matmul %get3A_3, %get3A_6, %dot_general3A {dimension_numbers = #tpu.dot_dimension_numbers<[0], [0], [1], [1], [0, 1, 1, 1], [], []>, transpose_lhs_hint = false} : vector<3x128xf32>, vector<3x32xf32>, vector<128x32xf32> -> vector<128x32xf32>
    %get3A_8 = arith.constant 0 : index
    %get3A_9 = arith.constant 0 : index
    %get3A_10 = vector.load %arg5[%get3A_8, %get3A_9] : memref<3x32xf32, #tpu.memory_space<vmem>>, vector<3x32xf32>
    %dot_general3A_11 = arith.constant dense<0.000000e+00> : vector<128x32xf32>
    %dot_general3A_12 = tpu.matmul %get3A_3, %get3A_10, %dot_general3A_11 {dimension_numbers = #tpu.dot_dimension_numbers<[0], [0], [1], [1], [0, 1, 1, 1], [], []>, transpose_lhs_hint = false} : vector<3x128xf32>, vector<3x32xf32>, vector<128x32xf32> -> vector<128x32xf32>
    %get3A_13 = arith.constant 0 : index
    %get3A_14 = arith.constant 0 : index
    %get3A_15 = arith.constant 0 : index
    %get3A_16 = vector.load %arg2[%get3A_13, %get3A_14, %get3A_15] : memref<1x2048x32xf32, #tpu.memory_space<vmem>>, vector<1x2048x32xf32>
    %get3A_17 = vector.shape_cast %get3A_16 : vector<1x2048x32xf32> to vector<2048x32xf32>
    %reshape3A = vector.shape_cast %get3A_17 : vector<2048x32xf32> to vector<128x16x32xf32>
    %reshape3A_18 = vector.shape_cast %dot_general3A_7 : vector<128x32xf32> to vector<128x1x32xf32>
    %sub3A = vector.broadcast %reshape3A_18 : vector<128x1x32xf32> to vector<128x16x32xf32>
    %sub3A_19 = arith.subf %reshape3A, %sub3A : vector<128x16x32xf32>
    %max3A = arith.constant 0.000000e+00 : f32
    %max3A_20 = vector.broadcast %max3A : f32 to vector<128x16x32xf32>
    %max3A_21 = arith.maximumf %sub3A_19, %max3A_20 : vector<128x16x32xf32>
    %reshape3A_22 = vector.shape_cast %max3A_21 : vector<128x16x32xf32> to vector<2048x32xf32>
    %get3A_23 = arith.constant 0 : index
    %get3A_24 = arith.constant 0 : index
    %get3A_25 = vector.load %arg6[%get3A_23, %get3A_24] : memref<32x32xf32, #tpu.memory_space<vmem>>, vector<32x32xf32>
    %dot_general3A_26 = arith.constant dense<0.000000e+00> : vector<2048x32xf32>
    %dot_general3A_27 = tpu.matmul %reshape3A_22, %get3A_25, %dot_general3A_26 {dimension_numbers = #tpu.dot_dimension_numbers<[1], [0], [0], [1], [0, 0, 1, 1], [], []>, transpose_lhs_hint = false} : vector<2048x32xf32>, vector<32x32xf32>, vector<2048x32xf32> -> vector<2048x32xf32>
    %get3A_28 = arith.constant 0 : index
    %get3A_29 = arith.constant 0 : index
    %get3A_30 = vector.load %arg7[%get3A_28, %get3A_29] : memref<1x32xf32, #tpu.memory_space<vmem>>, vector<1x32xf32>
    %add3A = vector.broadcast %get3A_30 : vector<1x32xf32> to vector<2048x32xf32>
    %add3A_31 = arith.addf %dot_general3A_27, %add3A : vector<2048x32xf32>
    %max3A_32 = arith.constant 0.000000e+00 : f32
    %max3A_33 = vector.broadcast %max3A_32 : f32 to vector<2048x32xf32>
    %max3A_34 = arith.maximumf %add3A_31, %max3A_33 : vector<2048x32xf32>
    %get3A_35 = arith.constant 0 : index
    %get3A_36 = arith.constant 0 : index
    %get3A_37 = vector.load %arg8[%get3A_35, %get3A_36] : memref<32x64xf32, #tpu.memory_space<vmem>>, vector<32x64xf32>
    %dot_general3A_38 = arith.constant dense<0.000000e+00> : vector<2048x64xf32>
    %dot_general3A_39 = tpu.matmul %max3A_34, %get3A_37, %dot_general3A_38 {dimension_numbers = #tpu.dot_dimension_numbers<[1], [0], [0], [1], [0, 0, 1, 1], [], []>, transpose_lhs_hint = false} : vector<2048x32xf32>, vector<32x64xf32>, vector<2048x64xf32> -> vector<2048x64xf32>
    %get3A_40 = arith.constant 0 : index
    %get3A_41 = arith.constant 0 : index
    %get3A_42 = vector.load %arg9[%get3A_40, %get3A_41] : memref<1x64xf32, #tpu.memory_space<vmem>>, vector<1x64xf32>
    %add3A_43 = vector.broadcast %get3A_42 : vector<1x64xf32> to vector<2048x64xf32>
    %add3A_44 = arith.addf %dot_general3A_39, %add3A_43 : vector<2048x64xf32>
    %max3A_45 = arith.constant 0.000000e+00 : f32
    %max3A_46 = vector.broadcast %max3A_45 : f32 to vector<2048x64xf32>
    %max3A_47 = arith.maximumf %add3A_44, %max3A_46 : vector<2048x64xf32>
    %reshape3A_48 = vector.shape_cast %max3A_47 : vector<2048x64xf32> to vector<128x16x64xf32>
    %reduce_max3A = arith.constant dense<0xFF800000> : vector<128x64xf32>
    %reduce_max3A_49 = vector.multi_reduction <maximumf>, %reshape3A_48, %reduce_max3A [1] : vector<128x16x64xf32> to vector<128x64xf32>
    %get3A_50 = arith.constant 0 : index
    %get3A_51 = arith.constant 0 : index
    %get3A_52 = arith.constant 0 : index
    %get3A_53 = vector.load %arg3[%get3A_50, %get3A_51, %get3A_52] : memref<1x4096x32xf32, #tpu.memory_space<vmem>>, vector<1x4096x32xf32>
    %get3A_54 = vector.shape_cast %get3A_53 : vector<1x4096x32xf32> to vector<4096x32xf32>
    %reshape3A_55 = vector.shape_cast %get3A_54 : vector<4096x32xf32> to vector<128x32x32xf32>
    %reshape3A_56 = vector.shape_cast %dot_general3A_12 : vector<128x32xf32> to vector<128x1x32xf32>
    %sub3A_57 = vector.broadcast %reshape3A_56 : vector<128x1x32xf32> to vector<128x32x32xf32>
    %sub3A_58 = arith.subf %reshape3A_55, %sub3A_57 : vector<128x32x32xf32>
    %max3A_59 = arith.constant 0.000000e+00 : f32
    %max3A_60 = vector.broadcast %max3A_59 : f32 to vector<128x32x32xf32>
    %max3A_61 = arith.maximumf %sub3A_58, %max3A_60 : vector<128x32x32xf32>
    %reshape3A_62 = vector.shape_cast %max3A_61 : vector<128x32x32xf32> to vector<4096x32xf32>
    %get3A_63 = arith.constant 0 : index
    %get3A_64 = arith.constant 0 : index
    %get3A_65 = vector.load %arg10[%get3A_63, %get3A_64] : memref<32x32xf32, #tpu.memory_space<vmem>>, vector<32x32xf32>
    %dot_general3A_66 = arith.constant dense<0.000000e+00> : vector<4096x32xf32>
    %dot_general3A_67 = tpu.matmul %reshape3A_62, %get3A_65, %dot_general3A_66 {dimension_numbers = #tpu.dot_dimension_numbers<[1], [0], [0], [1], [0, 0, 1, 1], [], []>, transpose_lhs_hint = false} : vector<4096x32xf32>, vector<32x32xf32>, vector<4096x32xf32> -> vector<4096x32xf32>
    %get3A_68 = arith.constant 0 : index
    %get3A_69 = arith.constant 0 : index
    %get3A_70 = vector.load %arg11[%get3A_68, %get3A_69] : memref<1x32xf32, #tpu.memory_space<vmem>>, vector<1x32xf32>
    %add3A_71 = vector.broadcast %get3A_70 : vector<1x32xf32> to vector<4096x32xf32>
    %add3A_72 = arith.addf %dot_general3A_67, %add3A_71 : vector<4096x32xf32>
    %max3A_73 = arith.constant 0.000000e+00 : f32
    %max3A_74 = vector.broadcast %max3A_73 : f32 to vector<4096x32xf32>
    %max3A_75 = arith.maximumf %add3A_72, %max3A_74 : vector<4096x32xf32>
    %get3A_76 = arith.constant 0 : index
    %get3A_77 = arith.constant 0 : index
    %get3A_78 = vector.load %arg12[%get3A_76, %get3A_77] : memref<32x64xf32, #tpu.memory_space<vmem>>, vector<32x64xf32>
    %dot_general3A_79 = arith.constant dense<0.000000e+00> : vector<4096x64xf32>
    %dot_general3A_80 = tpu.matmul %max3A_75, %get3A_78, %dot_general3A_79 {dimension_numbers = #tpu.dot_dimension_numbers<[1], [0], [0], [1], [0, 0, 1, 1], [], []>, transpose_lhs_hint = false} : vector<4096x32xf32>, vector<32x64xf32>, vector<4096x64xf32> -> vector<4096x64xf32>
    %get3A_81 = arith.constant 0 : index
    %get3A_82 = arith.constant 0 : index
    %get3A_83 = vector.load %arg13[%get3A_81, %get3A_82] : memref<1x64xf32, #tpu.memory_space<vmem>>, vector<1x64xf32>
    %add3A_84 = vector.broadcast %get3A_83 : vector<1x64xf32> to vector<4096x64xf32>
    %add3A_85 = arith.addf %dot_general3A_80, %add3A_84 : vector<4096x64xf32>
    %max3A_86 = arith.constant 0.000000e+00 : f32
    %max3A_87 = vector.broadcast %max3A_86 : f32 to vector<4096x64xf32>
    %max3A_88 = arith.maximumf %add3A_85, %max3A_87 : vector<4096x64xf32>
    %reshape3A_89 = vector.shape_cast %max3A_88 : vector<4096x64xf32> to vector<128x32x64xf32>
    %reduce_max3A_90 = arith.constant dense<0xFF800000> : vector<128x64xf32>
    %reduce_max3A_91 = vector.multi_reduction <maximumf>, %reshape3A_89, %reduce_max3A_90 [1] : vector<128x32x64xf32> to vector<128x64xf32>
    %concatenate3A = tpu.concatenate %reduce_max3A_49, %reduce_max3A_91 in 1 : vector<128x64xf32>, vector<128x64xf32> -> vector<128x128xf32>
    %get3A_92 = arith.constant 0 : index
    %get3A_93 = arith.constant 0 : index
    %get3A_94 = vector.load %arg14[%get3A_92, %get3A_93] : memref<128x64xf32, #tpu.memory_space<vmem>>, vector<128x64xf32>
    %dot_general3A_95 = arith.constant dense<0.000000e+00> : vector<128x64xf32>
    %dot_general3A_96 = tpu.matmul %concatenate3A, %get3A_94, %dot_general3A_95 {dimension_numbers = #tpu.dot_dimension_numbers<[1], [0], [0], [1], [0, 0, 1, 1], [], []>, transpose_lhs_hint = false} : vector<128x128xf32>, vector<128x64xf32>, vector<128x64xf32> -> vector<128x64xf32>
    %get3A_97 = arith.constant 0 : index
    %get3A_98 = arith.constant 0 : index
    %get3A_99 = vector.load %arg15[%get3A_97, %get3A_98] : memref<1x64xf32, #tpu.memory_space<vmem>>, vector<1x64xf32>
    %add3A_100 = vector.broadcast %get3A_99 : vector<1x64xf32> to vector<128x64xf32>
    %add3A_101 = arith.addf %dot_general3A_96, %add3A_100 : vector<128x64xf32>
    %max3A_102 = arith.constant 0.000000e+00 : f32
    %max3A_103 = vector.broadcast %max3A_102 : f32 to vector<128x64xf32>
    %max3A_104 = arith.maximumf %add3A_101, %max3A_103 : vector<128x64xf32>
    %swap3A = arith.constant 0 : index
    %swap3A_105 = arith.constant 0 : index
    %swap3A_106 = arith.constant 0 : index
    %swap3A_107 = vector.load %arg16[%swap3A, %swap3A_105, %swap3A_106] : memref<1x128x64xf32, #tpu.memory_space<vmem>>, vector<1x128x64xf32>
    %swap3A_108 = vector.shape_cast %swap3A_107 : vector<1x128x64xf32> to vector<128x64xf32>
    %swap3A_109 = vector.shape_cast %max3A_104 : vector<128x64xf32> to vector<1x128x64xf32>
    tpu.vector_store %arg16[%swap3A, %swap3A_105, %swap3A_106], %swap3A_109 {strides = array<i32>} : memref<1x128x64xf32, #tpu.memory_space<vmem>>, vector<1x128x64xf32>,
    return
  }
  func.func @transform_0(%arg0: i32) -> (i32, i32, i32) {
    %c0_i32 = arith.constant 0 : i32
    %c0_i32_0 = arith.constant 0 : i32
    %c0_i32_1 = arith.constant 0 : i32
    return %arg0, %c0_i32, %c0_i32_0 : i32, i32, i32
  }
  func.func @transform_1(%arg0: i32) -> (i32, i32, i32) {
    %c0_i32 = arith.constant 0 : i32
    %c0_i32_0 = arith.constant 0 : i32
    %c0_i32_1 = arith.constant 0 : i32
    return %arg0, %c0_i32, %c0_i32_0 : i32, i32, i32
  }
  func.func @transform_2(%arg0: i32) -> (i32, i32, i32) {
    %c0_i32 = arith.constant 0 : i32
    %c0_i32_0 = arith.constant 0 : i32
    %c0_i32_1 = arith.constant 0 : i32
    return %arg0, %c0_i32, %c0_i32_0 : i32, i32, i32
  }
  func.func @transform_3(%arg0: i32) -> (i32, i32) {
    %c0_i32 = arith.constant 0 : i32
    %c0_i32_0 = arith.constant 0 : i32
    %c0_i32_1 = arith.constant 0 : i32
    return %c0_i32, %c0_i32_0 : i32, i32
  }
  func.func @transform_4(%arg0: i32) -> (i32, i32) {
    %c0_i32 = arith.constant 0 : i32
    %c0_i32_0 = arith.constant 0 : i32
    %c0_i32_1 = arith.constant 0 : i32
    return %c0_i32, %c0_i32_0 : i32, i32
  }
  func.func @transform_5(%arg0: i32) -> (i32, i32) {
    %c0_i32 = arith.constant 0 : i32
    %c0_i32_0 = arith.constant 0 : i32
    %c0_i32_1 = arith.constant 0 : i32
    return %c0_i32, %c0_i32_0 : i32, i32
  }
  func.func @transform_6(%arg0: i32) -> (i32, i32) {
    %c0_i32 = arith.constant 0 : i32
    %c0_i32_0 = arith.constant 0 : i32
    %c0_i32_1 = arith.constant 0 : i32
    return %c0_i32, %c0_i32_0 : i32, i32
  }
  func.func @transform_7(%arg0: i32) -> (i32, i32) {
    %c0_i32 = arith.constant 0 : i32
    %c0_i32_0 = arith.constant 0 : i32
    %c0_i32_1 = arith.constant 0 : i32
    return %c0_i32, %c0_i32_0 : i32, i32
  }
  func.func @transform_8(%arg0: i32) -> (i32, i32) {
    %c0_i32 = arith.constant 0 : i32
    %c0_i32_0 = arith.constant 0 : i32
    %c0_i32_1 = arith.constant 0 : i32
    return %c0_i32, %c0_i32_0 : i32, i32
  }
  func.func @transform_9(%arg0: i32) -> (i32, i32) {
    %c0_i32 = arith.constant 0 : i32
    %c0_i32_0 = arith.constant 0 : i32
    %c0_i32_1 = arith.constant 0 : i32
    return %c0_i32, %c0_i32_0 : i32, i32
  }
  func.func @transform_10(%arg0: i32) -> (i32, i32) {
    %c0_i32 = arith.constant 0 : i32
    %c0_i32_0 = arith.constant 0 : i32
    %c0_i32_1 = arith.constant 0 : i32
    return %c0_i32, %c0_i32_0 : i32, i32
  }
  func.func @transform_11(%arg0: i32) -> (i32, i32) {
    %c0_i32 = arith.constant 0 : i32
    %c0_i32_0 = arith.constant 0 : i32
    %c0_i32_1 = arith.constant 0 : i32
    return %c0_i32, %c0_i32_0 : i32, i32
  }
  func.func @transform_12(%arg0: i32) -> (i32, i32) {
    %c0_i32 = arith.constant 0 : i32
    %c0_i32_0 = arith.constant 0 : i32
    %c0_i32_1 = arith.constant 0 : i32
    return %c0_i32, %c0_i32_0 : i32, i32
  }
  func.func @transform_13(%arg0: i32) -> (i32, i32) {
    %c0_i32 = arith.constant 0 : i32
    %c0_i32_0 = arith.constant 0 : i32
    %c0_i32_1 = arith.constant 0 : i32
    return %c0_i32, %c0_i32_0 : i32, i32
  }
  func.func @transform_14(%arg0: i32) -> (i32, i32) {
    %c0_i32 = arith.constant 0 : i32
    %c0_i32_0 = arith.constant 0 : i32
    %c0_i32_1 = arith.constant 0 : i32
    return %c0_i32, %c0_i32_0 : i32, i32
  }
  func.func @transform_15(%arg0: i32) -> (i32, i32, i32) {
    %c0_i32 = arith.constant 0 : i32
    %c0_i32_0 = arith.constant 0 : i32
    %c0_i32_1 = arith.constant 0 : i32
    return %arg0, %c0_i32, %c0_i32_0 : i32, i32, i32
  }
}

</mosaic_0001>

<sc_bundles>
// kernel: kernel.10.cloned.1.call-start
scs
__scs_entry_jumppad:
0x0: {  	(pc) =	sbr.rel $0x88, $3  }
0x1: {  	(tag) =	ssettag $0x0;
	lr =	simm.s32 $0x1  }
0x2: {  	[smem:$0x3F91] =	sst lr;
	_ =	strace $0xD0000000  }
0x3: {  	_ = 	snop  }
0x4: {  	_ = 	snop  }
0x5: {  	_ = 	snop  }
0x6: {  	_ = 	snop  }
0x7: {  	_ = 	snop  }
__scs_overlays_trampoline_lowered:
0x8: {  	[smem:$0x3FA0] =	sst s0  }
0x9: {  	[smem:$0x3FA1] =	sst s1  }
0xa: {  	[smem:$0x3FA2] =	sst s2  }
0xb: {  	[smem:$0x3FA3] =	sst s3  }
0xc: {  	[smem:$0x3FA4] =	sst s4  }
0xd: {  	[smem:$0x3FA5] =	sst s5  }
0xe: {  	[smem:$0x3FA6] =	sst s6  }
0xf: {  	[smem:$0x3FA7] =	sst s7  }
0x10: {  	[smem:$0x3FA8] =	sst s8  }
0x11: {  	[smem:$0x3FA9] =	sst s9;
	s0 =	simm.s32 @!p0 $0x0  }
0x12: {  	s1 =	sld [smem:$0x3F8F];
	s0 =	simm.s32 @p0 $0x1  }
0x13: {  	[smem:$0x3FAA] =	sst s0;
	s0 =	simm.s32 @!p1 $0x0  }
0x14: {  	s2 =	sld [smem:$0x3F8E];
	s0 =	simm.s32 @p1 $0x1  }
0x15: {  	[smem:$0x3FAB] =	sst s0;
	s0 =	simm.s32 @!p2 $0x0  }
0x16: {  	s3 =	sld [smem:$0x3FDB];
	s0 =	simm.s32 @p2 $0x1  }
0x17: {  	s4 =	simm.s32 $0x1BF5;
	[smem:$0x3FAD] =	sst s0  }
0x18: {  	s0 =	sld [smem:$0x3F90];
	_ =	swait.ge [sflag:s4], $0x0  }
0x19: {  	s7 =	sld [smem:$0x3F91]  }
0x1a: {  	s8 =	sadd.s32 $0xFFFFE003, lr  }
0x1b: {  	s9 =	sadd.s32 $0xFFFFFEF7, lr;
	s5 =	simm.s32 $0xFFFFFFFF;
	p2 =	slt.u32 s8, $0xFFFFF086  }
0x1c: {  	p1 =	slt.u32 s9, $0xF7A;
	s5 =	simm.s32 @!p2 $0x0  }
0x1d: {  	s5 =	simm.s32 @p1 $0x1;
	p0 =	seq.s32 s7, s2  }
0x1e: {  	s7 =	smul.u32 @!p0 $0xF7A, s2;
	p2 =	seq.s32 @!p0 s5, $0x0  }
0x1f: {  	s9 =	smul.u32 $0xF7A, s1;
	s8 =	simm.s32 @!p0 $0x1BF5;
	p2 =	por !p2, p0  }
0x20: {  	[sflag:s8] =	ssyncset.s32 @!p0 $0xFFFFF086;
	s6 =	sadd.s32 @!p0 s3, s7;
	s7 =	simm.s32 @!p0 $0x108  }
0x21: {  	s3 =	sadd.s32 s3, s9;
	s6 =	sadd.s32 @!p0 $0x88, s6;
	s7 =	simm.s32 @p2 $0x1082  }
0x22: {  	[simem:s7], [sflag:s8] =	dma.local @!p0 [hbm:s6], $0xF7A  }
0x23: {  	s9 =	sor.u32 $0xD0000000, s2;
	s6 =	simm.s32 $0x108;
	_ =	swait.ge @!p0 [sflag:s8], $0x0  }
0x24: {  	s3 =	sadd.s32 $0x88, s3;
	s6 =	simm.s32 @!p1 $0x1082;
	[sflag:s4] =	ssyncset.s32 $0xFFFFF086  }
0x25: {  	[simem:s6], [sflag:s4] =	dma.local [hbm:s3], $0xF7A  }
0x26: {  	[smem:$0x3F91] =	sst s1;
	(tag) =	ssettag s2;
	_ =	strace s9  }
0x27: {  	s1 =	sld [smem:$0x3FA1]  }
0x28: {  	s2 =	sld [smem:$0x3FA2]  }
0x29: {  	s4 =	sld [smem:$0x3FA4]  }
0x2a: {  	p0 =	seq.s32 s5, $0x0;
	s5 =	sld [smem:$0x3FA5]  }
0x2b: {  	s6 =	sld [smem:$0x3FA6]  }
0x2c: {  	s7 =	sld [smem:$0x3FA7]  }
0x2d: {  	s3 =	simm.s32 $0x108;
	s8 =	sld [smem:$0x3FA8]  }
0x2e: {  	s3 =	simm.s32 @!p0 $0x1082;
	s9 =	sld [smem:$0x3FA9]  }
0x2f: {  	lr =	sadd.s32 s0, s3;
	s0 =	sld [smem:$0x3FA0]  }
0x30: {  	s3 =	sld [smem:$0x3FA3]  }
0x31: {  	[smem:$0x3FAC] =	sst s10  }
0x32: {  	s10 =	sld [smem:$0x3FAA];
	_ =	sdelay $0x3  }
0x33: {  	p0 =	seq.s32 s10, $0x1;
	s10 =	sld [smem:$0x3FAC];
	_ =	sdelay $0x3  }
0x34: {  	[smem:$0x3FAC] =	sst s10  }
0x35: {  	s10 =	sld [smem:$0x3FAB];
	_ =	sdelay $0x3  }
0x36: {  	p1 =	seq.s32 s10, $0x1;
	s10 =	sld [smem:$0x3FAC];
	_ =	sdelay $0x3  }
0x37: {  	[smem:$0x3FAC] =	sst s10  }
0x38: {  	s10 =	sld [smem:$0x3FAD]  }
0x39: {  	_ = 	snop;
	(pc) =	sbr.ind lr, $3  }
0x3a: {  	_ = 	snop  }
0x3b: {  	_ = 	snop  }
0x3c: {  	p2 =	seq.s32 s10, $0x1;
	s10 =	sld [smem:$0x3FAC]  }
0x3d: {  	_ =	shalt  }
0x3e: {  	_ =	shalt  }
0x3f: {  	_ =	shalt  }
0x40: {  	_ =	shalt  }
0x41: {  	_ =	shalt  }
0x42: {  	_ =	shalt  }
0x43: {  	_ =	shalt  }
0x44: {  	_ =	shalt  }
0x45: {  	_ =	shalt  }
0x46: {  	_ =	shalt  }
0x47: {  	_ =	shalt  }
0x48: {  	_ =	shalt  }
0x49: {  	_ =	shalt  }
0x4a: {  	_ =	shalt  }
0x4b: {  	_ =	shalt  }
0x4c: {  	_ =	shalt  }
0x4d: {  	_ =	shalt  }
0x4e: {  	_ =	shalt  }
0x4f: {  	_ =	shalt  }
0x50: {  	_ =	shalt  }
0x51: {  	_ =	shalt  }
0x52: {  	_ =	shalt  }
0x53: {  	_ =	shalt  }
0x54: {  	_ =	shalt  }
0x55: {  	_ =	shalt  }
0x56: {  	_ =	shalt  }
0x57: {  	_ =	shalt  }
0x58: {  	_ =	shalt  }
0x59: {  	_ =	shalt  }
0x5a: {  	_ =	shalt  }
0x5b: {  	_ =	shalt  }
0x5c: {  	_ =	shalt  }
0x5d: {  	_ =	shalt  }
0x5e: {  	_ =	shalt  }
0x5f: {  	_ =	shalt  }
0x60: {  	_ =	shalt  }
0x61: {  	_ =	shalt  }
0x62: {  	_ =	shalt  }
0x63: {  	_ =	shalt  }
0x64: {  	_ =	shalt  }
0x65: {  	_ =	shalt  }
0x66: {  	_ =	shalt  }
0x67: {  	_ =	shalt  }
0x68: {  	_ =	shalt  }
0x69: {  	_ =	shalt  }
0x6a: {  	_ =	shalt  }
0x6b: {  	_ =	shalt  }
0x6c: {  	_ =	shalt  }
0x6d: {  	_ =	shalt  }
0x6e: {  	_ =	shalt  }
0x6f: {  	_ =	shalt  }
0x70: {  	_ =	shalt  }
0x71: {  	_ =	shalt  }
0x72: {  	_ =	shalt  }
0x73: {  	_ =	shalt  }
0x74: {  	_ =	shalt  }
0x75: {  	_ =	shalt  }
0x76: {  	_ =	shalt  }
0x77: {  	_ =	shalt  }
0x78: {  	_ =	shalt  }
0x79: {  	_ =	shalt  }
0x7a: {  	_ =	shalt  }
0x7b: {  	_ =	shalt  }
0x7c: {  	_ =	shalt  }
0x7d: {  	_ =	shalt  }
0x7e: {  	_ =	shalt  }
0x7f: {  	_ =	shalt  }
0x80: {  	_ =	shalt  }
0x81: {  	_ =	shalt  }
0x82: {  	_ =	shalt  }
0x83: {  	_ =	shalt  }
0x84: {  	_ =	shalt  }
0x85: {  	_ =	shalt  }
0x86: {  	_ =	shalt  }
0x87: {  	_ =	shalt  }
.Lfunc_end0:
.L_simem_size_0:
called_computation.1_lowered:
.L_overlay_start_0:
0x88: {  	s2 =	sld [smem:$0x3FD9]  }
0x89: {  	s3 =	sld [smem:$0x3FFE];
	_ =	sdelay $0x1  }
0x8a: {  	s1 =	srdreg.scid  }
0x8b: {  	s0 =	sand.u32 $0x1, s1  }
0x8c: {  	s14 =	sshll.u32 s0, $0xA;
	s2 =	sadd.s32 s3, s2  }
0x8d: {  	s2 =	sadd.s32 s2, s14  }
0x8e: {  	[smem:$0x3FB8] =	sst s2  }
0x8f: {  	_ = 	snop  }
0x90: {  	s2 =	sld [smem:$0x3FD0];
	_ =	sdelay $0x2  }
0x91: {  	s15 =	simm.s32 $0xA;
	s4 =	simm.s32 $0x10  }
0x92: {  	[smem:s4], [sflag:s15] =	dma.local [hbm:s2], $0x1  }
0x93: {  	_ =	swait.eq [sflag:s15], $0x1  }
0x94: {  	[sflag:s15] =	ssyncset.done $0x0  }
0x95: {  	[sflag:s15] =	ssyncadd.s32 $0xFFFFFFFF  }
0x96: {  	s16 =	sld [smem:$0x11];
	(tm) =	ssettm $0x1  }
0x97: {  	s17 =	sld [smem:$0x3FFB];
	_ =	sdelay $0x3  }
0x98: {  	_ =	strace s17  }
0x99: {  	s3 =	sld [smem:$0x3FFC];
	_ =	sdelay $0x3  }
0x9a: {  	_ =	strace s3  }
0x9b: {  	s3 =	sld [smem:$0x3FFD];
	_ =	sdelay $0x3  }
0x9c: {  	_ =	strace s3  }
0x9d: {  	_ =	strace $0x8FFFFFFF  }
0x9e: {  	s18 =	sld [smem:$0x3FDB];
	_ =	sdelay $0x1  }
0x9f: {  	s19 =	simm.s32 $_scs_section_size  }
0xa0: {  	s5 =	simm.s32 $_size__tile_overlayer_lowered;
	s6 =	simm.s32 $_tile_overlayer_lowered  }
0xa1: {  	s22 =	simm.s32 $0x1BFF;
	s21 =	sshll.u32 s6, $0x1;
	s3 =	sadd.s32 s19, s18  }
0xa2: {  	s7 =	simm.s32 $0x0;
	s20 =	sshll.u32 s5, $0x1;
	s5 =	sadd.s32 s21, s3  }
0xa3: {  	[timem:s7], [sflag:s22] =	dma.local [hbm:s5], s20  }
0xa4: {  	_ =	swait.ge [sflag:s22], s20  }
0xa5: {  	s4 =	ssub.s32 $0x0, s20;
	[sflag:s22] =	ssyncset.done $0x0  }
0xa6: {  	[sflag:s22] =	ssyncadd.s32 s4;
	_ =	sdelay $0x1  }
0xa7: {  	s23 =	simm.s32 $0x1B8B  }
0xa8: {  	_ =	swait.ge [sflag:s23], $0x1  }
0xa9: {  	[sflag:s23] =	ssyncset.done $0x0  }
0xaa: {  	s25 =	simm.s32 $0x1B8E;
	s24 =	sld [smem:$0x3FFE];
	[sflag:s23] =	ssyncadd.s32 $0xFFFFFFFF  }
0xab: {  	s26 =	simm.s32 $execute0_lowered;
	[smem:$0x3FD2] =	sst s25  }
0xac: {  	s5 =	sshll.u32 s26, $0x1;
	_ =	strace $0x80000049;
	[dreg:$0x1] =	wrdreg $0xFFFFFFFF  }
0xad: {  	s28 =	simm.s32 $_size_execute0_lowered;
	s3 =	sadd.s32 s3, s5;
	[dreg:$0x0] =	wrdreg $0x0  }
0xae: {  	s5 =	sshll.u32 s28, $0x1;
	[dreg:$0x2] =	wrdreg s3  }
0xaf: {  	[dreg:$0x3] =	wrdreg s5  }
0xb0: {  	[dreg:$0x4] =	wrdreg $0xC0  }
0xb1: {  	_ =	task [dreg:s7], $0x5FFFF  }
0xb2: {  	[dreg:$0x1] =	wrdreg $0xFFFFFFFF  }
0xb3: {  	[dreg:$0x0] =	wrdreg $0x60  }
0xb4: {  	[dreg:$0x2] =	wrdreg s24  }
0xb5: {  	[dreg:$0x3] =	wrdreg s16  }
0xb6: {  	[dreg:$0x4] =	wrdreg $0x9  }
0xb7: {  	_ =	task.clear_ibuf [dreg:s7], $0x5FFFF;
	_ =	strace $0x90000049  }
0xb8: {  	s29 =	simm.s32 $0x9;
	_ =	strace $0x8000004B  }
0xb9: {  	_ =	swait.ge [sflag:s29], $0x1  }
0xba: {  	[sflag:s29] =	ssyncadd.s32 $0xFFFFFFFF  }
0xbb: {  	_ =	strace $0x9000004B  }
0xbc: {  	_ =	sfence  }
0xbd: {  	s30 =	sld [smem:$0x0];
	_ =	sdelay $0x2  }
0xbe: {  	s31 =	sshll.u32 s1, $0xD;
	s1 =	sshrl.u32 s1, $0x2  }
0xbf: {  	s3 =	sand.u32 $0x4000, s31;
	s1 =	sadd.s32 s1, s30  }
0xc0: {  	s0 =	sor.u32 s3, s0;
	s1 =	sshll.u32 s1, $0x11  }
0xc1: {  	s0 =	sor.u32 s1, s0  }
0xc2: {  	s0 =	sadd.s32 $0x8F2B, s0  }
0xc3: {  	[sflag:s0] =	ssyncadd.remote.s32 $0x1  }
0xc4: {  	_ =	sfence.sel $0xFFFF  }
0xc5: {  	[dreg:$0x0] =	wrdreg $0xFFFFFFFF;
	(pc) =	sbr.abs _section_cstart, $3  }
0xc6: {  	[dreg:$0x1] =	wrdreg $0xFFFFFFFF  }
0xc7: {  	_ =	task.clear_ibuf [dreg:s7], $0x2FFFF;
	_ =	strace $0x9FFFFFFF  }
0xc8: {  	(tm) =	ssettm $0x7FFFFFFF  }
0xc9: {  	_ =	shalt  }
tec
execute0_lowered:
.L_overlay_start_1:
0x0: {  	(tag) =	ssettag $0x1  }
0x1: {  	s0 =	rddreg [dreg:$0x0]  }
0x2: {  	s1 =	rddreg [dreg:$0x1]  }
0x3: {  	s25 =	rddreg [dreg:$0x2];
	s2 =	simm.s32 $0x0  }
0x4: {  	s3 =	srdreg.scid;
	s26 =	simm.s32 $0x100;
	[smem:$0x7FF] =	sst s2  }
0x5: {  	s8 =	simm.s32 $0x380;
	_ =	strace $0x8000004A;
	[dreg:$0x8] =	wrdreg s26  }
0x6: {  	s5 =	stileid.u32;
	s9 =	simm.s32 $0x400;
	[dreg:$0xd] =	wrdreg s8  }
0x7: {  	s10 =	simm.s32 $0x480;
	s11 =	simm.s32 $0x500;
	[dreg:$0xe] =	wrdreg s9  }
0x8: {  	s12 =	simm.s32 $0x580;
	s13 =	simm.s32 $0x600;
	[dreg:$0xf] =	wrdreg s10  }
0x9: {  	s14 =	simm.s32 $0x680;
	s15 =	simm.s32 $0x700;
	[dreg:$0x10] =	wrdreg s11  }
0xa: {  	s16 =	simm.s32 $0x780;
	s17 =	simm.s32 $0x880;
	[dreg:$0x11] =	wrdreg s12  }
0xb: {  	s18 =	simm.s32 $0x900;
	p0 =	por $0x0, $0x0;
	[dreg:$0x12] =	wrdreg s13  }
0xc: {  	s28 =	simm.s32 $0x1580;
	s29 =	simm.s32 $0x1600;
	[dreg:$0x13] =	wrdreg s14  }
0xd: {  	s30 =	simm.s32 $0x1680;
	s31 =	simm.s32 $0x1700;
	[dreg:$0x14] =	wrdreg s15  }
0xe: {  	s4 =	sand.u32 $0x1, s3;
	s19 =	sshll.u32 s5, $0x1;
	[dreg:$0x15] =	wrdreg s16  }
0xf: {  	s3 =	sor.u32 s4, s19;
	[dreg:$0x16] =	wrdreg s17;
	s19 =	ssub.s32 $0x2, s4  }
0x10: {  	[dreg:$0x17] =	wrdreg s18;
	s26 =	simm.s32 $0xB80;
	s8 =	simm.s32 $0xD00  }
0x11: {  	s9 =	simm.s32 $0xD80;
	s10 =	simm.s32 $0xE00;
	[dreg:$0x1c] =	wrdreg s26  }
0x12: {  	s11 =	simm.s32 $0xE80;
	s12 =	simm.s32 $0xF00;
	[dreg:$0x1f] =	wrdreg s8  }
0x13: {  	s13 =	simm.s32 $0xF80;
	s14 =	simm.s32 $0x1000;
	[smem:$0x7EF] =	sst s9  }
0x14: {  	s15 =	simm.s32 $0x1080;
	s16 =	simm.s32 $0x1100;
	[smem:$0x7F0] =	sst s10  }
0x15: {  	s17 =	simm.s32 $0x1180;
	s18 =	simm.s32 $0x1200;
	[smem:$0x7F1] =	sst s11  }
0x16: {  	s20 =	sshll.u32 s3, $0x9;
	s6 =	sshll.u32 s3, $0xD;
	[smem:$0x7F2] =	sst s12  }
0x17: {  	s7 =	sshll.u32 s3, $0x8;
	s3 =	sshll.u32 s3, $0xE;
	[smem:$0x7F3] =	sst s13  }
0x18: {  	s4 =	sshrl.u32 s19, $0x1;
	s8 =	simm.s32 $0x3800;
	[smem:$0x7F4] =	sst s14  }
0x19: {  	s9 =	simm.s32 $0x4800;
	s10 =	simm.s32 $0x5800;
	[smem:$0x7F5] =	sst s15  }
0x1a: {  	s11 =	simm.s32 $0x6800;
	s12 =	simm.s32 $0x7800;
	[smem:$0x7F6] =	sst s16  }
0x1b: {  	s13 =	simm.s32 $0x8800;
	s14 =	simm.s32 $0x9800;
	[smem:$0x7F7] =	sst s17  }
0x1c: {  	s15 =	simm.s32 $0xA800;
	[smem:$0x7F8] =	sst s18;
	s26 =	simm.s32 $0x1480  }
0x1d: {  	s16 =	simm.s32 $0xB800;
	s1 =	sadd.s32 s1, s7;
	[smem:$0x7FD] =	sst s26  }
0x1e: {  	s17 =	simm.s32 $0xC800;
	s7 =	simm.s32 $0x300;
	[dreg:$0x3] =	wrdreg s1  }
0x1f: {  	s5 =	sadd.s32 s20, s0;
	s20 =	simm.s32 $0x980;
	[dreg:$0xc] =	wrdreg s7  }
0x20: {  	s6 =	sadd.s32 s6, s0;
	s21 =	sadd.s32 $0x3E00, s5;
	[dreg:$0x18] =	wrdreg s20  }
0x21: {  	s3 =	sadd.s32 s3, s0;
	s22 =	sadd.s32 $0xD1400, s6;
	[dreg:$0x4] =	wrdreg s21  }
0x22: {  	s18 =	simm.s32 $0xD800;
	s23 =	sadd.s32 $0x51400, s3;
	[dreg:$0x5] =	wrdreg s22  }
0x23: {  	s26 =	simm.s32 $0x1780;
	s24 =	sadd.s32 $0x53400, s3;
	[dreg:$0x6] =	wrdreg s23  }
0x24: {  	s3 =	simm.s32 $0x180;
	s5 =	simm.s32 $0x200;
	[dreg:$0x7] =	wrdreg s24  }
0x25: {  	s6 =	simm.s32 $0x280;
	s1 =	ssub.s32 s19, s4;
	[dreg:$0x9] =	wrdreg s3  }
0x26: {  	s4 =	simm.s32 $0x2;
	s7 =	simm.s32 $0xC80;
	[dreg:$0xa] =	wrdreg s5  }
0x27: {  	s19 =	simm.s32 $0x1280;
	s20 =	simm.s32 $0x1300;
	[dreg:$0xb] =	wrdreg s6  }
0x28: {  	s23 =	sadd.s32 $0x31400, s0;
	s3 =	sadd.s32 $0x11400, s0;
	[dreg:$0x1e] =	wrdreg s7  }
0x29: {  	s21 =	simm.s32 $0xA00;
	s22 =	simm.s32 $0xA80;
	[smem:$0x7F9] =	sst s19  }
0x2a: {  	s0 =	smax.u32 s1, $0x1;
	s24 =	simm.s32 $0xB00;
	[smem:$0x7FA] =	sst s20  }
0x2b: {  	s5 =	simm.s32 $0xC00;
	s6 =	simm.s32 $0x80;
	s1 =	rddreg [dreg:$0x3]  }
0x2c: {  	s7 =	simm.s32 $0x2800;
	[dreg:$0x19] =	wrdreg s21;
	p1 =	sne.s32 s0, $0x1  }
.Ltmp0:
0x2d: {  	s19 =	simm.s32 $0xE800;
	[dreg:$0x1a] =	wrdreg s22;
	(pc) =	sbr.rel @!p1 .LBB2_1-.Ltmp0, $4  }
0x2e: {  	s20 =	simm.s32 $0xF800;
	[dreg:$0x1b] =	wrdreg s24;
	s24 =	simm.s32 $0x800  }
0x2f: {  	[dreg:$0x1d] =	wrdreg s5;
	s5 =	simm.s32 $0x1800;
	s21 =	simm.s32 $0x1380  }
0x30: {  	s22 =	simm.s32 $0x1400;
	s0 =	sadd.s32 $0xFFFFFFFF, s0;
	[smem:$0x7FB] =	sst s21  }
0x31: {  	s21 =	simm.s32 $0x10800;
	[smem:$0x7FC] =	sst s22;
	s22 =	simm.s32 $0x1  }
0x32: {  	[tilespmem:s2], [sflag:$0x2] =	stream.linear.gather [hbm4b:s1+s2], $0x800, $0x38;
	[tilespmem:$0x11800] =	vst v63  }
0x33: {  	_ =	swait.ge [sflag:s4], $0x800  }
0x34: {  	[sflag:s4] =	ssyncset.done $0x0  }
0x35: {  	s25 =	rddreg [dreg:$0x4];
	[sflag:s4] =	ssyncadd.s32 $0xFFFFF800  }
0x36: {  	[tilespmem:s24], [sflag:$0x2] =	stream.linear.gather [hbm4b:s25+s2], $0x1000, $0x38;
	[tilespmem:$0x11800] =	vst v63  }
0x37: {  	_ =	swait.ge [sflag:s4], $0x1000  }
0x38: {  	[sflag:s4] =	ssyncset.done $0x0  }
0x39: {  	[sflag:s4] =	ssyncadd.s32 $0xFFFFF000  }
0x3a: {  	[tilespmem:s5], [sflag:$0x1] =	stream.indirect.gather [hbm4b:s23+s6], $0x20, s2, s6, $0xb8;
	[tilespmem:$0x11800] =	vst v63  }
0x3b: {  	_ = 	snop  }
0x3c: {  	[tilespmem:s7], [sflag:$0x1] =	stream.indirect.gather [hbm4b:s23+s6], $0x20, s6, s6, $0xb8;
	[tilespmem:$0x11800] =	vst v63  }
0x3d: {  	s1 =	rddreg [dreg:$0x8]  }
0x3e: {  	[tilespmem:s8], [sflag:$0x1] =	stream.indirect.gather [hbm4b:s23+s6], $0x20, s1, s6, $0xb8;
	[tilespmem:$0x11800] =	vst v63  }
0x3f: {  	s25 =	smov.u32 s0;
	s0 =	rddreg [dreg:$0x9]  }
0x40: {  	[tilespmem:s9], [sflag:$0x1] =	stream.indirect.gather [hbm4b:s23+s6], $0x20, s0, s6, $0xb8;
	[tilespmem:$0x11800] =	vst v63  }
0x41: {  	s1 =	rddreg [dreg:$0xa]  }
0x42: {  	[tilespmem:s10], [sflag:$0x1] =	stream.indirect.gather [hbm4b:s23+s6], $0x20, s1, s6, $0xb8;
	[tilespmem:$0x11800] =	vst v63  }
0x43: {  	s0 =	rddreg [dreg:$0xb]  }
0x44: {  	[tilespmem:s11], [sflag:$0x1] =	stream.indirect.gather [hbm4b:s23+s6], $0x20, s0, s6, $0xb8;
	[tilespmem:$0x11800] =	vst v63  }
0x45: {  	s1 =	rddreg [dreg:$0xc]  }
0x46: {  	[tilespmem:s12], [sflag:$0x1] =	stream.indirect.gather [hbm4b:s23+s6], $0x20, s1, s6, $0xb8;
	[tilespmem:$0x11800] =	vst v63  }
0x47: {  	s0 =	rddreg [dreg:$0xd]  }
0x48: {  	[tilespmem:s13], [sflag:$0x1] =	stream.indirect.gather [hbm4b:s23+s6], $0x20, s0, s6, $0xb8;
	[tilespmem:$0x11800] =	vst v63  }
0x49: {  	s1 =	rddreg [dreg:$0xe]  }
0x4a: {  	[tilespmem:s14], [sflag:$0x1] =	stream.indirect.gather [hbm4b:s23+s6], $0x20, s1, s6, $0xb8;
	[tilespmem:$0x11800] =	vst v63  }
0x4b: {  	s0 =	rddreg [dreg:$0xf]  }
0x4c: {  	[tilespmem:s15], [sflag:$0x1] =	stream.indirect.gather [hbm4b:s23+s6], $0x20, s0, s6, $0xb8;
	[tilespmem:$0x11800] =	vst v63  }
0x4d: {  	s1 =	rddreg [dreg:$0x10]  }
0x4e: {  	[tilespmem:s16], [sflag:$0x1] =	stream.indirect.gather [hbm4b:s23+s6], $0x20, s1, s6, $0xb8;
	[tilespmem:$0x11800] =	vst v63  }
0x4f: {  	s0 =	rddreg [dreg:$0x11]  }
0x50: {  	[tilespmem:s17], [sflag:$0x1] =	stream.indirect.gather [hbm4b:s23+s6], $0x20, s0, s6, $0xb8;
	[tilespmem:$0x11800] =	vst v63  }
0x51: {  	s1 =	rddreg [dreg:$0x12]  }
0x52: {  	[tilespmem:s18], [sflag:$0x1] =	stream.indirect.gather [hbm4b:s23+s6], $0x20, s1, s6, $0xb8;
	[tilespmem:$0x11800] =	vst v63  }
0x53: {  	s0 =	rddreg [dreg:$0x13]  }
0x54: {  	[tilespmem:s19], [sflag:$0x1] =	stream.indirect.gather [hbm4b:s23+s6], $0x20, s0, s6, $0xb8;
	[tilespmem:$0x11800] =	vst v63  }
0x55: {  	s1 =	rddreg [dreg:$0x14]  }
0x56: {  	[tilespmem:s20], [sflag:$0x1] =	stream.indirect.gather [hbm4b:s23+s6], $0x20, s1, s6, $0xb8;
	[tilespmem:$0x11800] =	vst v63  }
0x57: {  	s0 =	rddreg [dreg:$0x15]  }
0x58: {  	[tilespmem:s21], [sflag:$0x1] =	stream.indirect.gather [hbm4b:s23+s6], $0x20, s0, s6, $0xb8;
	[tilespmem:$0x11800] =	vst v63  }
0x59: {  	_ =	swait.ge [sflag:s22], $0x10000  }
0x5a: {  	[sflag:s22] =	ssyncset.done $0x0  }
0x5b: {  	s1 =	rddreg [dreg:$0x5];
	[sflag:s22] =	ssyncadd.s32 $0xFFFF0000  }
0x5c: {  	[hbm4b:s1+s2] =	stream.linear.scatter [tilespmem:s5], [sflag:$0x2], $0x10000, $0x38;
	[tilespmem:$0x11800] =	vst v63  }
0x5d: {  	_ =	swait.ge [sflag:s4], $0x10000  }
0x5e: {  	[sflag:s4] =	ssyncset.done $0x0  }
0x5f: {  	s0 =	rddreg [dreg:$0x16];
	[sflag:s4] =	ssyncadd.s32 $0xFFFF0000  }
0x60: {  	[tilespmem:s5], [sflag:$0x1] =	stream.indirect.gather [hbm4b:s3+s6], $0x20, s24, s6, $0xb8;
	[tilespmem:$0x11800] =	vst v63  }
0x61: {  	s1 =	rddreg [dreg:$0x17]  }
0x62: {  	[tilespmem:s7], [sflag:$0x1] =	stream.indirect.gather [hbm4b:s3+s6], $0x20, s0, s6, $0xb8;
	[tilespmem:$0x11800] =	vst v63  }
0x63: {  	s0 =	rddreg [dreg:$0x18]  }
0x64: {  	[tilespmem:s8], [sflag:$0x1] =	stream.indirect.gather [hbm4b:s3+s6], $0x20, s1, s6, $0xb8;
	[tilespmem:$0x11800] =	vst v63  }
0x65: {  	s1 =	rddreg [dreg:$0x19]  }
0x66: {  	[tilespmem:s9], [sflag:$0x1] =	stream.indirect.gather [hbm4b:s3+s6], $0x20, s0, s6, $0xb8;
	[tilespmem:$0x11800] =	vst v63  }
0x67: {  	s0 =	rddreg [dreg:$0x1a]  }
0x68: {  	[tilespmem:s10], [sflag:$0x1] =	stream.indirect.gather [hbm4b:s3+s6], $0x20, s1, s6, $0xb8;
	[tilespmem:$0x11800] =	vst v63  }
0x69: {  	s1 =	rddreg [dreg:$0x1b]  }
0x6a: {  	[tilespmem:s11], [sflag:$0x1] =	stream.indirect.gather [hbm4b:s3+s6], $0x20, s0, s6, $0xb8;
	[tilespmem:$0x11800] =	vst v63  }
0x6b: {  	s0 =	rddreg [dreg:$0x1c]  }
0x6c: {  	[tilespmem:s12], [sflag:$0x1] =	stream.indirect.gather [hbm4b:s3+s6], $0x20, s1, s6, $0xb8;
	[tilespmem:$0x11800] =	vst v63  }
0x6d: {  	s1 =	rddreg [dreg:$0x1d]  }
0x6e: {  	[tilespmem:s13], [sflag:$0x1] =	stream.indirect.gather [hbm4b:s3+s6], $0x20, s0, s6, $0xb8;
	[tilespmem:$0x11800] =	vst v63  }
0x6f: {  	s0 =	rddreg [dreg:$0x1e]  }
0x70: {  	[tilespmem:s14], [sflag:$0x1] =	stream.indirect.gather [hbm4b:s3+s6], $0x20, s1, s6, $0xb8;
	[tilespmem:$0x11800] =	vst v63  }
0x71: {  	s1 =	rddreg [dreg:$0x1f]  }
0x72: {  	[tilespmem:s15], [sflag:$0x1] =	stream.indirect.gather [hbm4b:s3+s6], $0x20, s0, s6, $0xb8;
	[tilespmem:$0x11800] =	vst v63  }
0x73: {  	s0 =	sld [smem:$0x7EF]  }
0x74: {  	[tilespmem:s16], [sflag:$0x1] =	stream.indirect.gather [hbm4b:s3+s6], $0x20, s1, s6, $0xb8;
	[tilespmem:$0x11800] =	vst v63  }
0x75: {  	s1 =	sld [smem:$0x7F0]  }
0x76: {  	[tilespmem:s17], [sflag:$0x1] =	stream.indirect.gather [hbm4b:s3+s6], $0x20, s0, s6, $0xb8;
	[tilespmem:$0x11800] =	vst v63  }
0x77: {  	s0 =	sld [smem:$0x7F1]  }
0x78: {  	[tilespmem:s18], [sflag:$0x1] =	stream.indirect.gather [hbm4b:s3+s6], $0x20, s1, s6, $0xb8;
	[tilespmem:$0x11800] =	vst v63  }
0x79: {  	s1 =	sld [smem:$0x7F2]  }
0x7a: {  	[tilespmem:s19], [sflag:$0x1] =	stream.indirect.gather [hbm4b:s3+s6], $0x20, s0, s6, $0xb8;
	[tilespmem:$0x11800] =	vst v63  }
0x7b: {  	s0 =	sld [smem:$0x7F3]  }
0x7c: {  	[tilespmem:s20], [sflag:$0x1] =	stream.indirect.gather [hbm4b:s3+s6], $0x20, s1, s6, $0xb8;
	[tilespmem:$0x11800] =	vst v63  }
0x7d: {  	_ = 	snop  }
0x7e: {  	[tilespmem:s21], [sflag:$0x1] =	stream.indirect.gather [hbm4b:s3+s6], $0x20, s0, s6, $0xb8;
	[tilespmem:$0x11800] =	vst v63  }
0x7f: {  	_ =	swait.ge [sflag:s22], $0x10000  }
0x80: {  	[sflag:s22] =	ssyncset.done $0x0  }
0x81: {  	s1 =	rddreg [dreg:$0x6];
	[sflag:s22] =	ssyncadd.s32 $0xFFFF0000  }
0x82: {  	[hbm4b:s1+s2] =	stream.linear.scatter [tilespmem:s5], [sflag:$0x2], $0x10000, $0x38;
	[tilespmem:$0x11800] =	vst v63  }
0x83: {  	_ =	swait.ge [sflag:s4], $0x10000  }
0x84: {  	s0 =	sld [smem:$0x7F4]  }
0x85: {  	[sflag:s4] =	ssyncset.done $0x0  }
0x86: {  	s1 =	sld [smem:$0x7F5];
	[sflag:s4] =	ssyncadd.s32 $0xFFFF0000  }
0x87: {  	[tilespmem:s5], [sflag:$0x1] =	stream.indirect.gather [hbm4b:s3+s6], $0x20, s0, s6, $0xb8;
	[tilespmem:$0x11800] =	vst v63  }
0x88: {  	s0 =	sld [smem:$0x7F6]  }
0x89: {  	[tilespmem:s7], [sflag:$0x1] =	stream.indirect.gather [hbm4b:s3+s6], $0x20, s1, s6, $0xb8;
	[tilespmem:$0x11800] =	vst v63  }
0x8a: {  	s1 =	sld [smem:$0x7F7]  }
0x8b: {  	[tilespmem:s8], [sflag:$0x1] =	stream.indirect.gather [hbm4b:s3+s6], $0x20, s0, s6, $0xb8;
	[tilespmem:$0x11800] =	vst v63  }
0x8c: {  	s0 =	sld [smem:$0x7F8]  }
0x8d: {  	[tilespmem:s9], [sflag:$0x1] =	stream.indirect.gather [hbm4b:s3+s6], $0x20, s1, s6, $0xb8;
	[tilespmem:$0x11800] =	vst v63  }
0x8e: {  	s1 =	sld [smem:$0x7F9]  }
0x8f: {  	[tilespmem:s10], [sflag:$0x1] =	stream.indirect.gather [hbm4b:s3+s6], $0x20, s0, s6, $0xb8;
	[tilespmem:$0x11800] =	vst v63  }
0x90: {  	s0 =	sld [smem:$0x7FA]  }
0x91: {  	[tilespmem:s11], [sflag:$0x1] =	stream.indirect.gather [hbm4b:s3+s6], $0x20, s1, s6, $0xb8;
	[tilespmem:$0x11800] =	vst v63  }
0x92: {  	s1 =	sld [smem:$0x7FB]  }
0x93: {  	[tilespmem:s12], [sflag:$0x1] =	stream.indirect.gather [hbm4b:s3+s6], $0x20, s0, s6, $0xb8;
	[tilespmem:$0x11800] =	vst v63  }
0x94: {  	s0 =	sld [smem:$0x7FC]  }
0x95: {  	[tilespmem:s13], [sflag:$0x1] =	stream.indirect.gather [hbm4b:s3+s6], $0x20, s1, s6, $0xb8;
	[tilespmem:$0x11800] =	vst v63  }
0x96: {  	s1 =	sld [smem:$0x7FD]  }
0x97: {  	[tilespmem:s14], [sflag:$0x1] =	stream.indirect.gather [hbm4b:s3+s6], $0x20, s0, s6, $0xb8;
	[tilespmem:$0x11800] =	vst v63  }
0x98: {  	_ = 	snop  }
0x99: {  	[tilespmem:s15], [sflag:$0x1] =	stream.indirect.gather [hbm4b:s3+s6], $0x20, s1, s6, $0xb8;
	[tilespmem:$0x11800] =	vst v63  }
0x9a: {  	s1 =	simm.s32 $0x1500  }
0x9b: {  	[tilespmem:s16], [sflag:$0x1] =	stream.indirect.gather [hbm4b:s3+s6], $0x20, s1, s6, $0xb8;
	[tilespmem:$0x11800] =	vst v63  }
0x9c: {  	_ = 	snop  }
0x9d: {  	[tilespmem:s17], [sflag:$0x1] =	stream.indirect.gather [hbm4b:s3+s6], $0x20, s28, s6, $0xb8;
	[tilespmem:$0x11800] =	vst v63  }
0x9e: {  	_ = 	snop  }
0x9f: {  	[tilespmem:s18], [sflag:$0x1] =	stream.indirect.gather [hbm4b:s3+s6], $0x20, s29, s6, $0xb8;
	[tilespmem:$0x11800] =	vst v63  }
0xa0: {  	_ = 	snop  }
0xa1: {  	[tilespmem:s19], [sflag:$0x1] =	stream.indirect.gather [hbm4b:s3+s6], $0x20, s30, s6, $0xb8;
	[tilespmem:$0x11800] =	vst v63  }
0xa2: {  	_ = 	snop  }
0xa3: {  	[tilespmem:s20], [sflag:$0x1] =	stream.indirect.gather [hbm4b:s3+s6], $0x20, s31, s6, $0xb8;
	[tilespmem:$0x11800] =	vst v63  }
0xa4: {  	_ = 	snop  }
0xa5: {  	[tilespmem:s21], [sflag:$0x1] =	stream.indirect.gather [hbm4b:s3+s6], $0x20, s26, s6, $0xb8;
	[tilespmem:$0x11800] =	vst v63  }
0xa6: {  	p1 =	sne.s32 s25, $0x1;
	_ =	swait.ge [sflag:s22], $0x10000  }
.Ltmp1:
0xa7: {  	[sflag:s22] =	ssyncset.done $0x0;
	(pc) =	sbr.rel @!p1 .LBB2_3-.Ltmp1, $4  }
0xa8: {  	s1 =	rddreg [dreg:$0x7];
	[sflag:s22] =	ssyncadd.s32 $0xFFFF0000  }
0xa9: {  	[hbm4b:s1+s2] =	stream.linear.scatter [tilespmem:s5], [sflag:$0x2], $0x10000, $0x38;
	[tilespmem:$0x11800] =	vst v63  }
0xaa: {  	p0 =	por $0x1, $0x1;
	_ =	swait.ge [sflag:s4], $0x10000  }
0xab: {  	s0 =	sadd.s32 $0xFFFFFFFF, s25;
	s1 =	rddreg [dreg:$0x3];
	[sflag:s4] =	ssyncset.done $0x0  }
.LBB2_4:
0xac: {  	[sflag:s4] =	ssyncadd.s32 $0xFFFF0000  }
0xad: {  	[tilespmem:s2], [sflag:$0x2] =	stream.linear.gather [hbm4b:s1+s2], $0x800, $0x38;
	[tilespmem:$0x11800] =	vst v63  }
0xae: {  	_ =	swait.ge [sflag:s4], $0x800  }
0xaf: {  	[sflag:s4] =	ssyncset.done $0x0  }
0xb0: {  	s25 =	rddreg [dreg:$0x4];
	[sflag:s4] =	ssyncadd.s32 $0xFFFFF800  }
0xb1: {  	[tilespmem:s24], [sflag:$0x2] =	stream.linear.gather [hbm4b:s25+s2], $0x1000, $0x38;
	[tilespmem:$0x11800] =	vst v63  }
0xb2: {  	_ =	swait.ge [sflag:s4], $0x1000  }
0xb3: {  	[sflag:s4] =	ssyncset.done $0x0  }
0xb4: {  	[sflag:s4] =	ssyncadd.s32 $0xFFFFF000  }
0xb5: {  	[tilespmem:s5], [sflag:$0x1] =	stream.indirect.gather [hbm4b:s23+s6], $0x20, s2, s6, $0xb8;
	[tilespmem:$0x11800] =	vst v63  }
0xb6: {  	_ = 	snop  }
0xb7: {  	[tilespmem:s7], [sflag:$0x1] =	stream.indirect.gather [hbm4b:s23+s6], $0x20, s6, s6, $0xb8;
	[tilespmem:$0x11800] =	vst v63  }
0xb8: {  	s1 =	rddreg [dreg:$0x8]  }
0xb9: {  	[tilespmem:s8], [sflag:$0x1] =	stream.indirect.gather [hbm4b:s23+s6], $0x20, s1, s6, $0xb8;
	[tilespmem:$0x11800] =	vst v63  }
0xba: {  	s25 =	rddreg [dreg:$0x9]  }
0xbb: {  	[tilespmem:s9], [sflag:$0x1] =	stream.indirect.gather [hbm4b:s23+s6], $0x20, s25, s6, $0xb8;
	[tilespmem:$0x11800] =	vst v63  }
0xbc: {  	s1 =	rddreg [dreg:$0xa]  }
0xbd: {  	[tilespmem:s10], [sflag:$0x1] =	stream.indirect.gather [hbm4b:s23+s6], $0x20, s1, s6, $0xb8;
	[tilespmem:$0x11800] =	vst v63  }
0xbe: {  	s25 =	rddreg [dreg:$0xb]  }
0xbf: {  	[tilespmem:s11], [sflag:$0x1] =	stream.indirect.gather [hbm4b:s23+s6], $0x20, s25, s6, $0xb8;
	[tilespmem:$0x11800] =	vst v63  }
0xc0: {  	s1 =	rddreg [dreg:$0xc]  }
0xc1: {  	[tilespmem:s12], [sflag:$0x1] =	stream.indirect.gather [hbm4b:s23+s6], $0x20, s1, s6, $0xb8;
	[tilespmem:$0x11800] =	vst v63  }
0xc2: {  	s25 =	rddreg [dreg:$0xd]  }
0xc3: {  	[tilespmem:s13], [sflag:$0x1] =	stream.indirect.gather [hbm4b:s23+s6], $0x20, s25, s6, $0xb8;
	[tilespmem:$0x11800] =	vst v63  }
0xc4: {  	s1 =	rddreg [dreg:$0xe]  }
0xc5: {  	[tilespmem:s14], [sflag:$0x1] =	stream.indirect.gather [hbm4b:s23+s6], $0x20, s1, s6, $0xb8;
	[tilespmem:$0x11800] =	vst v63  }
0xc6: {  	s25 =	rddreg [dreg:$0xf]  }
0xc7: {  	[tilespmem:s15], [sflag:$0x1] =	stream.indirect.gather [hbm4b:s23+s6], $0x20, s25, s6, $0xb8;
	[tilespmem:$0x11800] =	vst v63  }
0xc8: {  	s1 =	rddreg [dreg:$0x10]  }
0xc9: {  	[tilespmem:s16], [sflag:$0x1] =	stream.indirect.gather [hbm4b:s23+s6], $0x20, s1, s6, $0xb8;
	[tilespmem:$0x11800] =	vst v63  }
0xca: {  	s25 =	rddreg [dreg:$0x11]  }
0xcb: {  	[tilespmem:s17], [sflag:$0x1] =	stream.indirect.gather [hbm4b:s23+s6], $0x20, s25, s6, $0xb8;
	[tilespmem:$0x11800] =	vst v63  }
0xcc: {  	s1 =	rddreg [dreg:$0x12]  }
0xcd: {  	[tilespmem:s18], [sflag:$0x1] =	stream.indirect.gather [hbm4b:s23+s6], $0x20, s1, s6, $0xb8;
	[tilespmem:$0x11800] =	vst v63  }
0xce: {  	s25 =	rddreg [dreg:$0x13]  }
0xcf: {  	[tilespmem:s19], [sflag:$0x1] =	stream.indirect.gather [hbm4b:s23+s6], $0x20, s25, s6, $0xb8;
	[tilespmem:$0x11800] =	vst v63  }
0xd0: {  	s1 =	rddreg [dreg:$0x14]  }
0xd1: {  	[tilespmem:s20], [sflag:$0x1] =	stream.indirect.gather [hbm4b:s23+s6], $0x20, s1, s6, $0xb8;
	[tilespmem:$0x11800] =	vst v63  }
0xd2: {  	s25 =	rddreg [dreg:$0x15]  }
0xd3: {  	[tilespmem:s21], [sflag:$0x1] =	stream.indirect.gather [hbm4b:s23+s6], $0x20, s25, s6, $0xb8;
	[tilespmem:$0x11800] =	vst v63  }
0xd4: {  	_ =	swait.ge [sflag:s22], $0x10000  }
0xd5: {  	[sflag:s22] =	ssyncset.done $0x0  }
0xd6: {  	s25 =	rddreg [dreg:$0x5];
	[sflag:s22] =	ssyncadd.s32 $0xFFFF0000  }
0xd7: {  	[hbm4b:s25+s2] =	stream.linear.scatter [tilespmem:s5], [sflag:$0x2], $0x10000, $0x38;
	[tilespmem:$0x11800] =	vst v63  }
0xd8: {  	_ =	swait.ge [sflag:s4], $0x10000  }
0xd9: {  	[sflag:s4] =	ssyncset.done $0x0  }
0xda: {  	s1 =	rddreg [dreg:$0x16];
	[sflag:s4] =	ssyncadd.s32 $0xFFFF0000  }
0xdb: {  	[tilespmem:s5], [sflag:$0x1] =	stream.indirect.gather [hbm4b:s3+s6], $0x20, s24, s6, $0xb8;
	[tilespmem:$0x11800] =	vst v63  }
0xdc: {  	s25 =	rddreg [dreg:$0x17]  }
0xdd: {  	[tilespmem:s7], [sflag:$0x1] =	stream.indirect.gather [hbm4b:s3+s6], $0x20, s1, s6, $0xb8;
	[tilespmem:$0x11800] =	vst v63  }
0xde: {  	s1 =	rddreg [dreg:$0x18]  }
0xdf: {  	[tilespmem:s8], [sflag:$0x1] =	stream.indirect.gather [hbm4b:s3+s6], $0x20, s25, s6, $0xb8;
	[tilespmem:$0x11800] =	vst v63  }
0xe0: {  	s25 =	rddreg [dreg:$0x19]  }
0xe1: {  	[tilespmem:s9], [sflag:$0x1] =	stream.indirect.gather [hbm4b:s3+s6], $0x20, s1, s6, $0xb8;
	[tilespmem:$0x11800] =	vst v63  }
0xe2: {  	s1 =	rddreg [dreg:$0x1a]  }
0xe3: {  	[tilespmem:s10], [sflag:$0x1] =	stream.indirect.gather [hbm4b:s3+s6], $0x20, s25, s6, $0xb8;
	[tilespmem:$0x11800] =	vst v63  }
0xe4: {  	s25 =	rddreg [dreg:$0x1b]  }
0xe5: {  	[tilespmem:s11], [sflag:$0x1] =	stream.indirect.gather [hbm4b:s3+s6], $0x20, s1, s6, $0xb8;
	[tilespmem:$0x11800] =	vst v63  }
0xe6: {  	s1 =	rddreg [dreg:$0x1c]  }
0xe7: {  	[tilespmem:s12], [sflag:$0x1] =	stream.indirect.gather [hbm4b:s3+s6], $0x20, s25, s6, $0xb8;
	[tilespmem:$0x11800] =	vst v63  }
0xe8: {  	s25 =	rddreg [dreg:$0x1d]  }
0xe9: {  	[tilespmem:s13], [sflag:$0x1] =	stream.indirect.gather [hbm4b:s3+s6], $0x20, s1, s6, $0xb8;
	[tilespmem:$0x11800] =	vst v63  }
0xea: {  	s1 =	rddreg [dreg:$0x1e]  }
0xeb: {  	[tilespmem:s14], [sflag:$0x1] =	stream.indirect.gather [hbm4b:s3+s6], $0x20, s25, s6, $0xb8;
	[tilespmem:$0x11800] =	vst v63  }
0xec: {  	s25 =	rddreg [dreg:$0x1f]  }
0xed: {  	[tilespmem:s15], [sflag:$0x1] =	stream.indirect.gather [hbm4b:s3+s6], $0x20, s1, s6, $0xb8;
	[tilespmem:$0x11800] =	vst v63  }
0xee: {  	s1 =	sld [smem:$0x7EF]  }
0xef: {  	[tilespmem:s16], [sflag:$0x1] =	stream.indirect.gather [hbm4b:s3+s6], $0x20, s25, s6, $0xb8;
	[tilespmem:$0x11800] =	vst v63  }
0xf0: {  	s25 =	sld [smem:$0x7F0]  }
0xf1: {  	[tilespmem:s17], [sflag:$0x1] =	stream.indirect.gather [hbm4b:s3+s6], $0x20, s1, s6, $0xb8;
	[tilespmem:$0x11800] =	vst v63  }
0xf2: {  	s1 =	sld [smem:$0x7F1]  }
0xf3: {  	[tilespmem:s18], [sflag:$0x1] =	stream.indirect.gather [hbm4b:s3+s6], $0x20, s25, s6, $0xb8;
	[tilespmem:$0x11800] =	vst v63  }
0xf4: {  	s25 =	sld [smem:$0x7F2]  }
0xf5: {  	[tilespmem:s19], [sflag:$0x1] =	stream.indirect.gather [hbm4b:s3+s6], $0x20, s1, s6, $0xb8;
	[tilespmem:$0x11800] =	vst v63  }
0xf6: {  	s1 =	sld [smem:$0x7F3]  }
0xf7: {  	[tilespmem:s20], [sflag:$0x1] =	stream.indirect.gather [hbm4b:s3+s6], $0x20, s25, s6, $0xb8;
	[tilespmem:$0x11800] =	vst v63  }
0xf8: {  	_ = 	snop  }
0xf9: {  	[tilespmem:s21], [sflag:$0x1] =	stream.indirect.gather [hbm4b:s3+s6], $0x20, s1, s6, $0xb8;
	[tilespmem:$0x11800] =	vst v63  }
0xfa: {  	_ =	swait.ge [sflag:s22], $0x10000  }
0xfb: {  	[sflag:s22] =	ssyncset.done $0x0  }
0xfc: {  	s25 =	rddreg [dreg:$0x6];
	[sflag:s22] =	ssyncadd.s32 $0xFFFF0000  }
0xfd: {  	[hbm4b:s25+s2] =	stream.linear.scatter [tilespmem:s5], [sflag:$0x2], $0x10000, $0x38;
	[tilespmem:$0x11800] =	vst v63  }
0xfe: {  	_ =	swait.ge [sflag:s4], $0x10000  }
0xff: {  	s1 =	sld [smem:$0x7F4]  }
0x100: {  	[sflag:s4] =	ssyncset.done $0x0  }
0x101: {  	s25 =	sld [smem:$0x7F5];
	[sflag:s4] =	ssyncadd.s32 $0xFFFF0000  }
0x102: {  	[tilespmem:s5], [sflag:$0x1] =	stream.indirect.gather [hbm4b:s3+s6], $0x20, s1, s6, $0xb8;
	[tilespmem:$0x11800] =	vst v63  }
0x103: {  	s1 =	sld [smem:$0x7F6]  }
0x104: {  	[tilespmem:s7], [sflag:$0x1] =	stream.indirect.gather [hbm4b:s3+s6], $0x20, s25, s6, $0xb8;
	[tilespmem:$0x11800] =	vst v63  }
0x105: {  	s25 =	sld [smem:$0x7F7]  }
0x106: {  	[tilespmem:s8], [sflag:$0x1] =	stream.indirect.gather [hbm4b:s3+s6], $0x20, s1, s6, $0xb8;
	[tilespmem:$0x11800] =	vst v63  }
0x107: {  	s1 =	sld [smem:$0x7F8]  }
0x108: {  	[tilespmem:s9], [sflag:$0x1] =	stream.indirect.gather [hbm4b:s3+s6], $0x20, s25, s6, $0xb8;
	[tilespmem:$0x11800] =	vst v63  }
0x109: {  	s25 =	sld [smem:$0x7F9]  }
0x10a: {  	[tilespmem:s10], [sflag:$0x1] =	stream.indirect.gather [hbm4b:s3+s6], $0x20, s1, s6, $0xb8;
	[tilespmem:$0x11800] =	vst v63  }
0x10b: {  	s1 =	sld [smem:$0x7FA]  }
0x10c: {  	[tilespmem:s11], [sflag:$0x1] =	stream.indirect.gather [hbm4b:s3+s6], $0x20, s25, s6, $0xb8;
	[tilespmem:$0x11800] =	vst v63  }
0x10d: {  	s25 =	sld [smem:$0x7FB]  }
0x10e: {  	[tilespmem:s12], [sflag:$0x1] =	stream.indirect.gather [hbm4b:s3+s6], $0x20, s1, s6, $0xb8;
	[tilespmem:$0x11800] =	vst v63  }
0x10f: {  	s1 =	sld [smem:$0x7FC]  }
0x110: {  	[tilespmem:s13], [sflag:$0x1] =	stream.indirect.gather [hbm4b:s3+s6], $0x20, s25, s6, $0xb8;
	[tilespmem:$0x11800] =	vst v63  }
0x111: {  	s25 =	sld [smem:$0x7FD]  }
0x112: {  	[tilespmem:s14], [sflag:$0x1] =	stream.indirect.gather [hbm4b:s3+s6], $0x20, s1, s6, $0xb8;
	[tilespmem:$0x11800] =	vst v63  }
0x113: {  	_ = 	snop  }
0x114: {  	[tilespmem:s15], [sflag:$0x1] =	stream.indirect.gather [hbm4b:s3+s6], $0x20, s25, s6, $0xb8;
	[tilespmem:$0x11800] =	vst v63  }
0x115: {  	s25 =	simm.s32 $0x1500  }
0x116: {  	[tilespmem:s16], [sflag:$0x1] =	stream.indirect.gather [hbm4b:s3+s6], $0x20, s25, s6, $0xb8;
	[tilespmem:$0x11800] =	vst v63  }
0x117: {  	_ = 	snop  }
0x118: {  	[tilespmem:s17], [sflag:$0x1] =	stream.indirect.gather [hbm4b:s3+s6], $0x20, s28, s6, $0xb8;
	[tilespmem:$0x11800] =	vst v63  }
0x119: {  	_ = 	snop  }
0x11a: {  	[tilespmem:s18], [sflag:$0x1] =	stream.indirect.gather [hbm4b:s3+s6], $0x20, s29, s6, $0xb8;
	[tilespmem:$0x11800] =	vst v63  }
0x11b: {  	_ = 	snop  }
0x11c: {  	[tilespmem:s19], [sflag:$0x1] =	stream.indirect.gather [hbm4b:s3+s6], $0x20, s30, s6, $0xb8;
	[tilespmem:$0x11800] =	vst v63  }
0x11d: {  	_ = 	snop  }
0x11e: {  	[tilespmem:s20], [sflag:$0x1] =	stream.indirect.gather [hbm4b:s3+s6], $0x20, s31, s6, $0xb8;
	[tilespmem:$0x11800] =	vst v63  }
0x11f: {  	_ = 	snop  }
0x120: {  	[tilespmem:s21], [sflag:$0x1] =	stream.indirect.gather [hbm4b:s3+s6], $0x20, s26, s6, $0xb8;
	[tilespmem:$0x11800] =	vst v63  }
0x121: {  	p1 =	sne.s32 s0, $0x1;
	_ =	swait.ge [sflag:s22], $0x10000  }
.Ltmp2:
0x122: {  	[sflag:s22] =	ssyncset.done $0x0;
	(pc) =	sbr.rel @p1 .LBB2_4-.Ltmp2, $4  }
0x123: {  	s25 =	rddreg [dreg:$0x7];
	[sflag:s22] =	ssyncadd.s32 $0xFFFF0000  }
0x124: {  	[hbm4b:s25+s2] =	stream.linear.scatter [tilespmem:s5], [sflag:$0x2], $0x10000, $0x38;
	[tilespmem:$0x11800] =	vst v63  }
0x125: {  	_ =	swait.ge [sflag:s4], $0x10000  }
0x126: {  	s0 =	sadd.s32 $0xFFFFFFFF, s0;
	s1 =	rddreg [dreg:$0x3];
	[sflag:s4] =	ssyncset.done $0x0  }
0x127: {  	s31 =	simm.s32 $0x1700;
	s30 =	simm.s32 $0x1680;
	s29 =	simm.s32 $0x1600  }
0x128: {  	s28 =	simm.s32 $0x1580;
	s26 =	simm.s32 $0x1500;
	s25 =	rddreg [dreg:$0x2]  }
.LBB2_6:
0x129: {  	[sflag:s4] =	ssyncadd.s32 @p0 $0xFFFF0000  }
0x12a: {  	[tilespmem:s2], [sflag:$0x2] =	stream.linear.gather [hbm4b:s1+s2], $0x800, $0x38;
	[tilespmem:$0x11800] =	vst v63  }
0x12b: {  	_ =	swait.ge [sflag:s4], $0x800  }
0x12c: {  	[sflag:s4] =	ssyncset.done $0x0  }
0x12d: {  	s0 =	rddreg [dreg:$0x4];
	[sflag:s4] =	ssyncadd.s32 $0xFFFFF800  }
0x12e: {  	[tilespmem:s24], [sflag:$0x2] =	stream.linear.gather [hbm4b:s0+s2], $0x1000, $0x38;
	[tilespmem:$0x11800] =	vst v63  }
0x12f: {  	_ =	swait.ge [sflag:s4], $0x1000  }
0x130: {  	[sflag:s4] =	ssyncset.done $0x0  }
0x131: {  	[sflag:s4] =	ssyncadd.s32 $0xFFFFF000  }
0x132: {  	[tilespmem:s5], [sflag:$0x1] =	stream.indirect.gather [hbm4b:s23+s6], $0x20, s2, s6, $0xb8;
	[tilespmem:$0x11800] =	vst v63  }
0x133: {  	_ = 	snop  }
0x134: {  	[tilespmem:s7], [sflag:$0x1] =	stream.indirect.gather [hbm4b:s23+s6], $0x20, s6, s6, $0xb8;
	[tilespmem:$0x11800] =	vst v63  }
0x135: {  	s0 =	rddreg [dreg:$0x8]  }
0x136: {  	[tilespmem:s8], [sflag:$0x1] =	stream.indirect.gather [hbm4b:s23+s6], $0x20, s0, s6, $0xb8;
	[tilespmem:$0x11800] =	vst v63  }
0x137: {  	s1 =	rddreg [dreg:$0x9]  }
0x138: {  	[tilespmem:s9], [sflag:$0x1] =	stream.indirect.gather [hbm4b:s23+s6], $0x20, s1, s6, $0xb8;
	[tilespmem:$0x11800] =	vst v63  }
0x139: {  	s0 =	rddreg [dreg:$0xa]  }
0x13a: {  	[tilespmem:s10], [sflag:$0x1] =	stream.indirect.gather [hbm4b:s23+s6], $0x20, s0, s6, $0xb8;
	[tilespmem:$0x11800] =	vst v63  }
0x13b: {  	s1 =	rddreg [dreg:$0xb]  }
0x13c: {  	[tilespmem:s11], [sflag:$0x1] =	stream.indirect.gather [hbm4b:s23+s6], $0x20, s1, s6, $0xb8;
	[tilespmem:$0x11800] =	vst v63  }
0x13d: {  	s0 =	rddreg [dreg:$0xc]  }
0x13e: {  	[tilespmem:s12], [sflag:$0x1] =	stream.indirect.gather [hbm4b:s23+s6], $0x20, s0, s6, $0xb8;
	[tilespmem:$0x11800] =	vst v63  }
0x13f: {  	s1 =	rddreg [dreg:$0xd]  }
0x140: {  	[tilespmem:s13], [sflag:$0x1] =	stream.indirect.gather [hbm4b:s23+s6], $0x20, s1, s6, $0xb8;
	[tilespmem:$0x11800] =	vst v63  }
0x141: {  	s0 =	rddreg [dreg:$0xe]  }
0x142: {  	[tilespmem:s14], [sflag:$0x1] =	stream.indirect.gather [hbm4b:s23+s6], $0x20, s0, s6, $0xb8;
	[tilespmem:$0x11800] =	vst v63  }
0x143: {  	s1 =	rddreg [dreg:$0xf]  }
0x144: {  	[tilespmem:s15], [sflag:$0x1] =	stream.indirect.gather [hbm4b:s23+s6], $0x20, s1, s6, $0xb8;
	[tilespmem:$0x11800] =	vst v63  }
0x145: {  	s0 =	rddreg [dreg:$0x10]  }
0x146: {  	[tilespmem:s16], [sflag:$0x1] =	stream.indirect.gather [hbm4b:s23+s6], $0x20, s0, s6, $0xb8;
	[tilespmem:$0x11800] =	vst v63  }
0x147: {  	s1 =	rddreg [dreg:$0x11]  }
0x148: {  	[tilespmem:s17], [sflag:$0x1] =	stream.indirect.gather [hbm4b:s23+s6], $0x20, s1, s6, $0xb8;
	[tilespmem:$0x11800] =	vst v63  }
0x149: {  	s0 =	rddreg [dreg:$0x12]  }
0x14a: {  	[tilespmem:s18], [sflag:$0x1] =	stream.indirect.gather [hbm4b:s23+s6], $0x20, s0, s6, $0xb8;
	[tilespmem:$0x11800] =	vst v63  }
0x14b: {  	s1 =	rddreg [dreg:$0x13]  }
0x14c: {  	[tilespmem:s19], [sflag:$0x1] =	stream.indirect.gather [hbm4b:s23+s6], $0x20, s1, s6, $0xb8;
	[tilespmem:$0x11800] =	vst v63  }
0x14d: {  	s0 =	rddreg [dreg:$0x14]  }
0x14e: {  	[tilespmem:s20], [sflag:$0x1] =	stream.indirect.gather [hbm4b:s23+s6], $0x20, s0, s6, $0xb8;
	[tilespmem:$0x11800] =	vst v63  }
0x14f: {  	s1 =	rddreg [dreg:$0x15]  }
0x150: {  	[tilespmem:s21], [sflag:$0x1] =	stream.indirect.gather [hbm4b:s23+s6], $0x20, s1, s6, $0xb8;
	[tilespmem:$0x11800] =	vst v63  }
0x151: {  	_ =	swait.ge [sflag:s22], $0x10000  }
0x152: {  	[sflag:s22] =	ssyncset.done $0x0  }
0x153: {  	s1 =	rddreg [dreg:$0x5];
	[sflag:s22] =	ssyncadd.s32 $0xFFFF0000  }
0x154: {  	[hbm4b:s1+s2] =	stream.linear.scatter [tilespmem:s5], [sflag:$0x2], $0x10000, $0x38;
	[tilespmem:$0x11800] =	vst v63  }
0x155: {  	_ =	swait.ge [sflag:s4], $0x10000  }
0x156: {  	[sflag:s4] =	ssyncset.done $0x0  }
0x157: {  	s23 =	rddreg [dreg:$0x16];
	[sflag:s4] =	ssyncadd.s32 $0xFFFF0000  }
0x158: {  	[tilespmem:s5], [sflag:$0x1] =	stream.indirect.gather [hbm4b:s3+s6], $0x20, s24, s6, $0xb8;
	[tilespmem:$0x11800] =	vst v63  }
0x159: {  	s24 =	rddreg [dreg:$0x17]  }
0x15a: {  	[tilespmem:s7], [sflag:$0x1] =	stream.indirect.gather [hbm4b:s3+s6], $0x20, s23, s6, $0xb8;
	[tilespmem:$0x11800] =	vst v63  }
0x15b: {  	s23 =	rddreg [dreg:$0x18]  }
0x15c: {  	[tilespmem:s8], [sflag:$0x1] =	stream.indirect.gather [hbm4b:s3+s6], $0x20, s24, s6, $0xb8;
	[tilespmem:$0x11800] =	vst v63  }
0x15d: {  	s24 =	rddreg [dreg:$0x19]  }
0x15e: {  	[tilespmem:s9], [sflag:$0x1] =	stream.indirect.gather [hbm4b:s3+s6], $0x20, s23, s6, $0xb8;
	[tilespmem:$0x11800] =	vst v63  }
0x15f: {  	s23 =	rddreg [dreg:$0x1a]  }
0x160: {  	[tilespmem:s10], [sflag:$0x1] =	stream.indirect.gather [hbm4b:s3+s6], $0x20, s24, s6, $0xb8;
	[tilespmem:$0x11800] =	vst v63  }
0x161: {  	s24 =	rddreg [dreg:$0x1b]  }
0x162: {  	[tilespmem:s11], [sflag:$0x1] =	stream.indirect.gather [hbm4b:s3+s6], $0x20, s23, s6, $0xb8;
	[tilespmem:$0x11800] =	vst v63  }
0x163: {  	s23 =	rddreg [dreg:$0x1c]  }
0x164: {  	[tilespmem:s12], [sflag:$0x1] =	stream.indirect.gather [hbm4b:s3+s6], $0x20, s24, s6, $0xb8;
	[tilespmem:$0x11800] =	vst v63  }
0x165: {  	s24 =	rddreg [dreg:$0x1d]  }
0x166: {  	[tilespmem:s13], [sflag:$0x1] =	stream.indirect.gather [hbm4b:s3+s6], $0x20, s23, s6, $0xb8;
	[tilespmem:$0x11800] =	vst v63  }
0x167: {  	s23 =	rddreg [dreg:$0x1e]  }
0x168: {  	[tilespmem:s14], [sflag:$0x1] =	stream.indirect.gather [hbm4b:s3+s6], $0x20, s24, s6, $0xb8;
	[tilespmem:$0x11800] =	vst v63  }
0x169: {  	s24 =	rddreg [dreg:$0x1f]  }
0x16a: {  	[tilespmem:s15], [sflag:$0x1] =	stream.indirect.gather [hbm4b:s3+s6], $0x20, s23, s6, $0xb8;
	[tilespmem:$0x11800] =	vst v63  }
0x16b: {  	s23 =	sld [smem:$0x7EF]  }
0x16c: {  	[tilespmem:s16], [sflag:$0x1] =	stream.indirect.gather [hbm4b:s3+s6], $0x20, s24, s6, $0xb8;
	[tilespmem:$0x11800] =	vst v63  }
0x16d: {  	s24 =	sld [smem:$0x7F0]  }
0x16e: {  	[tilespmem:s17], [sflag:$0x1] =	stream.indirect.gather [hbm4b:s3+s6], $0x20, s23, s6, $0xb8;
	[tilespmem:$0x11800] =	vst v63  }
0x16f: {  	s23 =	sld [smem:$0x7F1]  }
0x170: {  	[tilespmem:s18], [sflag:$0x1] =	stream.indirect.gather [hbm4b:s3+s6], $0x20, s24, s6, $0xb8;
	[tilespmem:$0x11800] =	vst v63  }
0x171: {  	s24 =	sld [smem:$0x7F2]  }
0x172: {  	[tilespmem:s19], [sflag:$0x1] =	stream.indirect.gather [hbm4b:s3+s6], $0x20, s23, s6, $0xb8;
	[tilespmem:$0x11800] =	vst v63  }
0x173: {  	s23 =	sld [smem:$0x7F3]  }
0x174: {  	[tilespmem:s20], [sflag:$0x1] =	stream.indirect.gather [hbm4b:s3+s6], $0x20, s24, s6, $0xb8;
	[tilespmem:$0x11800] =	vst v63  }
0x175: {  	_ = 	snop  }
0x176: {  	[tilespmem:s21], [sflag:$0x1] =	stream.indirect.gather [hbm4b:s3+s6], $0x20, s23, s6, $0xb8;
	[tilespmem:$0x11800] =	vst v63  }
0x177: {  	_ =	swait.ge [sflag:s22], $0x10000  }
0x178: {  	[sflag:s22] =	ssyncset.done $0x0  }
0x179: {  	s24 =	rddreg [dreg:$0x6];
	[sflag:s22] =	ssyncadd.s32 $0xFFFF0000  }
0x17a: {  	[hbm4b:s24+s2] =	stream.linear.scatter [tilespmem:s5], [sflag:$0x2], $0x10000, $0x38;
	[tilespmem:$0x11800] =	vst v63  }
0x17b: {  	_ =	swait.ge [sflag:s4], $0x10000  }
0x17c: {  	s1 =	sld [smem:$0x7F4]  }
0x17d: {  	[sflag:s4] =	ssyncset.done $0x0  }
0x17e: {  	s23 =	sld [smem:$0x7F5];
	[sflag:s4] =	ssyncadd.s32 $0xFFFF0000  }
0x17f: {  	[tilespmem:s5], [sflag:$0x1] =	stream.indirect.gather [hbm4b:s3+s6], $0x20, s1, s6, $0xb8;
	[tilespmem:$0x11800] =	vst v63  }
0x180: {  	s24 =	sld [smem:$0x7F6]  }
0x181: {  	[tilespmem:s7], [sflag:$0x1] =	stream.indirect.gather [hbm4b:s3+s6], $0x20, s23, s6, $0xb8;
	[tilespmem:$0x11800] =	vst v63  }
0x182: {  	s7 =	sld [smem:$0x7F7]  }
0x183: {  	[tilespmem:s8], [sflag:$0x1] =	stream.indirect.gather [hbm4b:s3+s6], $0x20, s24, s6, $0xb8;
	[tilespmem:$0x11800] =	vst v63  }
0x184: {  	s8 =	sld [smem:$0x7F8]  }
0x185: {  	[tilespmem:s9], [sflag:$0x1] =	stream.indirect.gather [hbm4b:s3+s6], $0x20, s7, s6, $0xb8;
	[tilespmem:$0x11800] =	vst v63  }
0x186: {  	s9 =	sld [smem:$0x7F9]  }
0x187: {  	[tilespmem:s10], [sflag:$0x1] =	stream.indirect.gather [hbm4b:s3+s6], $0x20, s8, s6, $0xb8;
	[tilespmem:$0x11800] =	vst v63  }
0x188: {  	s10 =	sld [smem:$0x7FA]  }
0x189: {  	[tilespmem:s11], [sflag:$0x1] =	stream.indirect.gather [hbm4b:s3+s6], $0x20, s9, s6, $0xb8;
	[tilespmem:$0x11800] =	vst v63  }
0x18a: {  	s11 =	sld [smem:$0x7FB]  }
0x18b: {  	[tilespmem:s12], [sflag:$0x1] =	stream.indirect.gather [hbm4b:s3+s6], $0x20, s10, s6, $0xb8;
	[tilespmem:$0x11800] =	vst v63  }
0x18c: {  	s23 =	sld [smem:$0x7FC]  }
0x18d: {  	[tilespmem:s13], [sflag:$0x1] =	stream.indirect.gather [hbm4b:s3+s6], $0x20, s11, s6, $0xb8;
	[tilespmem:$0x11800] =	vst v63  }
0x18e: {  	s24 =	sld [smem:$0x7FD]  }
0x18f: {  	[tilespmem:s14], [sflag:$0x1] =	stream.indirect.gather [hbm4b:s3+s6], $0x20, s23, s6, $0xb8;
	[tilespmem:$0x11800] =	vst v63  }
0x190: {  	_ = 	snop  }
0x191: {  	[tilespmem:s15], [sflag:$0x1] =	stream.indirect.gather [hbm4b:s3+s6], $0x20, s24, s6, $0xb8;
	[tilespmem:$0x11800] =	vst v63  }
0x192: {  	_ = 	snop  }
0x193: {  	[tilespmem:s16], [sflag:$0x1] =	stream.indirect.gather [hbm4b:s3+s6], $0x20, s26, s6, $0xb8;
	[tilespmem:$0x11800] =	vst v63  }
0x194: {  	_ = 	snop  }
0x195: {  	[tilespmem:s17], [sflag:$0x1] =	stream.indirect.gather [hbm4b:s3+s6], $0x20, s28, s6, $0xb8;
	[tilespmem:$0x11800] =	vst v63  }
0x196: {  	_ = 	snop  }
0x197: {  	[tilespmem:s18], [sflag:$0x1] =	stream.indirect.gather [hbm4b:s3+s6], $0x20, s29, s6, $0xb8;
	[tilespmem:$0x11800] =	vst v63  }
0x198: {  	_ = 	snop  }
0x199: {  	[tilespmem:s19], [sflag:$0x1] =	stream.indirect.gather [hbm4b:s3+s6], $0x20, s30, s6, $0xb8;
	[tilespmem:$0x11800] =	vst v63  }
0x19a: {  	_ = 	snop  }
0x19b: {  	[tilespmem:s20], [sflag:$0x1] =	stream.indirect.gather [hbm4b:s3+s6], $0x20, s31, s6, $0xb8;
	[tilespmem:$0x11800] =	vst v63  }
0x19c: {  	s29 =	simm.s32 $0x1780  }
0x19d: {  	[tilespmem:s21], [sflag:$0x1] =	stream.indirect.gather [hbm4b:s3+s6], $0x20, s29, s6, $0xb8;
	[tilespmem:$0x11800] =	vst v63  }
0x19e: {  	_ =	swait.ge [sflag:s22], $0x10000  }
0x19f: {  	[sflag:s22] =	ssyncset.done $0x0  }
0x1a0: {  	s30 =	rddreg [dreg:$0x7];
	[sflag:s22] =	ssyncadd.s32 $0xFFFF0000  }
0x1a1: {  	[hbm4b:s30+s2] =	stream.linear.scatter [tilespmem:s5], [sflag:$0x2], $0x10000, $0x38;
	[tilespmem:$0x11800] =	vst v63  }
0x1a2: {  	_ =	swait.ge [sflag:s4], $0x10000  }
0x1a3: {  	[sflag:s4] =	ssyncset.done $0x0  }
0x1a4: {  	[sflag:s4] =	ssyncadd.s32 $0xFFFF0000  }
0x1a5: {  	_ =	sfence.sel $0x180000  }
0x1a6: {  	s31 =	stileid.u32;
	[bflag:$0x0] =	sbarrier.arrive $0xFFFF  }
0x1a7: {  	p0 =	sne.s32 s31, $0x0;
	_ =	strace $0x9000004A  }
0x1a8: {  	s0 =	sadd.s32 @!p0 $0x100000, s25;
	[bflag:$0x2] =	sbarrier.arrive $0xFFFF  }
0x1a9: {  	[sflag:s0] =	ssyncadd.tile.s32 @!p0 $0x1;
	_ =	shalt  }
.LBB2_1:
.Ltmp3:
0x1aa: {  	(pc) =	sbr.rel .LBB2_6-.Ltmp3, $3  }
0x1ab: {  	_ =	sdelay $0x1  }
0x1ac: {  	s31 =	simm.s32 $0x1700;
	s30 =	simm.s32 $0x1680  }
0x1ad: {  	s29 =	simm.s32 $0x1600;
	s28 =	simm.s32 $0x1580;
	s26 =	simm.s32 $0x1500  }
.LBB2_3:
.Ltmp4:
0x1ae: {  	(pc) =	sbr.rel .LBB2_6-.Ltmp4, $3  }
0x1af: {  	_ =	sdelay $0x1  }
0x1b0: {  	s31 =	simm.s32 $0x1700;
	s30 =	simm.s32 $0x1680;
	s29 =	simm.s32 $0x1600  }
0x1b1: {  	s28 =	simm.s32 $0x1580;
	s26 =	simm.s32 $0x1500;
	s25 =	rddreg [dreg:$0x2]  }
.Lfunc_end2:
_tile_overlayer_lowered:
.L_overlay_start_2:
0x1b2: {  	(tag) =	ssettag $0x2  }
0x1b3: {  	s0 =	rddreg [dreg:$0x0];
	s2 =	stileid.u32  }
0x1b4: {  	s1 =	rddreg [dreg:$0x1];
	p0 =	sne.s32 s2, $0x0  }
0x1b5: {  	s3 =	rddreg [dreg:$0x2];
	[bflag:$0x3] =	sbarrier.arrive $0xFFFF;
	s2 =	simm.s32 @!p0 $0x1C02  }
0x1b6: {  	[timem:s3], [sflag:s2] =	dma.local @!p0 [hbm:s0], s1  }
0x1b7: {  	s0 =	simm.s32 @!p0 $0x2  }
0x1b8: {  	_ =	swait.ge @!p0 [sflag:s0], s1  }
0x1b9: {  	s1 =	ssub.s32 @!p0 $0x0, s1;
	[sflag:s0] =	ssyncset.done @!p0 $0x0  }
0x1ba: {  	[sflag:s0] =	ssyncadd.s32 @!p0 s1  }
0x1bb: {  	[bflag:$0x3] =	sbarrier.arrive $0xFFFF  }
0x1bc: {  	_ =	shalt  }

// kernel: kernel.7.cloned.1.call-start
scs
__scs_entry_jumppad:
0x0: {  	(pc) =	sbr.rel $0x88, $3  }
0x1: {  	(tag) =	ssettag $0x0;
	lr =	simm.s32 $0x1  }
0x2: {  	[smem:$0x3F91] =	sst lr;
	_ =	strace $0xD0000000  }
0x3: {  	_ = 	snop  }
0x4: {  	_ = 	snop  }
0x5: {  	_ = 	snop  }
0x6: {  	_ = 	snop  }
0x7: {  	_ = 	snop  }
__scs_overlays_trampoline_lowered:
0x8: {  	[smem:$0x3FA0] =	sst s0  }
0x9: {  	[smem:$0x3FA1] =	sst s1  }
0xa: {  	[smem:$0x3FA2] =	sst s2  }
0xb: {  	[smem:$0x3FA3] =	sst s3  }
0xc: {  	[smem:$0x3FA4] =	sst s4  }
0xd: {  	[smem:$0x3FA5] =	sst s5  }
0xe: {  	[smem:$0x3FA6] =	sst s6  }
0xf: {  	[smem:$0x3FA7] =	sst s7  }
0x10: {  	[smem:$0x3FA8] =	sst s8  }
0x11: {  	[smem:$0x3FA9] =	sst s9;
	s0 =	simm.s32 @!p0 $0x0  }
0x12: {  	s1 =	sld [smem:$0x3F8F];
	s0 =	simm.s32 @p0 $0x1  }
0x13: {  	[smem:$0x3FAA] =	sst s0;
	s0 =	simm.s32 @!p1 $0x0  }
0x14: {  	s2 =	sld [smem:$0x3F8E];
	s0 =	simm.s32 @p1 $0x1  }
0x15: {  	[smem:$0x3FAB] =	sst s0;
	s0 =	simm.s32 @!p2 $0x0  }
0x16: {  	s3 =	sld [smem:$0x3FDB];
	s0 =	simm.s32 @p2 $0x1  }
0x17: {  	s4 =	simm.s32 $0x1BF5;
	[smem:$0x3FAD] =	sst s0  }
0x18: {  	s0 =	sld [smem:$0x3F90];
	_ =	swait.ge [sflag:s4], $0x0  }
0x19: {  	s7 =	sld [smem:$0x3F91]  }
0x1a: {  	s8 =	sadd.s32 $0xFFFFE003, lr  }
0x1b: {  	s9 =	sadd.s32 $0xFFFFFEF7, lr;
	s5 =	simm.s32 $0xFFFFFFFF;
	p2 =	slt.u32 s8, $0xFFFFF086  }
0x1c: {  	p1 =	slt.u32 s9, $0xF7A;
	s5 =	simm.s32 @!p2 $0x0  }
0x1d: {  	s5 =	simm.s32 @p1 $0x1;
	p0 =	seq.s32 s7, s2  }
0x1e: {  	s7 =	smul.u32 @!p0 $0xF7A, s2;
	p2 =	seq.s32 @!p0 s5, $0x0  }
0x1f: {  	s9 =	smul.u32 $0xF7A, s1;
	s8 =	simm.s32 @!p0 $0x1BF5;
	p2 =	por !p2, p0  }
0x20: {  	[sflag:s8] =	ssyncset.s32 @!p0 $0xFFFFF086;
	s6 =	sadd.s32 @!p0 s3, s7;
	s7 =	simm.s32 @!p0 $0x108  }
0x21: {  	s3 =	sadd.s32 s3, s9;
	s6 =	sadd.s32 @!p0 $0x88, s6;
	s7 =	simm.s32 @p2 $0x1082  }
0x22: {  	[simem:s7], [sflag:s8] =	dma.local @!p0 [hbm:s6], $0xF7A  }
0x23: {  	s9 =	sor.u32 $0xD0000000, s2;
	s6 =	simm.s32 $0x108;
	_ =	swait.ge @!p0 [sflag:s8], $0x0  }
0x24: {  	s3 =	sadd.s32 $0x88, s3;
	s6 =	simm.s32 @!p1 $0x1082;
	[sflag:s4] =	ssyncset.s32 $0xFFFFF086  }
0x25: {  	[simem:s6], [sflag:s4] =	dma.local [hbm:s3], $0xF7A  }
0x26: {  	[smem:$0x3F91] =	sst s1;
	(tag) =	ssettag s2;
	_ =	strace s9  }
0x27: {  	s1 =	sld [smem:$0x3FA1]  }
0x28: {  	s2 =	sld [smem:$0x3FA2]  }
0x29: {  	s4 =	sld [smem:$0x3FA4]  }
0x2a: {  	p0 =	seq.s32 s5, $0x0;
	s5 =	sld [smem:$0x3FA5]  }
0x2b: {  	s6 =	sld [smem:$0x3FA6]  }
0x2c: {  	s7 =	sld [smem:$0x3FA7]  }
0x2d: {  	s3 =	simm.s32 $0x108;
	s8 =	sld [smem:$0x3FA8]  }
0x2e: {  	s3 =	simm.s32 @!p0 $0x1082;
	s9 =	sld [smem:$0x3FA9]  }
0x2f: {  	lr =	sadd.s32 s0, s3;
	s0 =	sld [smem:$0x3FA0]  }
0x30: {  	s3 =	sld [smem:$0x3FA3]  }
0x31: {  	[smem:$0x3FAC] =	sst s10  }
0x32: {  	s10 =	sld [smem:$0x3FAA];
	_ =	sdelay $0x3  }
0x33: {  	p0 =	seq.s32 s10, $0x1;
	s10 =	sld [smem:$0x3FAC];
	_ =	sdelay $0x3  }
0x34: {  	[smem:$0x3FAC] =	sst s10  }
0x35: {  	s10 =	sld [smem:$0x3FAB];
	_ =	sdelay $0x3  }
0x36: {  	p1 =	seq.s32 s10, $0x1;
	s10 =	sld [smem:$0x3FAC];
	_ =	sdelay $0x3  }
0x37: {  	[smem:$0x3FAC] =	sst s10  }
0x38: {  	s10 =	sld [smem:$0x3FAD]  }
0x39: {  	_ = 	snop;
	(pc) =	sbr.ind lr, $3  }
0x3a: {  	_ = 	snop  }
0x3b: {  	_ = 	snop  }
0x3c: {  	p2 =	seq.s32 s10, $0x1;
	s10 =	sld [smem:$0x3FAC]  }
0x3d: {  	_ =	shalt  }
0x3e: {  	_ =	shalt  }
0x3f: {  	_ =	shalt  }
0x40: {  	_ =	shalt  }
0x41: {  	_ =	shalt  }
0x42: {  	_ =	shalt  }
0x43: {  	_ =	shalt  }
0x44: {  	_ =	shalt  }
0x45: {  	_ =	shalt  }
0x46: {  	_ =	shalt  }
0x47: {  	_ =	shalt  }
0x48: {  	_ =	shalt  }
0x49: {  	_ =	shalt  }
0x4a: {  	_ =	shalt  }
0x4b: {  	_ =	shalt  }
0x4c: {  	_ =	shalt  }
0x4d: {  	_ =	shalt  }
0x4e: {  	_ =	shalt  }
0x4f: {  	_ =	shalt  }
0x50: {  	_ =	shalt  }
0x51: {  	_ =	shalt  }
0x52: {  	_ =	shalt  }
0x53: {  	_ =	shalt  }
0x54: {  	_ =	shalt  }
0x55: {  	_ =	shalt  }
0x56: {  	_ =	shalt  }
0x57: {  	_ =	shalt  }
0x58: {  	_ =	shalt  }
0x59: {  	_ =	shalt  }
0x5a: {  	_ =	shalt  }
0x5b: {  	_ =	shalt  }
0x5c: {  	_ =	shalt  }
0x5d: {  	_ =	shalt  }
0x5e: {  	_ =	shalt  }
0x5f: {  	_ =	shalt  }
0x60: {  	_ =	shalt  }
0x61: {  	_ =	shalt  }
0x62: {  	_ =	shalt  }
0x63: {  	_ =	shalt  }
0x64: {  	_ =	shalt  }
0x65: {  	_ =	shalt  }
0x66: {  	_ =	shalt  }
0x67: {  	_ =	shalt  }
0x68: {  	_ =	shalt  }
0x69: {  	_ =	shalt  }
0x6a: {  	_ =	shalt  }
0x6b: {  	_ =	shalt  }
0x6c: {  	_ =	shalt  }
0x6d: {  	_ =	shalt  }
0x6e: {  	_ =	shalt  }
0x6f: {  	_ =	shalt  }
0x70: {  	_ =	shalt  }
0x71: {  	_ =	shalt  }
0x72: {  	_ =	shalt  }
0x73: {  	_ =	shalt  }
0x74: {  	_ =	shalt  }
0x75: {  	_ =	shalt  }
0x76: {  	_ =	shalt  }
0x77: {  	_ =	shalt  }
0x78: {  	_ =	shalt  }
0x79: {  	_ =	shalt  }
0x7a: {  	_ =	shalt  }
0x7b: {  	_ =	shalt  }
0x7c: {  	_ =	shalt  }
0x7d: {  	_ =	shalt  }
0x7e: {  	_ =	shalt  }
0x7f: {  	_ =	shalt  }
0x80: {  	_ =	shalt  }
0x81: {  	_ =	shalt  }
0x82: {  	_ =	shalt  }
0x83: {  	_ =	shalt  }
0x84: {  	_ =	shalt  }
0x85: {  	_ =	shalt  }
0x86: {  	_ =	shalt  }
0x87: {  	_ =	shalt  }
.Lfunc_end0:
.L_simem_size_0:
called_computation_lowered:
.L_overlay_start_0:
0x88: {  	s2 =	sld [smem:$0x3FD9]  }
0x89: {  	s3 =	sld [smem:$0x3FFE];
	_ =	sdelay $0x1  }
0x8a: {  	s1 =	srdreg.scid  }
0x8b: {  	s0 =	sand.u32 $0x1, s1  }
0x8c: {  	s14 =	sshll.u32 s0, $0xA;
	s2 =	sadd.s32 s3, s2  }
0x8d: {  	s2 =	sadd.s32 s2, s14  }
0x8e: {  	[smem:$0x3FB8] =	sst s2  }
0x8f: {  	_ = 	snop  }
0x90: {  	s2 =	sld [smem:$0x3FD0];
	_ =	sdelay $0x2  }
0x91: {  	s15 =	simm.s32 $0xA;
	s4 =	simm.s32 $0x10  }
0x92: {  	[smem:s4], [sflag:s15] =	dma.local [hbm:s2], $0x1  }
0x93: {  	_ =	swait.eq [sflag:s15], $0x1  }
0x94: {  	[sflag:s15] =	ssyncset.done $0x0  }
0x95: {  	s16 =	sld [smem:$0x10];
	[sflag:s15] =	ssyncadd.s32 $0xFFFFFFFF  }
0x96: {  	s17 =	sld [smem:$0x11];
	(tm) =	ssettm $0x1  }
0x97: {  	s18 =	sld [smem:$0x3FFB];
	_ =	sdelay $0x3  }
0x98: {  	_ =	strace s18  }
0x99: {  	s4 =	sld [smem:$0x3FFC];
	_ =	sdelay $0x3  }
0x9a: {  	_ =	strace s4  }
0x9b: {  	s4 =	sld [smem:$0x3FFD];
	_ =	sdelay $0x3  }
0x9c: {  	_ =	strace s4  }
0x9d: {  	_ =	strace $0x8FFFFFFF  }
0x9e: {  	s19 =	sld [smem:$0x3FDB];
	_ =	sdelay $0x1  }
0x9f: {  	s5 =	simm.s32 $_scs_section_size  }
0xa0: {  	s6 =	simm.s32 $_size__tile_overlayer_lowered;
	s7 =	simm.s32 $_tile_overlayer_lowered  }
0xa1: {  	s22 =	simm.s32 $0x1BFF;
	s21 =	sshll.u32 s7, $0x1;
	s4 =	sadd.s32 s5, s19  }
0xa2: {  	s8 =	simm.s32 $0x0;
	s20 =	sshll.u32 s6, $0x1;
	s6 =	sadd.s32 s21, s4  }
0xa3: {  	[timem:s8], [sflag:s22] =	dma.local [hbm:s6], s20  }
0xa4: {  	_ =	swait.ge [sflag:s22], s20  }
0xa5: {  	s5 =	ssub.s32 $0x0, s20;
	[sflag:s22] =	ssyncset.done $0x0  }
0xa6: {  	[sflag:s22] =	ssyncadd.s32 s5;
	_ =	sdelay $0x1  }
0xa7: {  	s23 =	simm.s32 $0x1B8B  }
0xa8: {  	_ =	swait.ge [sflag:s23], $0x1  }
0xa9: {  	[sflag:s23] =	ssyncset.done $0x0  }
0xaa: {  	s25 =	simm.s32 $0x1B8E;
	s24 =	sld [smem:$0x3FFE];
	[sflag:s23] =	ssyncadd.s32 $0xFFFFFFFF  }
0xab: {  	s26 =	simm.s32 $execute0_lowered;
	[smem:$0x3FD2] =	sst s25  }
0xac: {  	s6 =	sshll.u32 s26, $0x1;
	_ =	strace $0x80000046;
	[dreg:$0x1] =	wrdreg $0xFFFFFFFF  }
0xad: {  	s28 =	simm.s32 $_size_execute0_lowered;
	s4 =	sadd.s32 s4, s6;
	[dreg:$0x0] =	wrdreg $0x0  }
0xae: {  	s6 =	sshll.u32 s28, $0x1;
	[dreg:$0x2] =	wrdreg s4  }
0xaf: {  	[dreg:$0x3] =	wrdreg s6  }
0xb0: {  	[dreg:$0x4] =	wrdreg $0xC0  }
0xb1: {  	_ =	task [dreg:s8], $0x5FFFF  }
0xb2: {  	[dreg:$0x1] =	wrdreg $0xFFFFFFFF  }
0xb3: {  	[dreg:$0x0] =	wrdreg $0x60  }
0xb4: {  	[dreg:$0x2] =	wrdreg s24  }
0xb5: {  	[dreg:$0x3] =	wrdreg s16  }
0xb6: {  	[dreg:$0x4] =	wrdreg s17  }
0xb7: {  	[dreg:$0x5] =	wrdreg $0x9  }
0xb8: {  	_ =	task.clear_ibuf [dreg:s8], $0x6FFFF;
	_ =	strace $0x90000046  }
0xb9: {  	s29 =	simm.s32 $0x9;
	_ =	strace $0x80000048  }
0xba: {  	_ =	swait.ge [sflag:s29], $0x1  }
0xbb: {  	[sflag:s29] =	ssyncadd.s32 $0xFFFFFFFF  }
0xbc: {  	_ =	strace $0x90000048  }
0xbd: {  	_ =	sfence  }
0xbe: {  	s30 =	sld [smem:$0x0];
	_ =	sdelay $0x2  }
0xbf: {  	s31 =	sshll.u32 s1, $0xD;
	s1 =	sshrl.u32 s1, $0x2  }
0xc0: {  	s3 =	sand.u32 $0x4000, s31;
	s1 =	sadd.s32 s1, s30  }
0xc1: {  	s0 =	sor.u32 s3, s0;
	s1 =	sshll.u32 s1, $0x11  }
0xc2: {  	s0 =	sor.u32 s1, s0  }
0xc3: {  	s0 =	sadd.s32 $0x8F2B, s0  }
0xc4: {  	[sflag:s0] =	ssyncadd.remote.s32 $0x1  }
0xc5: {  	_ =	sfence.sel $0xFFFF  }
0xc6: {  	[dreg:$0x0] =	wrdreg $0xFFFFFFFF;
	(pc) =	sbr.abs _section_cstart, $3  }
0xc7: {  	[dreg:$0x1] =	wrdreg $0xFFFFFFFF  }
0xc8: {  	_ =	task.clear_ibuf [dreg:s8], $0x2FFFF;
	_ =	strace $0x9FFFFFFF  }
0xc9: {  	(tm) =	ssettm $0x7FFFFFFF  }
tec
execute0_lowered:
.L_overlay_start_1:
0x0: {  	(tag) =	ssettag $0x1  }
0x1: {  	s0 =	rddreg [dreg:$0x0]  }
0x2: {  	s1 =	rddreg [dreg:$0x1]  }
0x3: {  	s3 =	rddreg [dreg:$0x2];
	s2 =	simm.s32 $0x0  }
0x4: {  	s6 =	stileid.u32;
	s4 =	srdreg.scid;
	s14 =	simm.s32 $0x80  }
0x5: {  	s15 =	simm.s32 $0x200;
	s16 =	simm.s32 $0x1;
	s17 =	simm.s32 $0x2000  }
0x6: {  	s18 =	simm.s32 $0x4000;
	s23 =	simm.s32 $0x6380;
	[smem:$0x7FF] =	sst s2  }
0x7: {  	s4 =	sand.u32 $0x1, s4;
	s5 =	sshll.u32 s6, $0x1;
	s6 =	sshrl.u32 s6, $0x2  }
0x8: {  	_ =	strace $0x80000047;
	s11 =	sor.u32 s4, s5;
	s24 =	sshll.u32 s6, $0x4  }
0x9: {  	s4 =	ssub.s32 $0x2, s4;
	s21 =	sshll.u32 s6, $0xD;
	s7 =	smul.u32 $0x500, s11  }
0xa: {  	s8 =	sadd.s32 s24, s0;
	s9 =	sshll.u32 s11, $0x4;
	s25 =	sshrl.u32 s4, $0x1  }
0xb: {  	s31 =	sshll.u32 s11, $0xA;
	s24 =	simm.s32 $0x8380;
	s26 =	sadd.s32 $0x3E00, s8  }
0xc: {  	s4 =	ssub.s32 s4, s25;
	s28 =	sadd.s32 $0x4E00, s8;
	[dreg:$0x4] =	wrdreg s26  }
0xd: {  	s29 =	sadd.s32 $0x5E00, s8;
	s1 =	sadd.s32 s1, s9;
	[dreg:$0x5] =	wrdreg s28  }
0xe: {  	s11 =	sadd.s32 s3, s31;
	s25 =	simm.s32 $0x0;
	[dreg:$0x6] =	wrdreg s29  }
0xf: {  	s12 =	sadd.s32 s7, s0;
	s0 =	sadd.s32 s9, s0;
	[dreg:$0x7] =	wrdreg s1  }
0x10: {  	v0 =	vlaneseq.u32;
	s13 =	smax.u32 s4, $0x1;
	s30 =	sadd.s32 $0x10E00, s0;
	s9 =	sadd.s32 $0x11000, s0  }
0x11: {  	vm0 =	vmxor vm0, vm0;
	v1 =	vimm.s32 $0x0;
	v2 =	vor.u32 $0x10, v0;
	s10 =	sadd.s32 $0x11200, s0;
	s12 =	sadd.s32 $0x6E00, s12;
	[dreg:$0x8] =	wrdreg s30  }
.LBB2_1:
0x12: {  	s0 =	rddreg [dreg:$0x4]  }
0x13: {  	[tilespmem:s2], [sflag:$0x1] =	stream.strided.gather [hbm4b:s0+s14], $0x2000, s15, s14, $0x38;
	[tilespmem:$0xAB80] =	vst v63  }
0x14: {  	_ =	swait.ge [sflag:s16], $0x2000  }
0x15: {  	[sflag:s16] =	ssyncset.done $0x0  }
0x16: {  	s20 =	rddreg [dreg:$0x5];
	[sflag:s16] =	ssyncadd.s32 $0xFFFFE000  }
0x17: {  	[tilespmem:s17], [sflag:$0x1] =	stream.strided.gather [hbm4b:s20+s14], $0x2000, s15, s14, $0x38;
	[tilespmem:$0xAB80] =	vst v63  }
0x18: {  	_ =	swait.ge [sflag:s16], $0x2000  }
0x19: {  	[sflag:s16] =	ssyncset.done $0x0  }
0x1a: {  	s22 =	rddreg [dreg:$0x6];
	[sflag:s16] =	ssyncadd.s32 $0xFFFFE000  }
0x1b: {  	[tilespmem:s18], [sflag:$0x1] =	stream.strided.gather [hbm4b:s22+s14], $0x2000, s15, s14, $0x38;
	[tilespmem:$0xAB80] =	vst v63  }
0x1c: {  	_ =	swait.ge [sflag:s16], $0x2000  }
0x1d: {  	[sflag:s16] =	ssyncset.done $0x0  }
0x1e: {  	s1 =	simm.s32 $0x6000;
	s26 =	rddreg [dreg:$0x7];
	[sflag:s16] =	ssyncadd.s32 $0xFFFFE000  }
0x1f: {  	[tilespmem:s1], [sflag:$0x1] =	stream.linear.gather [hbm4b:s26+s2], $0x80, $0x38;
	[tilespmem:$0xAB80] =	vst v63  }
0x20: {  	_ =	swait.ge [sflag:s16], $0x80  }
0x21: {  	[sflag:s16] =	ssyncset.done $0x0  }
0x22: {  	[sflag:s16] =	ssyncadd.s32 $0xFFFFFF80  }
0x23: {  	v3 =	vld [tilespmem:$0x6000];
	_ =	sdelay $0x7  }
0x24: {  	v4 =	vld.idx.msk [tilespmem:v3+s2+$0x0], $0xffff;
	_ =	sdelay $0x4  }
0x25: {  	[tilespmem:$0x6080] =	vst v4  }
0x26: {  	v4 =	vld.idx.msk [tilespmem:v3+s17+$0x0], $0xffff;
	_ =	sdelay $0x3  }
0x27: {  	v5 =	vld [tilespmem:$0x6010]  }
0x28: {  	[tilespmem:$0x6180] =	vst v4  }
0x29: {  	v3 =	vld.idx.msk [tilespmem:v3+s18+$0x0], $0xffff;
	_ =	sdelay $0x4  }
0x2a: {  	[tilespmem:$0x6280] =	vst v3  }
0x2b: {  	v3 =	vld.idx.msk [tilespmem:v5+s2+$0x0], $0xffff;
	_ =	sdelay $0x4  }
0x2c: {  	[tilespmem:$0x6090] =	vst v3  }
0x2d: {  	v3 =	vld.idx.msk [tilespmem:v5+s17+$0x0], $0xffff;
	_ =	sdelay $0x3  }
0x2e: {  	v58 =	vld [tilespmem:$0x6020]  }
0x2f: {  	[tilespmem:$0x6190] =	vst v3  }
0x30: {  	v3 =	vld.idx.msk [tilespmem:v5+s18+$0x0], $0xffff;
	_ =	sdelay $0x4  }
0x31: {  	[tilespmem:$0x6290] =	vst v3  }
0x32: {  	v3 =	vld.idx.msk [tilespmem:v58+s2+$0x0], $0xffff;
	_ =	sdelay $0x4  }
0x33: {  	[tilespmem:$0x60A0] =	vst v3  }
0x34: {  	v3 =	vld.idx.msk [tilespmem:v58+s17+$0x0], $0xffff;
	_ =	sdelay $0x3  }
0x35: {  	v59 =	vld [tilespmem:$0x6030]  }
0x36: {  	[tilespmem:$0x61A0] =	vst v3  }
0x37: {  	v3 =	vld.idx.msk [tilespmem:v58+s18+$0x0], $0xffff;
	_ =	sdelay $0x4  }
0x38: {  	[tilespmem:$0x62A0] =	vst v3  }
0x39: {  	v3 =	vld.idx.msk [tilespmem:v59+s2+$0x0], $0xffff;
	_ =	sdelay $0x4  }
0x3a: {  	[tilespmem:$0x60B0] =	vst v3  }
0x3b: {  	v3 =	vld.idx.msk [tilespmem:v59+s17+$0x0], $0xffff;
	_ =	sdelay $0x3  }
0x3c: {  	v60 =	vld [tilespmem:$0x6040]  }
0x3d: {  	[tilespmem:$0x61B0] =	vst v3  }
0x3e: {  	v3 =	vld.idx.msk [tilespmem:v59+s18+$0x0], $0xffff;
	_ =	sdelay $0x4  }
0x3f: {  	[tilespmem:$0x62B0] =	vst v3  }
0x40: {  	v3 =	vld.idx.msk [tilespmem:v60+s2+$0x0], $0xffff;
	_ =	sdelay $0x4  }
0x41: {  	[tilespmem:$0x60C0] =	vst v3  }
0x42: {  	v3 =	vld.idx.msk [tilespmem:v60+s17+$0x0], $0xffff;
	_ =	sdelay $0x3  }
0x43: {  	v61 =	vld [tilespmem:$0x6050]  }
0x44: {  	[tilespmem:$0x61C0] =	vst v3  }
0x45: {  	v3 =	vld.idx.msk [tilespmem:v60+s18+$0x0], $0xffff;
	_ =	sdelay $0x4  }
0x46: {  	[tilespmem:$0x62C0] =	vst v3  }
0x47: {  	v3 =	vld.idx.msk [tilespmem:v61+s2+$0x0], $0xffff;
	_ =	sdelay $0x4  }
0x48: {  	[tilespmem:$0x60D0] =	vst v3  }
0x49: {  	v3 =	vld.idx.msk [tilespmem:v61+s17+$0x0], $0xffff;
	_ =	sdelay $0x3  }
0x4a: {  	v62 =	vld [tilespmem:$0x6060]  }
0x4b: {  	[tilespmem:$0x61D0] =	vst v3  }
0x4c: {  	v3 =	vld.idx.msk [tilespmem:v61+s18+$0x0], $0xffff;
	_ =	sdelay $0x4  }
0x4d: {  	[tilespmem:$0x62D0] =	vst v3  }
0x4e: {  	v3 =	vld.idx.msk [tilespmem:v62+s2+$0x0], $0xffff;
	_ =	sdelay $0x4  }
0x4f: {  	[tilespmem:$0x60E0] =	vst v3  }
0x50: {  	v3 =	vld.idx.msk [tilespmem:v62+s17+$0x0], $0xffff;
	_ =	sdelay $0x3  }
0x51: {  	v63 =	vld [tilespmem:$0x6070]  }
0x52: {  	[tilespmem:$0x61E0] =	vst v3  }
0x53: {  	v3 =	vld.idx.msk [tilespmem:v62+s18+$0x0], $0xffff;
	_ =	sdelay $0x4  }
0x54: {  	[tilespmem:$0x62E0] =	vst v3  }
0x55: {  	v3 =	vld.idx.msk [tilespmem:v63+s2+$0x0], $0xffff;
	_ =	sdelay $0x4  }
0x56: {  	[tilespmem:$0x60F0] =	vst v3  }
0x57: {  	v3 =	vld.idx.msk [tilespmem:v63+s17+$0x0], $0xffff;
	_ =	sdelay $0x4  }
0x58: {  	[tilespmem:$0x61F0] =	vst v3  }
0x59: {  	v3 =	vld.idx.msk [tilespmem:v63+s18+$0x0], $0xffff;
	_ =	sdelay $0x4  }
0x5a: {  	s29 =	simm.s32 $0x6080;
	s28 =	rddreg [dreg:$0x8];
	[tilespmem:$0x62F0] =	vst v3  }
0x5b: {  	[hbm4b:s28+s2] =	stream.linear.scatter [tilespmem:s29], [sflag:$0x1], $0x80, $0x38;
	[tilespmem:$0xAB80] =	vst v63  }
0x5c: {  	_ =	swait.ge [sflag:s16], $0x80  }
0x5d: {  	[sflag:s16] =	ssyncset.done $0x0  }
0x5e: {  	s30 =	simm.s32 $0x6180;
	[sflag:s16] =	ssyncadd.s32 $0xFFFFFF80  }
0x5f: {  	[hbm4b:s9+s2] =	stream.linear.scatter [tilespmem:s30], [sflag:$0x1], $0x80, $0x38;
	[tilespmem:$0xAB80] =	vst v63  }
0x60: {  	_ =	swait.ge [sflag:s16], $0x80  }
0x61: {  	[sflag:s16] =	ssyncset.done $0x0  }
0x62: {  	s31 =	simm.s32 $0x6280;
	[sflag:s16] =	ssyncadd.s32 $0xFFFFFF80  }
0x63: {  	[hbm4b:s10+s2] =	stream.linear.scatter [tilespmem:s31], [sflag:$0x1], $0x80, $0x38;
	[tilespmem:$0xAB80] =	vst v63  }
0x64: {  	_ =	swait.ge [sflag:s16], $0x80  }
0x65: {  	[sflag:s16] =	ssyncset.done $0x0  }
0x66: {  	s26 =	simm.s32 $0x0;
	[sflag:s16] =	ssyncadd.s32 $0xFFFFFF80  }
.LBB2_2:
0x67: {  	s29 =	sshll.u32 s26, $0x6  }
0x68: {  	s28 =	smul.u32 $0x50, s26;
	s22 =	simm.s32 $0x0;
	p0 =	por $0x1, $0x1  }
0x69: {  	v3 =	vld.msk [tilespmem:s26+$0x6080 ss:$0x0], $0xffff;
	s0 =	simm.s32 $0x10;
	s19 =	simm.s32 $0x2010;
	s20 =	simm.s32 $0x4010  }
0x6a: {  	v4 =	vld.msk [tilespmem:s26+$0x6180 ss:$0x0], $0xffff;
	s3 =	smov.u32 s21;
	p1 =	por $0x1, $0x1;
	s1 =	simm.s32 $0x0  }
0x6b: {  	v5 =	vld.msk [tilespmem:s26+$0x6280 ss:$0x0], $0xffff;
	s4 =	simm.s32 $0x0;
	s30 =	sadd.s32 $0xFFFFFFFF, s29;
	s31 =	sadd.s32 $0xFFFFFFFF, s28  }
.LBB2_3:
0x6c: {  	v6 =	vld [tilespmem:s0+$0xFFFFFFF0]  }
0x6d: {  	v7 =	vld [tilespmem:s19+$0xFFFFFFF0]  }
0x6e: {  	v8 =	vld [tilespmem:s0+$0x0]  }
0x6f: {  	v9 =	vld [tilespmem:s19+$0x0]  }
0x70: {  	v10 =	vld [tilespmem:s20+$0xFFFFFFF0]  }
0x71: {  	v11 =	vld [tilespmem:s20+$0x0];
	_ =	sdelay $0x1  }
0x72: {  	v6 =	vsub.f32 v6, v3;
	v7 =	vsub.f32 v7, v4  }
0x73: {  	v8 =	vsub.f32 v8, v3;
	v9 =	vsub.f32 v9, v4  }
0x74: {  	v10 =	vsub.f32 v10, v5;
	v6 =	vmul.f32 v6, v6;
	v7 =	vmul.f32 v7, v7  }
0x75: {  	v11 =	vsub.f32 v11, v5;
	v8 =	vmul.f32 v8, v8;
	v9 =	vmul.f32 v9, v9  }
0x76: {  	v6 =	vadd.f32 v7, v6;
	v7 =	vmul.f32 v10, v10  }
0x77: {  	v59 =	vmul.f32 v11, v11;
	v8 =	vadd.f32 v9, v8  }
0x78: {  	v6 =	vadd.f32 v7, v6  }
0x79: {  	vm1 =	vmmov vm0;
	v7 =	vadd.f32 v59, v8  }
0x7a: {  	vm4 =	vmmov vm0;
	vm1 =	vmneg @p1 vm1;
	vm2 =	vlt.f32 v6, $3.999999910e-02  }
0x7b: {  	vm4 =	vmneg @p0 vm4;
	vm3 =	vlt.f32 v7, $3.999999910e-02;
	vm2 =	vmand vm1, vm2  }
0x7c: {  	vm1 =	vmand vm1, vm3;
	vm3 =	vlt.f32 v6, $1.599999960e-01;
	v6 =	vsel vm2, $0x1, v1  }
0x7d: {  	vm3 =	vmand vm4, vm3;
	(xrf0) =	vadd.scan.msk.s32 $0xffff, v6;
	v6 =	vsel vm1, $0x1, v1  }
0x7e: {  	vm5 =	vlt.f32 v7, $1.599999960e-01;
	(xrf0) =	vadd.scan.msk.s32 $0xffff, v6;
	v6 =	vsel vm3, $0x1, v1  }
0x7f: {  	vm4 =	vmand vm4, vm5;
	(xrf0) =	vadd.scan.msk.s32 $0xffff, v6  }
0x80: {  	v6 =	vsel vm4, $0x1, v1  }
0x81: {  	(xrf0) =	vadd.scan.msk.s32 $0xffff, v6;
	_ =	sdelay $0x1  }
0x82: {  	v6, _, _ =	vpop (xrf0)  }
0x83: {  	v7, _, _ =	vpop (xrf0);
	(v2sf) =	vpush v6, $0xF  }
0x84: {  	v60, _, _ =	vpop (xrf0)  }
0x85: {  	(v2sf) =	vpush v60, $0xF  }
0x86: {  	v61, _, _ =	vpop (xrf0);
	(v2sf) =	vpush v7, $0xF  }
0x87: {  	(v2sf) =	vpush v61, $0xF;
	_ =	sdelay $0xa  }
0x88: {  	s6 =	sadd.s32 s4, s30;
	s5 =	spop (v2sf)  }
0x89: {  	v6 =	vadd.s32 s6, v6;
	s6 =	sadd.s32 s6, s5  }
0x8a: {  	s7 =	spop (v2sf);
	v7 =	vadd.s32 s6, v7;
	s6 =	sadd.s32 s1, s31  }
0x8b: {  	s8 =	spop (v2sf);
	v8 =	vadd.s32 s6, v60;
	s6 =	sadd.s32 s6, s7  }
0x8c: {  	s4 =	sadd.s32 s4, s5;
	s5 =	sadd.s32 s1, s7;
	v9 =	vadd.s32 s6, v61;
	s6 =	spop (v2sf)  }
0x8d: {  	s4 =	sadd.s32 s8, s4;
	s1 =	sadd.s32 s6, s5  }
0x8e: {  	p1 =	slt.s32 s4, $0x10;
	p0 =	slt.s32 s1, $0x20  }
0x8f: {  	p2 =	sgt.u32 s22, $0xFE;
	p3 =	por p1, p0  }
0x90: {  	p2 =	por p2, !p3  }
.Ltmp0:
0x91: {  	v62 =	vor.u32 s3, v0;
	s7 =	sadd.s32 $0x10, s3;
	(pc) =	sbr.rel @!p2 .LBB2_3-.Ltmp0, $4  }
0x92: {  	[tilespmem:v6+s23+$0x0] =	vst.idx.msk vm2, v62;
	v63 =	vor.u32 s7, v0  }
0x93: {  	[tilespmem:v7+s23+$0x0] =	vst.idx.msk vm1, v63  }
0x94: {  	s22 =	sadd.s32 $0x1, s22;
	s0 =	sadd.s32 $0x20, s0;
	[tilespmem:v8+s24+$0x0] =	vst.idx.msk vm3, v62  }
0x95: {  	s19 =	sadd.s32 $0x20, s19;
	s20 =	sadd.s32 $0x20, s20;
	s3 =	sadd.s32 $0x20, s3;
	[tilespmem:v9+s24+$0x0] =	vst.idx.msk vm4, v63  }
0x96: {  	v3 =	vld [tilespmem:s29+$0x6380];
	_ =	sdelay $0x4  }
0x97: {  	v5 =	vmov s4;
	v4 =	vbroadcast v3, $0x0  }
0x98: {  	vm1 =	vgt.s32 v5, v0  }
0x99: {  	v3 =	vsel vm1, v3, v4  }
0x9a: {  	[tilespmem:s29+$0x6380] =	vst v3  }
0x9b: {  	v3 =	vld [tilespmem:s28+$0x8380];
	_ =	sdelay $0x2  }
0x9c: {  	s26 =	sadd.s32 $0x1, s26;
	v62 =	vld [tilespmem:s28+$0x8390]  }
0x9d: {  	p0 =	sne.s32 s26, $0x80  }
.Ltmp1:
0x9e: {  	v6 =	vmov s1;
	v63 =	vbroadcast v3, $0x0;
	(pc) =	sbr.rel @p0 .LBB2_2-.Ltmp1, $4  }
0x9f: {  	vm1 =	vgt.s32 v6, v0  }
0xa0: {  	v3 =	vsel vm1, v3, v63;
	vm1 =	vgt.s32 v6, v2  }
0xa1: {  	[tilespmem:s28+$0x8380] =	vst v3;
	v3 =	vsel vm1, v62, v63  }
0xa2: {  	[tilespmem:s28+$0x8390] =	vst v3  }
0xa3: {  	[hbm4b:s11+s2] =	stream.linear.scatter [tilespmem:s23], [sflag:$0x1], $0x2000, $0x38;
	[tilespmem:$0xAB80] =	vst v63  }
0xa4: {  	s25 =	sadd.s32 $0x1, s25;
	_ =	swait.ge [sflag:s16], $0x2000  }
0xa5: {  	p0 =	sne.s32 s25, s13;
	[sflag:s16] =	ssyncset.done $0x0  }
.Ltmp2:
0xa6: {  	[sflag:s16] =	ssyncadd.s32 $0xFFFFE000;
	(pc) =	sbr.rel @p0 .LBB2_1-.Ltmp2, $4  }
0xa7: {  	[hbm4b:s12+s2] =	stream.linear.scatter [tilespmem:s24], [sflag:$0x1], $0x2800, $0x38;
	[tilespmem:$0xAB80] =	vst v63  }
0xa8: {  	_ =	swait.ge [sflag:s16], $0x2800  }
0xa9: {  	[sflag:s16] =	ssyncset.done $0x0  }
0xaa: {  	[sflag:s16] =	ssyncadd.s32 $0xFFFFD800  }
0xab: {  	_ =	sfence.sel $0x180000  }
0xac: {  	[bflag:$0x0] =	sbarrier.arrive $0xFFFF  }
0xad: {  	_ =	strace $0x90000047  }
0xae: {  	s0 =	stileid.u32;
	[bflag:$0x2] =	sbarrier.arrive $0xFFFF  }
0xaf: {  	p0 =	sne.s32 s0, $0x0;
	s0 =	rddreg [dreg:$0x3]  }
0xb0: {  	s0 =	sadd.s32 @!p0 $0x100000, s0  }
0xb1: {  	[sflag:s0] =	ssyncadd.tile.s32 @!p0 $0x1;
	_ =	shalt  }
.Lfunc_end2:
_tile_overlayer_lowered:
.L_overlay_start_2:
0xb2: {  	(tag) =	ssettag $0x2  }
0xb3: {  	s0 =	rddreg [dreg:$0x0];
	s2 =	stileid.u32  }
0xb4: {  	s1 =	rddreg [dreg:$0x1];
	p0 =	sne.s32 s2, $0x0  }
0xb5: {  	s3 =	rddreg [dreg:$0x2];
	[bflag:$0x3] =	sbarrier.arrive $0xFFFF;
	s2 =	simm.s32 @!p0 $0x1C01  }
0xb6: {  	[timem:s3], [sflag:s2] =	dma.local @!p0 [hbm:s0], s1  }
0xb7: {  	s0 =	simm.s32 @!p0 $0x1  }
0xb8: {  	_ =	swait.ge @!p0 [sflag:s0], s1  }
0xb9: {  	s1 =	ssub.s32 @!p0 $0x0, s1;
	[sflag:s0] =	ssyncset.done @!p0 $0x0  }
0xba: {  	[sflag:s0] =	ssyncadd.s32 @!p0 s1  }
0xbb: {  	[bflag:$0x3] =	sbarrier.arrive $0xFFFF  }
0xbc: {  	_ =	shalt  }

</sc_bundles>
